<compile_context>
chip_gen: v7x
topology: tpu7x:2x2x1
jax: 0.10.2.dev20260603
libtpu: 0.0.44.dev20260713+nightly
codegen_flags: <defaults>
</compile_context>

<pallas_src>
import functools

import jax
import jax.numpy as jnp
from jax import lax
from jax.experimental import pallas as pl
from jax.experimental.pallas import tpu as pltpu
from jax.experimental.pallas import tpu_sc as plsc

HW = 100
D = 128
NW = 32
ROWS_PER_STEP = 4
T = ROWS_PER_STEP * HW
GCHUNK = 80
NG = T // GCHUNK


def _fused_body(ct_ref, pt_ref, wc_ref, wp_ref, b_ref, out_ref):
    cp = lax.dot_general(ct_ref[...], wc_ref[...], (((1,), (1,)), ((), ())),
                         preferred_element_type=jnp.float32)
    pp = lax.dot_general(pt_ref[...], wp_ref[...], (((1,), (1,)), ((), ())),
                         preferred_element_type=jnp.float32)
    pp = pp + b_ref[...]
    acc = cp[:, None, :] + pp[None, :, :]
    out_ref[...] = acc.reshape(10 * HW, D)


def _make_fused(color_table, pos_table, W, b):
    q = color_table.shape[1]
    return pl.pallas_call(
        _fused_body,
        out_shape=jax.ShapeDtypeStruct((10 * HW, D), jnp.float32),
    )(color_table, pos_table, W[:, :q], W[:, q:], b.reshape(1, D))


def _sc_gather(fused, grid_flat):
    n = grid_flat.shape[0]
    n_ex = n // HW
    per_w = n // NW
    ex_per_w = n_ex // NW
    steps = per_w // T
    outer = steps // 2
    mesh = plsc.VectorSubcoreMesh(core_axis_name="c", subcore_axis_name="s")

    @functools.partial(
        pl.kernel,
        out_type=jax.ShapeDtypeStruct((n_ex, HW, D), jnp.float32),
        mesh=mesh,
        scratch_types=[
            pltpu.VMEM((T,), jnp.int32),
            pltpu.VMEM((T,), jnp.int32),
            pltpu.VMEM((NG, GCHUNK), jnp.int32),
            pltpu.VMEM((NG, GCHUNK), jnp.int32),
            pltpu.VMEM((T, D), jnp.float32),
            pltpu.VMEM((T, D), jnp.float32),
            pltpu.SemaphoreType.DMA,
            pltpu.SemaphoreType.DMA,
            pltpu.SemaphoreType.DMA,
            pltpu.SemaphoreType.DMA,
            pltpu.VMEM_SHARED((10 * HW, D), jnp.float32),
        ],
    )
    def sc_fn(fused_hbm, grid_hbm, out_hbm, g0, g1, i0, i1, r0, r1,
              sg0, sg1, ss0, ss1, fused_sh):
        wid = lax.axis_index("c") * (NW // 2) + lax.axis_index("s")
        base = wid * per_w
        lane = lax.broadcasted_iota(jnp.int32, (16,), 0)
        g_v, idx_v, rows_v = (g0, g1), (i0, i1), (r0, r1)
        sg, ss = (sg0, sg1), (ss0, ss1)

        @pl.when(lax.axis_index("s") == 0)
        def _():
            pltpu.sync_copy(fused_hbm, fused_sh)
        plsc.subcore_barrier()

        def load_idx(step, buf):
            off = pl.multiple_of(base + step * T, T)
            pltpu.sync_copy(grid_hbm.at[pl.ds(off, T)], g_v[buf])
            for m in range(T // 16):
                q = m * 16
                p = (q % HW) + lane
                p = jnp.where(p >= HW, p - HW, p)
                v = g_v[buf][pl.ds(q, 16)] * HW + p
                idx_v[buf][q // GCHUNK, pl.ds(q % GCHUNK, 16)] = v

        def fire_gather(buf):
            for j in range(NG):
                pltpu.async_copy(fused_sh.at[idx_v[buf].at[j]],
                                 rows_v[buf].at[pl.ds(j * GCHUNK, GCHUNK)],
                                 sg[buf])

        def wait_gather(buf):
            for j in range(NG):
                pltpu.make_async_copy(
                    fused_hbm.at[pl.ds(0, GCHUNK)],
                    rows_v[buf].at[pl.ds(j * GCHUNK, GCHUNK)],
                    sg[buf]).wait()

        def fire_scatter(step, buf):
            ex = base // HW + step * ROWS_PER_STEP
            for e in range(ROWS_PER_STEP):
                pltpu.async_copy(rows_v[buf].at[pl.ds(e * HW, HW)],
                                 out_hbm.at[ex + e], ss[buf])

        def wait_scatter(buf):
            for e in range(ROWS_PER_STEP):
                pltpu.make_async_copy(rows_v[buf].at[pl.ds(e * HW, HW)],
                                      out_hbm.at[0], ss[buf]).wait()

        load_idx(0, 0)
        fire_gather(0)

        def outer_body(g, carry):
            s0 = 2 * g
            load_idx(s0 + 1, 1)
            wait_gather(0)
            fire_scatter(s0, 0)
            @pl.when(g > 0)
            def _():
                wait_scatter(1)
            fire_gather(1)
            @pl.when(g < outer - 1)
            def _():
                load_idx(s0 + 2, 0)
            wait_gather(1)
            fire_scatter(s0 + 1, 1)
            wait_scatter(0)
            @pl.when(g < outer - 1)
            def _():
                fire_gather(0)
            return carry

        lax.fori_loop(0, outer, outer_body, 0)
        wait_scatter(1)

    return sc_fn(fused, grid_flat)


def kernel(grid, color_table, pos_table, W, b):
    batch, height, width = grid.shape
    fused = _make_fused(color_table, pos_table, W, b)
    flat = grid.reshape(-1).astype(jnp.int32)
    return _sc_gather(fused, flat)

# --- scband reference (transcript-rebuilt; emitter-appended) ---
"""Pipeline reference for scband-grid-encoder-54863912239484 (READ-ONLY COPY).

The authoritative reference and input builder live on the scoring server;
editing this copy changes nothing except your own understanding.
"""

import jax, jax.numpy as jnp
import numpy as np

HIDDEN_DIM = 128
BATCH = 4096
HEIGHT = 10
WIDTH = 10


def setup_inputs(seed: int = 0) -> dict:
    key = jax.random.key(seed)
    k_grid, k_color, k_pos, k_w, k_b = jax.random.split(key, 5)
    grid = jax.random.randint(k_grid, (BATCH, HEIGHT, WIDTH), 0, 10, dtype=jnp.int64 if jax.config.jax_enable_x64 else jnp.int32)
    quarter = HIDDEN_DIM // 4
    half = HIDDEN_DIM // 2
    color_table = jax.random.normal(k_color, (10, quarter), dtype=jnp.float32)
    pos_table = jax.random.normal(k_pos, (100, quarter), dtype=jnp.float32)
    # torch nn.Linear: weight [out, in], bias [out]
    bound = 1.0 / np.sqrt(half)
    W = jax.random.uniform(k_w, (HIDDEN_DIM, half), minval=-bound, maxval=bound, dtype=jnp.float32)
    b = jax.random.uniform(k_b, (HIDDEN_DIM,), minval=-bound, maxval=bound, dtype=jnp.float32)
    return {"grid": grid, "color_table": color_table, "pos_table": pos_table, "W": W, "b": b}


def reference(grid, color_table, pos_table, W, b):
    batch_size, height, width = grid.shape
    flat_grid = grid.reshape(batch_size, -1)                     # [B, H*W]
    positions = jnp.arange(height * width, dtype=flat_grid.dtype)
    positions = jnp.broadcast_to(positions[None, :], (batch_size, height * width))
    color_emb = jnp.take(color_table, flat_grid, axis=0)         # [B, H*W, hd//4]
    pos_emb = jnp.take(pos_table, positions, axis=0)             # [B, H*W, hd//4]
    combined = jnp.concatenate([color_emb, pos_emb], axis=-1)    # [B, H*W, hd//2]
    encoded = combined @ W.T + b                                 # [B, H*W, hd]
    return encoded

if __name__ == "__main__":
    import jax
    _d = setup_inputs()
    print(jax.jit(kernel)(*tuple(_d.values())))

</pallas_src>

<mosaic_0001>
#map = affine_map<(d0, d1) -> (0, 0)>
#map1 = affine_map<(d0, d1) -> (0)>
#map2 = affine_map<(d0, d1) -> (0, 0, 0)>
module attributes {stable_mosaic.version = 14 : i64} {
  func.func @sc_fn(%arg0: i32, %arg1: i32, %arg2: memref<1000x128xf32, #tpu.memory_space<hbm>>, %arg3: memref<409600xi32, #tpu.memory_space<hbm>>, %arg4: memref<4096x100x128xf32, #tpu.memory_space<hbm>>, %arg5: memref<400xi32, #tpu.memory_space<vmem>>, %arg6: memref<400xi32, #tpu.memory_space<vmem>>, %arg7: memref<5x80xi32, #tpu.memory_space<vmem>>, %arg8: memref<5x80xi32, #tpu.memory_space<vmem>>, %arg9: memref<400x128xf32, #tpu.memory_space<vmem>>, %arg10: memref<400x128xf32, #tpu.memory_space<vmem>>, %arg11: memref<!tpu.dma_semaphore, #tpu.memory_space<semaphore_mem>>, %arg12: memref<!tpu.dma_semaphore, #tpu.memory_space<semaphore_mem>>, %arg13: memref<!tpu.dma_semaphore, #tpu.memory_space<semaphore_mem>>, %arg14: memref<!tpu.dma_semaphore, #tpu.memory_space<semaphore_mem>>, %arg15: memref<1000x128xf32, #tpu.memory_space<vmem_shared>>) attributes {dimension_semantics = [#tpu.dimension_semantics<core_parallel>, #tpu.dimension_semantics<subcore_parallel>], iteration_bounds = array<i64: 2, 16>, scalar_prefetch = 0 : i64, scratch_operands = 11 : i64, tpu.core_type = #tpu.core_type<sc_vector_subcore>, window_params = [{transform_indices = #map}, {transform_indices = #map1}, {transform_indices = #map2}]} {
    %mul3A = arith.constant 16 : i32
    %mul3A_0 = arith.muli %arg0, %mul3A : i32
    %add3A = arith.addi %mul3A_0, %arg1 : i32
    %mul3A_1 = arith.constant 12800 : i32
    %mul3A_2 = arith.muli %add3A, %mul3A_1 : i32
    %iota3A = tpu.iota {dimensions = array<i32: 0>} : vector<16xi32>
    %eq3A = arith.constant 0 : i32
    %eq3A_3 = arith.cmpi eq, %arg1, %eq3A : i32
    %convert_element_type3A = arith.extui %eq3A_3 : i1 to i32
    %cond3A = arith.constant 0 : i32
    %cond3A_4 = arith.cmpi ne, %convert_element_type3A, %cond3A : i32
    scf.if %cond3A_4 {
      "tpu.region"() ({
        %run_scoped3A = tpu.sem_alloc : memref<!tpu.dma_semaphore, #tpu.memory_space<semaphore_mem>>
        tpu.enqueue_dma source(%arg2 : memref<1000x128xf32, #tpu.memory_space<hbm>>) target(%arg15 : memref<1000x128xf32, #tpu.memory_space<vmem_shared>>) target_semaphore(%run_scoped3A : memref<!tpu.dma_semaphore, #tpu.memory_space<semaphore_mem>>)
        tpu.wait_dma2 semaphore(%run_scoped3A : memref<!tpu.dma_semaphore, #tpu.memory_space<semaphore_mem>>) src(%arg2 : memref<1000x128xf32, #tpu.memory_space<hbm>>) dst(%arg15 : memref<1000x128xf32, #tpu.memory_space<vmem_shared>>)
        tpu.yield
      }) : () -> ()
    } else {
    }
    %barrier3A = arith.constant 0 : index
    tpu.barrier barrier_id(%barrier3A)
    %add3A_5 = arith.constant 0 : i32
    %add3A_6 = arith.addi %mul3A_2, %add3A_5 : i32
    %multiple_of3A = tpu.assume_multiple %add3A_6, 400 : i32
    "tpu.region"() ({
      %run_scoped3A = tpu.sem_alloc : memref<!tpu.dma_semaphore, #tpu.memory_space<semaphore_mem>>
      %dma_start3A_690 = tpu.memref_slice %arg3[%multiple_of3A] : memref<409600xi32, #tpu.memory_space<hbm>> -> memref<400xi32, #tpu.memory_space<hbm>>
      %dma_start3A_691 = tpu.memref_slice %arg3[%multiple_of3A] : memref<409600xi32, #tpu.memory_space<hbm>> -> memref<400xi32, #tpu.memory_space<hbm>>
      tpu.enqueue_dma source(%dma_start3A_691 : memref<400xi32, #tpu.memory_space<hbm>>) target(%arg5 : memref<400xi32, #tpu.memory_space<vmem>>) target_semaphore(%run_scoped3A : memref<!tpu.dma_semaphore, #tpu.memory_space<semaphore_mem>>)
      %dma_wait3A_692 = tpu.memref_slice %arg3[%multiple_of3A] : memref<409600xi32, #tpu.memory_space<hbm>> -> memref<400xi32, #tpu.memory_space<hbm>>
      %dma_wait3A_693 = tpu.memref_slice %arg3[%multiple_of3A] : memref<409600xi32, #tpu.memory_space<hbm>> -> memref<400xi32, #tpu.memory_space<hbm>>
      tpu.wait_dma2 semaphore(%run_scoped3A : memref<!tpu.dma_semaphore, #tpu.memory_space<semaphore_mem>>) src(%dma_wait3A_693 : memref<400xi32, #tpu.memory_space<hbm>>) dst(%arg5 : memref<400xi32, #tpu.memory_space<vmem>>)
      tpu.yield
    }) : () -> ()
    %add3A_7 = arith.constant 0 : i32
    %add3A_8 = vector.broadcast %add3A_7 : i32 to vector<16xi32>
    %add3A_9 = arith.addi %add3A_8, %iota3A : vector<16xi32>
    %ge3A = arith.constant 100 : i32
    %ge3A_10 = vector.broadcast %ge3A : i32 to vector<16xi32>
    %ge3A_11 = arith.cmpi sge, %add3A_9, %ge3A_10 : vector<16xi32>
    %sub3A = arith.constant 100 : i32
    %sub3A_12 = vector.broadcast %sub3A : i32 to vector<16xi32>
    %sub3A_13 = arith.subi %add3A_9, %sub3A_12 : vector<16xi32>
    %select_n3A = arith.select %ge3A_11, %sub3A_13, %add3A_9 : vector<16xi1>, vector<16xi32>
    %get3A = arith.constant 0 : index
    %get3A_14 = tpu.vector_load %arg5[%get3A] {strides = array<i32>} : memref<400xi32, #tpu.memory_space<vmem>>, vector<16xi32>,
    %get3A_15 = vector.shape_cast %get3A_14 : vector<16xi32> to vector<16xi32>
    %mul3A_16 = arith.constant 100 : i32
    %mul3A_17 = vector.broadcast %mul3A_16 : i32 to vector<16xi32>
    %mul3A_18 = arith.muli %get3A_15, %mul3A_17 : vector<16xi32>
    %add3A_19 = arith.addi %mul3A_18, %select_n3A : vector<16xi32>
    %swap3A = arith.constant 0 : i32
    %swap3A_20 = arith.index_cast %swap3A : i32 to index
    %swap3A_21 = arith.constant 0 : index
    %swap3A_22 = tpu.vector_load %arg7[%swap3A_20, %swap3A_21] {strides = array<i32>} : memref<5x80xi32, #tpu.memory_space<vmem>>, vector<1x16xi32>,
    %swap3A_23 = vector.shape_cast %swap3A_22 : vector<1x16xi32> to vector<16xi32>
    %swap3A_24 = vector.shape_cast %add3A_19 : vector<16xi32> to vector<1x16xi32>
    tpu.vector_store %arg7[%swap3A_20, %swap3A_21], %swap3A_24 {strides = array<i32>} : memref<5x80xi32, #tpu.memory_space<vmem>>, vector<1x16xi32>,
    %add3A_25 = arith.constant 16 : i32
    %add3A_26 = vector.broadcast %add3A_25 : i32 to vector<16xi32>
    %add3A_27 = arith.addi %add3A_26, %iota3A : vector<16xi32>
    %ge3A_28 = arith.constant 100 : i32
    %ge3A_29 = vector.broadcast %ge3A_28 : i32 to vector<16xi32>
    %ge3A_30 = arith.cmpi sge, %add3A_27, %ge3A_29 : vector<16xi32>
    %sub3A_31 = arith.constant 100 : i32
    %sub3A_32 = vector.broadcast %sub3A_31 : i32 to vector<16xi32>
    %sub3A_33 = arith.subi %add3A_27, %sub3A_32 : vector<16xi32>
    %select_n3A_34 = arith.select %ge3A_30, %sub3A_33, %add3A_27 : vector<16xi1>, vector<16xi32>
    %get3A_35 = arith.constant 16 : index
    %get3A_36 = tpu.vector_load %arg5[%get3A_35] {strides = array<i32>} : memref<400xi32, #tpu.memory_space<vmem>>, vector<16xi32>,
    %get3A_37 = vector.shape_cast %get3A_36 : vector<16xi32> to vector<16xi32>
    %mul3A_38 = arith.constant 100 : i32
    %mul3A_39 = vector.broadcast %mul3A_38 : i32 to vector<16xi32>
    %mul3A_40 = arith.muli %get3A_37, %mul3A_39 : vector<16xi32>
    %add3A_41 = arith.addi %mul3A_40, %select_n3A_34 : vector<16xi32>
    %swap3A_42 = arith.constant 0 : i32
    %swap3A_43 = arith.index_cast %swap3A_42 : i32 to index
    %swap3A_44 = arith.constant 16 : index
    %swap3A_45 = tpu.vector_load %arg7[%swap3A_43, %swap3A_44] {strides = array<i32>} : memref<5x80xi32, #tpu.memory_space<vmem>>, vector<1x16xi32>,
    %swap3A_46 = vector.shape_cast %swap3A_45 : vector<1x16xi32> to vector<16xi32>
    %swap3A_47 = vector.shape_cast %add3A_41 : vector<16xi32> to vector<1x16xi32>
    tpu.vector_store %arg7[%swap3A_43, %swap3A_44], %swap3A_47 {strides = array<i32>} : memref<5x80xi32, #tpu.memory_space<vmem>>, vector<1x16xi32>,
    %add3A_48 = arith.constant 32 : i32
    %add3A_49 = vector.broadcast %add3A_48 : i32 to vector<16xi32>
    %add3A_50 = arith.addi %add3A_49, %iota3A : vector<16xi32>
    %ge3A_51 = arith.constant 100 : i32
    %ge3A_52 = vector.broadcast %ge3A_51 : i32 to vector<16xi32>
    %ge3A_53 = arith.cmpi sge, %add3A_50, %ge3A_52 : vector<16xi32>
    %sub3A_54 = arith.constant 100 : i32
    %sub3A_55 = vector.broadcast %sub3A_54 : i32 to vector<16xi32>
    %sub3A_56 = arith.subi %add3A_50, %sub3A_55 : vector<16xi32>
    %select_n3A_57 = arith.select %ge3A_53, %sub3A_56, %add3A_50 : vector<16xi1>, vector<16xi32>
    %get3A_58 = arith.constant 32 : index
    %get3A_59 = tpu.vector_load %arg5[%get3A_58] {strides = array<i32>} : memref<400xi32, #tpu.memory_space<vmem>>, vector<16xi32>,
    %get3A_60 = vector.shape_cast %get3A_59 : vector<16xi32> to vector<16xi32>
    %mul3A_61 = arith.constant 100 : i32
    %mul3A_62 = vector.broadcast %mul3A_61 : i32 to vector<16xi32>
    %mul3A_63 = arith.muli %get3A_60, %mul3A_62 : vector<16xi32>
    %add3A_64 = arith.addi %mul3A_63, %select_n3A_57 : vector<16xi32>
    %swap3A_65 = arith.constant 0 : i32
    %swap3A_66 = arith.index_cast %swap3A_65 : i32 to index
    %swap3A_67 = arith.constant 32 : index
    %swap3A_68 = tpu.vector_load %arg7[%swap3A_66, %swap3A_67] {strides = array<i32>} : memref<5x80xi32, #tpu.memory_space<vmem>>, vector<1x16xi32>,
    %swap3A_69 = vector.shape_cast %swap3A_68 : vector<1x16xi32> to vector<16xi32>
    %swap3A_70 = vector.shape_cast %add3A_64 : vector<16xi32> to vector<1x16xi32>
    tpu.vector_store %arg7[%swap3A_66, %swap3A_67], %swap3A_70 {strides = array<i32>} : memref<5x80xi32, #tpu.memory_space<vmem>>, vector<1x16xi32>,
    %add3A_71 = arith.constant 48 : i32
    %add3A_72 = vector.broadcast %add3A_71 : i32 to vector<16xi32>
    %add3A_73 = arith.addi %add3A_72, %iota3A : vector<16xi32>
    %ge3A_74 = arith.constant 100 : i32
    %ge3A_75 = vector.broadcast %ge3A_74 : i32 to vector<16xi32>
    %ge3A_76 = arith.cmpi sge, %add3A_73, %ge3A_75 : vector<16xi32>
    %sub3A_77 = arith.constant 100 : i32
    %sub3A_78 = vector.broadcast %sub3A_77 : i32 to vector<16xi32>
    %sub3A_79 = arith.subi %add3A_73, %sub3A_78 : vector<16xi32>
    %select_n3A_80 = arith.select %ge3A_76, %sub3A_79, %add3A_73 : vector<16xi1>, vector<16xi32>
    %get3A_81 = arith.constant 48 : index
    %get3A_82 = tpu.vector_load %arg5[%get3A_81] {strides = array<i32>} : memref<400xi32, #tpu.memory_space<vmem>>, vector<16xi32>,
    %get3A_83 = vector.shape_cast %get3A_82 : vector<16xi32> to vector<16xi32>
    %mul3A_84 = arith.constant 100 : i32
    %mul3A_85 = vector.broadcast %mul3A_84 : i32 to vector<16xi32>
    %mul3A_86 = arith.muli %get3A_83, %mul3A_85 : vector<16xi32>
    %add3A_87 = arith.addi %mul3A_86, %select_n3A_80 : vector<16xi32>
    %swap3A_88 = arith.constant 0 : i32
    %swap3A_89 = arith.index_cast %swap3A_88 : i32 to index
    %swap3A_90 = arith.constant 48 : index
    %swap3A_91 = tpu.vector_load %arg7[%swap3A_89, %swap3A_90] {strides = array<i32>} : memref<5x80xi32, #tpu.memory_space<vmem>>, vector<1x16xi32>,
    %swap3A_92 = vector.shape_cast %swap3A_91 : vector<1x16xi32> to vector<16xi32>
    %swap3A_93 = vector.shape_cast %add3A_87 : vector<16xi32> to vector<1x16xi32>
    tpu.vector_store %arg7[%swap3A_89, %swap3A_90], %swap3A_93 {strides = array<i32>} : memref<5x80xi32, #tpu.memory_space<vmem>>, vector<1x16xi32>,
    %add3A_94 = arith.constant 64 : i32
    %add3A_95 = vector.broadcast %add3A_94 : i32 to vector<16xi32>
    %add3A_96 = arith.addi %add3A_95, %iota3A : vector<16xi32>
    %ge3A_97 = arith.constant 100 : i32
    %ge3A_98 = vector.broadcast %ge3A_97 : i32 to vector<16xi32>
    %ge3A_99 = arith.cmpi sge, %add3A_96, %ge3A_98 : vector<16xi32>
    %sub3A_100 = arith.constant 100 : i32
    %sub3A_101 = vector.broadcast %sub3A_100 : i32 to vector<16xi32>
    %sub3A_102 = arith.subi %add3A_96, %sub3A_101 : vector<16xi32>
    %select_n3A_103 = arith.select %ge3A_99, %sub3A_102, %add3A_96 : vector<16xi1>, vector<16xi32>
    %get3A_104 = arith.constant 64 : index
    %get3A_105 = tpu.vector_load %arg5[%get3A_104] {strides = array<i32>} : memref<400xi32, #tpu.memory_space<vmem>>, vector<16xi32>,
    %get3A_106 = vector.shape_cast %get3A_105 : vector<16xi32> to vector<16xi32>
    %mul3A_107 = arith.constant 100 : i32
    %mul3A_108 = vector.broadcast %mul3A_107 : i32 to vector<16xi32>
    %mul3A_109 = arith.muli %get3A_106, %mul3A_108 : vector<16xi32>
    %add3A_110 = arith.addi %mul3A_109, %select_n3A_103 : vector<16xi32>
    %swap3A_111 = arith.constant 0 : i32
    %swap3A_112 = arith.index_cast %swap3A_111 : i32 to index
    %swap3A_113 = arith.constant 64 : index
    %swap3A_114 = tpu.vector_load %arg7[%swap3A_112, %swap3A_113] {strides = array<i32>} : memref<5x80xi32, #tpu.memory_space<vmem>>, vector<1x16xi32>,
    %swap3A_115 = vector.shape_cast %swap3A_114 : vector<1x16xi32> to vector<16xi32>
    %swap3A_116 = vector.shape_cast %add3A_110 : vector<16xi32> to vector<1x16xi32>
    tpu.vector_store %arg7[%swap3A_112, %swap3A_113], %swap3A_116 {strides = array<i32>} : memref<5x80xi32, #tpu.memory_space<vmem>>, vector<1x16xi32>,
    %add3A_117 = arith.constant 80 : i32
    %add3A_118 = vector.broadcast %add3A_117 : i32 to vector<16xi32>
    %add3A_119 = arith.addi %add3A_118, %iota3A : vector<16xi32>
    %ge3A_120 = arith.constant 100 : i32
    %ge3A_121 = vector.broadcast %ge3A_120 : i32 to vector<16xi32>
    %ge3A_122 = arith.cmpi sge, %add3A_119, %ge3A_121 : vector<16xi32>
    %sub3A_123 = arith.constant 100 : i32
    %sub3A_124 = vector.broadcast %sub3A_123 : i32 to vector<16xi32>
    %sub3A_125 = arith.subi %add3A_119, %sub3A_124 : vector<16xi32>
    %select_n3A_126 = arith.select %ge3A_122, %sub3A_125, %add3A_119 : vector<16xi1>, vector<16xi32>
    %get3A_127 = arith.constant 80 : index
    %get3A_128 = tpu.vector_load %arg5[%get3A_127] {strides = array<i32>} : memref<400xi32, #tpu.memory_space<vmem>>, vector<16xi32>,
    %get3A_129 = vector.shape_cast %get3A_128 : vector<16xi32> to vector<16xi32>
    %mul3A_130 = arith.constant 100 : i32
    %mul3A_131 = vector.broadcast %mul3A_130 : i32 to vector<16xi32>
    %mul3A_132 = arith.muli %get3A_129, %mul3A_131 : vector<16xi32>
    %add3A_133 = arith.addi %mul3A_132, %select_n3A_126 : vector<16xi32>
    %swap3A_134 = arith.constant 1 : i32
    %swap3A_135 = arith.index_cast %swap3A_134 : i32 to index
    %swap3A_136 = arith.constant 0 : index
    %swap3A_137 = tpu.vector_load %arg7[%swap3A_135, %swap3A_136] {strides = array<i32>} : memref<5x80xi32, #tpu.memory_space<vmem>>, vector<1x16xi32>,
    %swap3A_138 = vector.shape_cast %swap3A_137 : vector<1x16xi32> to vector<16xi32>
    %swap3A_139 = vector.shape_cast %add3A_133 : vector<16xi32> to vector<1x16xi32>
    tpu.vector_store %arg7[%swap3A_135, %swap3A_136], %swap3A_139 {strides = array<i32>} : memref<5x80xi32, #tpu.memory_space<vmem>>, vector<1x16xi32>,
    %add3A_140 = arith.constant 96 : i32
    %add3A_141 = vector.broadcast %add3A_140 : i32 to vector<16xi32>
    %add3A_142 = arith.addi %add3A_141, %iota3A : vector<16xi32>
    %ge3A_143 = arith.constant 100 : i32
    %ge3A_144 = vector.broadcast %ge3A_143 : i32 to vector<16xi32>
    %ge3A_145 = arith.cmpi sge, %add3A_142, %ge3A_144 : vector<16xi32>
    %sub3A_146 = arith.constant 100 : i32
    %sub3A_147 = vector.broadcast %sub3A_146 : i32 to vector<16xi32>
    %sub3A_148 = arith.subi %add3A_142, %sub3A_147 : vector<16xi32>
    %select_n3A_149 = arith.select %ge3A_145, %sub3A_148, %add3A_142 : vector<16xi1>, vector<16xi32>
    %get3A_150 = arith.constant 96 : index
    %get3A_151 = tpu.vector_load %arg5[%get3A_150] {strides = array<i32>} : memref<400xi32, #tpu.memory_space<vmem>>, vector<16xi32>,
    %get3A_152 = vector.shape_cast %get3A_151 : vector<16xi32> to vector<16xi32>
    %mul3A_153 = arith.constant 100 : i32
    %mul3A_154 = vector.broadcast %mul3A_153 : i32 to vector<16xi32>
    %mul3A_155 = arith.muli %get3A_152, %mul3A_154 : vector<16xi32>
    %add3A_156 = arith.addi %mul3A_155, %select_n3A_149 : vector<16xi32>
    %swap3A_157 = arith.constant 1 : i32
    %swap3A_158 = arith.index_cast %swap3A_157 : i32 to index
    %swap3A_159 = arith.constant 16 : index
    %swap3A_160 = tpu.vector_load %arg7[%swap3A_158, %swap3A_159] {strides = array<i32>} : memref<5x80xi32, #tpu.memory_space<vmem>>, vector<1x16xi32>,
    %swap3A_161 = vector.shape_cast %swap3A_160 : vector<1x16xi32> to vector<16xi32>
    %swap3A_162 = vector.shape_cast %add3A_156 : vector<16xi32> to vector<1x16xi32>
    tpu.vector_store %arg7[%swap3A_158, %swap3A_159], %swap3A_162 {strides = array<i32>} : memref<5x80xi32, #tpu.memory_space<vmem>>, vector<1x16xi32>,
    %add3A_163 = arith.constant 12 : i32
    %add3A_164 = vector.broadcast %add3A_163 : i32 to vector<16xi32>
    %add3A_165 = arith.addi %add3A_164, %iota3A : vector<16xi32>
    %ge3A_166 = arith.constant 100 : i32
    %ge3A_167 = vector.broadcast %ge3A_166 : i32 to vector<16xi32>
    %ge3A_168 = arith.cmpi sge, %add3A_165, %ge3A_167 : vector<16xi32>
    %sub3A_169 = arith.constant 100 : i32
    %sub3A_170 = vector.broadcast %sub3A_169 : i32 to vector<16xi32>
    %sub3A_171 = arith.subi %add3A_165, %sub3A_170 : vector<16xi32>
    %select_n3A_172 = arith.select %ge3A_168, %sub3A_171, %add3A_165 : vector<16xi1>, vector<16xi32>
    %get3A_173 = arith.constant 112 : index
    %get3A_174 = tpu.vector_load %arg5[%get3A_173] {strides = array<i32>} : memref<400xi32, #tpu.memory_space<vmem>>, vector<16xi32>,
    %get3A_175 = vector.shape_cast %get3A_174 : vector<16xi32> to vector<16xi32>
    %mul3A_176 = arith.constant 100 : i32
    %mul3A_177 = vector.broadcast %mul3A_176 : i32 to vector<16xi32>
    %mul3A_178 = arith.muli %get3A_175, %mul3A_177 : vector<16xi32>
    %add3A_179 = arith.addi %mul3A_178, %select_n3A_172 : vector<16xi32>
    %swap3A_180 = arith.constant 1 : i32
    %swap3A_181 = arith.index_cast %swap3A_180 : i32 to index
    %swap3A_182 = arith.constant 32 : index
    %swap3A_183 = tpu.vector_load %arg7[%swap3A_181, %swap3A_182] {strides = array<i32>} : memref<5x80xi32, #tpu.memory_space<vmem>>, vector<1x16xi32>,
    %swap3A_184 = vector.shape_cast %swap3A_183 : vector<1x16xi32> to vector<16xi32>
    %swap3A_185 = vector.shape_cast %add3A_179 : vector<16xi32> to vector<1x16xi32>
    tpu.vector_store %arg7[%swap3A_181, %swap3A_182], %swap3A_185 {strides = array<i32>} : memref<5x80xi32, #tpu.memory_space<vmem>>, vector<1x16xi32>,
    %add3A_186 = arith.constant 28 : i32
    %add3A_187 = vector.broadcast %add3A_186 : i32 to vector<16xi32>
    %add3A_188 = arith.addi %add3A_187, %iota3A : vector<16xi32>
    %ge3A_189 = arith.constant 100 : i32
    %ge3A_190 = vector.broadcast %ge3A_189 : i32 to vector<16xi32>
    %ge3A_191 = arith.cmpi sge, %add3A_188, %ge3A_190 : vector<16xi32>
    %sub3A_192 = arith.constant 100 : i32
    %sub3A_193 = vector.broadcast %sub3A_192 : i32 to vector<16xi32>
    %sub3A_194 = arith.subi %add3A_188, %sub3A_193 : vector<16xi32>
    %select_n3A_195 = arith.select %ge3A_191, %sub3A_194, %add3A_188 : vector<16xi1>, vector<16xi32>
    %get3A_196 = arith.constant 128 : index
    %get3A_197 = tpu.vector_load %arg5[%get3A_196] {strides = array<i32>} : memref<400xi32, #tpu.memory_space<vmem>>, vector<16xi32>,
    %get3A_198 = vector.shape_cast %get3A_197 : vector<16xi32> to vector<16xi32>
    %mul3A_199 = arith.constant 100 : i32
    %mul3A_200 = vector.broadcast %mul3A_199 : i32 to vector<16xi32>
    %mul3A_201 = arith.muli %get3A_198, %mul3A_200 : vector<16xi32>
    %add3A_202 = arith.addi %mul3A_201, %select_n3A_195 : vector<16xi32>
    %swap3A_203 = arith.constant 1 : i32
    %swap3A_204 = arith.index_cast %swap3A_203 : i32 to index
    %swap3A_205 = arith.constant 48 : index
    %swap3A_206 = tpu.vector_load %arg7[%swap3A_204, %swap3A_205] {strides = array<i32>} : memref<5x80xi32, #tpu.memory_space<vmem>>, vector<1x16xi32>,
    %swap3A_207 = vector.shape_cast %swap3A_206 : vector<1x16xi32> to vector<16xi32>
    %swap3A_208 = vector.shape_cast %add3A_202 : vector<16xi32> to vector<1x16xi32>
    tpu.vector_store %arg7[%swap3A_204, %swap3A_205], %swap3A_208 {strides = array<i32>} : memref<5x80xi32, #tpu.memory_space<vmem>>, vector<1x16xi32>,
    %add3A_209 = arith.constant 44 : i32
    %add3A_210 = vector.broadcast %add3A_209 : i32 to vector<16xi32>
    %add3A_211 = arith.addi %add3A_210, %iota3A : vector<16xi32>
    %ge3A_212 = arith.constant 100 : i32
    %ge3A_213 = vector.broadcast %ge3A_212 : i32 to vector<16xi32>
    %ge3A_214 = arith.cmpi sge, %add3A_211, %ge3A_213 : vector<16xi32>
    %sub3A_215 = arith.constant 100 : i32
    %sub3A_216 = vector.broadcast %sub3A_215 : i32 to vector<16xi32>
    %sub3A_217 = arith.subi %add3A_211, %sub3A_216 : vector<16xi32>
    %select_n3A_218 = arith.select %ge3A_214, %sub3A_217, %add3A_211 : vector<16xi1>, vector<16xi32>
    %get3A_219 = arith.constant 144 : index
    %get3A_220 = tpu.vector_load %arg5[%get3A_219] {strides = array<i32>} : memref<400xi32, #tpu.memory_space<vmem>>, vector<16xi32>,
    %get3A_221 = vector.shape_cast %get3A_220 : vector<16xi32> to vector<16xi32>
    %mul3A_222 = arith.constant 100 : i32
    %mul3A_223 = vector.broadcast %mul3A_222 : i32 to vector<16xi32>
    %mul3A_224 = arith.muli %get3A_221, %mul3A_223 : vector<16xi32>
    %add3A_225 = arith.addi %mul3A_224, %select_n3A_218 : vector<16xi32>
    %swap3A_226 = arith.constant 1 : i32
    %swap3A_227 = arith.index_cast %swap3A_226 : i32 to index
    %swap3A_228 = arith.constant 64 : index
    %swap3A_229 = tpu.vector_load %arg7[%swap3A_227, %swap3A_228] {strides = array<i32>} : memref<5x80xi32, #tpu.memory_space<vmem>>, vector<1x16xi32>,
    %swap3A_230 = vector.shape_cast %swap3A_229 : vector<1x16xi32> to vector<16xi32>
    %swap3A_231 = vector.shape_cast %add3A_225 : vector<16xi32> to vector<1x16xi32>
    tpu.vector_store %arg7[%swap3A_227, %swap3A_228], %swap3A_231 {strides = array<i32>} : memref<5x80xi32, #tpu.memory_space<vmem>>, vector<1x16xi32>,
    %add3A_232 = arith.constant 60 : i32
    %add3A_233 = vector.broadcast %add3A_232 : i32 to vector<16xi32>
    %add3A_234 = arith.addi %add3A_233, %iota3A : vector<16xi32>
    %ge3A_235 = arith.constant 100 : i32
    %ge3A_236 = vector.broadcast %ge3A_235 : i32 to vector<16xi32>
    %ge3A_237 = arith.cmpi sge, %add3A_234, %ge3A_236 : vector<16xi32>
    %sub3A_238 = arith.constant 100 : i32
    %sub3A_239 = vector.broadcast %sub3A_238 : i32 to vector<16xi32>
    %sub3A_240 = arith.subi %add3A_234, %sub3A_239 : vector<16xi32>
    %select_n3A_241 = arith.select %ge3A_237, %sub3A_240, %add3A_234 : vector<16xi1>, vector<16xi32>
    %get3A_242 = arith.constant 160 : index
    %get3A_243 = tpu.vector_load %arg5[%get3A_242] {strides = array<i32>} : memref<400xi32, #tpu.memory_space<vmem>>, vector<16xi32>,
    %get3A_244 = vector.shape_cast %get3A_243 : vector<16xi32> to vector<16xi32>
    %mul3A_245 = arith.constant 100 : i32
    %mul3A_246 = vector.broadcast %mul3A_245 : i32 to vector<16xi32>
    %mul3A_247 = arith.muli %get3A_244, %mul3A_246 : vector<16xi32>
    %add3A_248 = arith.addi %mul3A_247, %select_n3A_241 : vector<16xi32>
    %swap3A_249 = arith.constant 2 : i32
    %swap3A_250 = arith.index_cast %swap3A_249 : i32 to index
    %swap3A_251 = arith.constant 0 : index
    %swap3A_252 = tpu.vector_load %arg7[%swap3A_250, %swap3A_251] {strides = array<i32>} : memref<5x80xi32, #tpu.memory_space<vmem>>, vector<1x16xi32>,
    %swap3A_253 = vector.shape_cast %swap3A_252 : vector<1x16xi32> to vector<16xi32>
    %swap3A_254 = vector.shape_cast %add3A_248 : vector<16xi32> to vector<1x16xi32>
    tpu.vector_store %arg7[%swap3A_250, %swap3A_251], %swap3A_254 {strides = array<i32>} : memref<5x80xi32, #tpu.memory_space<vmem>>, vector<1x16xi32>,
    %add3A_255 = arith.constant 76 : i32
    %add3A_256 = vector.broadcast %add3A_255 : i32 to vector<16xi32>
    %add3A_257 = arith.addi %add3A_256, %iota3A : vector<16xi32>
    %ge3A_258 = arith.constant 100 : i32
    %ge3A_259 = vector.broadcast %ge3A_258 : i32 to vector<16xi32>
    %ge3A_260 = arith.cmpi sge, %add3A_257, %ge3A_259 : vector<16xi32>
    %sub3A_261 = arith.constant 100 : i32
    %sub3A_262 = vector.broadcast %sub3A_261 : i32 to vector<16xi32>
    %sub3A_263 = arith.subi %add3A_257, %sub3A_262 : vector<16xi32>
    %select_n3A_264 = arith.select %ge3A_260, %sub3A_263, %add3A_257 : vector<16xi1>, vector<16xi32>
    %get3A_265 = arith.constant 176 : index
    %get3A_266 = tpu.vector_load %arg5[%get3A_265] {strides = array<i32>} : memref<400xi32, #tpu.memory_space<vmem>>, vector<16xi32>,
    %get3A_267 = vector.shape_cast %get3A_266 : vector<16xi32> to vector<16xi32>
    %mul3A_268 = arith.constant 100 : i32
    %mul3A_269 = vector.broadcast %mul3A_268 : i32 to vector<16xi32>
    %mul3A_270 = arith.muli %get3A_267, %mul3A_269 : vector<16xi32>
    %add3A_271 = arith.addi %mul3A_270, %select_n3A_264 : vector<16xi32>
    %swap3A_272 = arith.constant 2 : i32
    %swap3A_273 = arith.index_cast %swap3A_272 : i32 to index
    %swap3A_274 = arith.constant 16 : index
    %swap3A_275 = tpu.vector_load %arg7[%swap3A_273, %swap3A_274] {strides = array<i32>} : memref<5x80xi32, #tpu.memory_space<vmem>>, vector<1x16xi32>,
    %swap3A_276 = vector.shape_cast %swap3A_275 : vector<1x16xi32> to vector<16xi32>
    %swap3A_277 = vector.shape_cast %add3A_271 : vector<16xi32> to vector<1x16xi32>
    tpu.vector_store %arg7[%swap3A_273, %swap3A_274], %swap3A_277 {strides = array<i32>} : memref<5x80xi32, #tpu.memory_space<vmem>>, vector<1x16xi32>,
    %add3A_278 = arith.constant 92 : i32
    %add3A_279 = vector.broadcast %add3A_278 : i32 to vector<16xi32>
    %add3A_280 = arith.addi %add3A_279, %iota3A : vector<16xi32>
    %ge3A_281 = arith.constant 100 : i32
    %ge3A_282 = vector.broadcast %ge3A_281 : i32 to vector<16xi32>
    %ge3A_283 = arith.cmpi sge, %add3A_280, %ge3A_282 : vector<16xi32>
    %sub3A_284 = arith.constant 100 : i32
    %sub3A_285 = vector.broadcast %sub3A_284 : i32 to vector<16xi32>
    %sub3A_286 = arith.subi %add3A_280, %sub3A_285 : vector<16xi32>
    %select_n3A_287 = arith.select %ge3A_283, %sub3A_286, %add3A_280 : vector<16xi1>, vector<16xi32>
    %get3A_288 = arith.constant 192 : index
    %get3A_289 = tpu.vector_load %arg5[%get3A_288] {strides = array<i32>} : memref<400xi32, #tpu.memory_space<vmem>>, vector<16xi32>,
    %get3A_290 = vector.shape_cast %get3A_289 : vector<16xi32> to vector<16xi32>
    %mul3A_291 = arith.constant 100 : i32
    %mul3A_292 = vector.broadcast %mul3A_291 : i32 to vector<16xi32>
    %mul3A_293 = arith.muli %get3A_290, %mul3A_292 : vector<16xi32>
    %add3A_294 = arith.addi %mul3A_293, %select_n3A_287 : vector<16xi32>
    %swap3A_295 = arith.constant 2 : i32
    %swap3A_296 = arith.index_cast %swap3A_295 : i32 to index
    %swap3A_297 = arith.constant 32 : index
    %swap3A_298 = tpu.vector_load %arg7[%swap3A_296, %swap3A_297] {strides = array<i32>} : memref<5x80xi32, #tpu.memory_space<vmem>>, vector<1x16xi32>,
    %swap3A_299 = vector.shape_cast %swap3A_298 : vector<1x16xi32> to vector<16xi32>
    %swap3A_300 = vector.shape_cast %add3A_294 : vector<16xi32> to vector<1x16xi32>
    tpu.vector_store %arg7[%swap3A_296, %swap3A_297], %swap3A_300 {strides = array<i32>} : memref<5x80xi32, #tpu.memory_space<vmem>>, vector<1x16xi32>,
    %add3A_301 = arith.constant 8 : i32
    %add3A_302 = vector.broadcast %add3A_301 : i32 to vector<16xi32>
    %add3A_303 = arith.addi %add3A_302, %iota3A : vector<16xi32>
    %ge3A_304 = arith.constant 100 : i32
    %ge3A_305 = vector.broadcast %ge3A_304 : i32 to vector<16xi32>
    %ge3A_306 = arith.cmpi sge, %add3A_303, %ge3A_305 : vector<16xi32>
    %sub3A_307 = arith.constant 100 : i32
    %sub3A_308 = vector.broadcast %sub3A_307 : i32 to vector<16xi32>
    %sub3A_309 = arith.subi %add3A_303, %sub3A_308 : vector<16xi32>
    %select_n3A_310 = arith.select %ge3A_306, %sub3A_309, %add3A_303 : vector<16xi1>, vector<16xi32>
    %get3A_311 = arith.constant 208 : index
    %get3A_312 = tpu.vector_load %arg5[%get3A_311] {strides = array<i32>} : memref<400xi32, #tpu.memory_space<vmem>>, vector<16xi32>,
    %get3A_313 = vector.shape_cast %get3A_312 : vector<16xi32> to vector<16xi32>
    %mul3A_314 = arith.constant 100 : i32
    %mul3A_315 = vector.broadcast %mul3A_314 : i32 to vector<16xi32>
    %mul3A_316 = arith.muli %get3A_313, %mul3A_315 : vector<16xi32>
    %add3A_317 = arith.addi %mul3A_316, %select_n3A_310 : vector<16xi32>
    %swap3A_318 = arith.constant 2 : i32
    %swap3A_319 = arith.index_cast %swap3A_318 : i32 to index
    %swap3A_320 = arith.constant 48 : index
    %swap3A_321 = tpu.vector_load %arg7[%swap3A_319, %swap3A_320] {strides = array<i32>} : memref<5x80xi32, #tpu.memory_space<vmem>>, vector<1x16xi32>,
    %swap3A_322 = vector.shape_cast %swap3A_321 : vector<1x16xi32> to vector<16xi32>
    %swap3A_323 = vector.shape_cast %add3A_317 : vector<16xi32> to vector<1x16xi32>
    tpu.vector_store %arg7[%swap3A_319, %swap3A_320], %swap3A_323 {strides = array<i32>} : memref<5x80xi32, #tpu.memory_space<vmem>>, vector<1x16xi32>,
    %add3A_324 = arith.constant 24 : i32
    %add3A_325 = vector.broadcast %add3A_324 : i32 to vector<16xi32>
    %add3A_326 = arith.addi %add3A_325, %iota3A : vector<16xi32>
    %ge3A_327 = arith.constant 100 : i32
    %ge3A_328 = vector.broadcast %ge3A_327 : i32 to vector<16xi32>
    %ge3A_329 = arith.cmpi sge, %add3A_326, %ge3A_328 : vector<16xi32>
    %sub3A_330 = arith.constant 100 : i32
    %sub3A_331 = vector.broadcast %sub3A_330 : i32 to vector<16xi32>
    %sub3A_332 = arith.subi %add3A_326, %sub3A_331 : vector<16xi32>
    %select_n3A_333 = arith.select %ge3A_329, %sub3A_332, %add3A_326 : vector<16xi1>, vector<16xi32>
    %get3A_334 = arith.constant 224 : index
    %get3A_335 = tpu.vector_load %arg5[%get3A_334] {strides = array<i32>} : memref<400xi32, #tpu.memory_space<vmem>>, vector<16xi32>,
    %get3A_336 = vector.shape_cast %get3A_335 : vector<16xi32> to vector<16xi32>
    %mul3A_337 = arith.constant 100 : i32
    %mul3A_338 = vector.broadcast %mul3A_337 : i32 to vector<16xi32>
    %mul3A_339 = arith.muli %get3A_336, %mul3A_338 : vector<16xi32>
    %add3A_340 = arith.addi %mul3A_339, %select_n3A_333 : vector<16xi32>
    %swap3A_341 = arith.constant 2 : i32
    %swap3A_342 = arith.index_cast %swap3A_341 : i32 to index
    %swap3A_343 = arith.constant 64 : index
    %swap3A_344 = tpu.vector_load %arg7[%swap3A_342, %swap3A_343] {strides = array<i32>} : memref<5x80xi32, #tpu.memory_space<vmem>>, vector<1x16xi32>,
    %swap3A_345 = vector.shape_cast %swap3A_344 : vector<1x16xi32> to vector<16xi32>
    %swap3A_346 = vector.shape_cast %add3A_340 : vector<16xi32> to vector<1x16xi32>
    tpu.vector_store %arg7[%swap3A_342, %swap3A_343], %swap3A_346 {strides = array<i32>} : memref<5x80xi32, #tpu.memory_space<vmem>>, vector<1x16xi32>,
    %add3A_347 = arith.constant 40 : i32
    %add3A_348 = vector.broadcast %add3A_347 : i32 to vector<16xi32>
    %add3A_349 = arith.addi %add3A_348, %iota3A : vector<16xi32>
    %ge3A_350 = arith.constant 100 : i32
    %ge3A_351 = vector.broadcast %ge3A_350 : i32 to vector<16xi32>
    %ge3A_352 = arith.cmpi sge, %add3A_349, %ge3A_351 : vector<16xi32>
    %sub3A_353 = arith.constant 100 : i32
    %sub3A_354 = vector.broadcast %sub3A_353 : i32 to vector<16xi32>
    %sub3A_355 = arith.subi %add3A_349, %sub3A_354 : vector<16xi32>
    %select_n3A_356 = arith.select %ge3A_352, %sub3A_355, %add3A_349 : vector<16xi1>, vector<16xi32>
    %get3A_357 = arith.constant 240 : index
    %get3A_358 = tpu.vector_load %arg5[%get3A_357] {strides = array<i32>} : memref<400xi32, #tpu.memory_space<vmem>>, vector<16xi32>,
    %get3A_359 = vector.shape_cast %get3A_358 : vector<16xi32> to vector<16xi32>
    %mul3A_360 = arith.constant 100 : i32
    %mul3A_361 = vector.broadcast %mul3A_360 : i32 to vector<16xi32>
    %mul3A_362 = arith.muli %get3A_359, %mul3A_361 : vector<16xi32>
    %add3A_363 = arith.addi %mul3A_362, %select_n3A_356 : vector<16xi32>
    %swap3A_364 = arith.constant 3 : i32
    %swap3A_365 = arith.index_cast %swap3A_364 : i32 to index
    %swap3A_366 = arith.constant 0 : index
    %swap3A_367 = tpu.vector_load %arg7[%swap3A_365, %swap3A_366] {strides = array<i32>} : memref<5x80xi32, #tpu.memory_space<vmem>>, vector<1x16xi32>,
    %swap3A_368 = vector.shape_cast %swap3A_367 : vector<1x16xi32> to vector<16xi32>
    %swap3A_369 = vector.shape_cast %add3A_363 : vector<16xi32> to vector<1x16xi32>
    tpu.vector_store %arg7[%swap3A_365, %swap3A_366], %swap3A_369 {strides = array<i32>} : memref<5x80xi32, #tpu.memory_space<vmem>>, vector<1x16xi32>,
    %add3A_370 = arith.constant 56 : i32
    %add3A_371 = vector.broadcast %add3A_370 : i32 to vector<16xi32>
    %add3A_372 = arith.addi %add3A_371, %iota3A : vector<16xi32>
    %ge3A_373 = arith.constant 100 : i32
    %ge3A_374 = vector.broadcast %ge3A_373 : i32 to vector<16xi32>
    %ge3A_375 = arith.cmpi sge, %add3A_372, %ge3A_374 : vector<16xi32>
    %sub3A_376 = arith.constant 100 : i32
    %sub3A_377 = vector.broadcast %sub3A_376 : i32 to vector<16xi32>
    %sub3A_378 = arith.subi %add3A_372, %sub3A_377 : vector<16xi32>
    %select_n3A_379 = arith.select %ge3A_375, %sub3A_378, %add3A_372 : vector<16xi1>, vector<16xi32>
    %get3A_380 = arith.constant 256 : index
    %get3A_381 = tpu.vector_load %arg5[%get3A_380] {strides = array<i32>} : memref<400xi32, #tpu.memory_space<vmem>>, vector<16xi32>,
    %get3A_382 = vector.shape_cast %get3A_381 : vector<16xi32> to vector<16xi32>
    %mul3A_383 = arith.constant 100 : i32
    %mul3A_384 = vector.broadcast %mul3A_383 : i32 to vector<16xi32>
    %mul3A_385 = arith.muli %get3A_382, %mul3A_384 : vector<16xi32>
    %add3A_386 = arith.addi %mul3A_385, %select_n3A_379 : vector<16xi32>
    %swap3A_387 = arith.constant 3 : i32
    %swap3A_388 = arith.index_cast %swap3A_387 : i32 to index
    %swap3A_389 = arith.constant 16 : index
    %swap3A_390 = tpu.vector_load %arg7[%swap3A_388, %swap3A_389] {strides = array<i32>} : memref<5x80xi32, #tpu.memory_space<vmem>>, vector<1x16xi32>,
    %swap3A_391 = vector.shape_cast %swap3A_390 : vector<1x16xi32> to vector<16xi32>
    %swap3A_392 = vector.shape_cast %add3A_386 : vector<16xi32> to vector<1x16xi32>
    tpu.vector_store %arg7[%swap3A_388, %swap3A_389], %swap3A_392 {strides = array<i32>} : memref<5x80xi32, #tpu.memory_space<vmem>>, vector<1x16xi32>,
    %add3A_393 = arith.constant 72 : i32
    %add3A_394 = vector.broadcast %add3A_393 : i32 to vector<16xi32>
    %add3A_395 = arith.addi %add3A_394, %iota3A : vector<16xi32>
    %ge3A_396 = arith.constant 100 : i32
    %ge3A_397 = vector.broadcast %ge3A_396 : i32 to vector<16xi32>
    %ge3A_398 = arith.cmpi sge, %add3A_395, %ge3A_397 : vector<16xi32>
    %sub3A_399 = arith.constant 100 : i32
    %sub3A_400 = vector.broadcast %sub3A_399 : i32 to vector<16xi32>
    %sub3A_401 = arith.subi %add3A_395, %sub3A_400 : vector<16xi32>
    %select_n3A_402 = arith.select %ge3A_398, %sub3A_401, %add3A_395 : vector<16xi1>, vector<16xi32>
    %get3A_403 = arith.constant 272 : index
    %get3A_404 = tpu.vector_load %arg5[%get3A_403] {strides = array<i32>} : memref<400xi32, #tpu.memory_space<vmem>>, vector<16xi32>,
    %get3A_405 = vector.shape_cast %get3A_404 : vector<16xi32> to vector<16xi32>
    %mul3A_406 = arith.constant 100 : i32
    %mul3A_407 = vector.broadcast %mul3A_406 : i32 to vector<16xi32>
    %mul3A_408 = arith.muli %get3A_405, %mul3A_407 : vector<16xi32>
    %add3A_409 = arith.addi %mul3A_408, %select_n3A_402 : vector<16xi32>
    %swap3A_410 = arith.constant 3 : i32
    %swap3A_411 = arith.index_cast %swap3A_410 : i32 to index
    %swap3A_412 = arith.constant 32 : index
    %swap3A_413 = tpu.vector_load %arg7[%swap3A_411, %swap3A_412] {strides = array<i32>} : memref<5x80xi32, #tpu.memory_space<vmem>>, vector<1x16xi32>,
    %swap3A_414 = vector.shape_cast %swap3A_413 : vector<1x16xi32> to vector<16xi32>
    %swap3A_415 = vector.shape_cast %add3A_409 : vector<16xi32> to vector<1x16xi32>
    tpu.vector_store %arg7[%swap3A_411, %swap3A_412], %swap3A_415 {strides = array<i32>} : memref<5x80xi32, #tpu.memory_space<vmem>>, vector<1x16xi32>,
    %add3A_416 = arith.constant 88 : i32
    %add3A_417 = vector.broadcast %add3A_416 : i32 to vector<16xi32>
    %add3A_418 = arith.addi %add3A_417, %iota3A : vector<16xi32>
    %ge3A_419 = arith.constant 100 : i32
    %ge3A_420 = vector.broadcast %ge3A_419 : i32 to vector<16xi32>
    %ge3A_421 = arith.cmpi sge, %add3A_418, %ge3A_420 : vector<16xi32>
    %sub3A_422 = arith.constant 100 : i32
    %sub3A_423 = vector.broadcast %sub3A_422 : i32 to vector<16xi32>
    %sub3A_424 = arith.subi %add3A_418, %sub3A_423 : vector<16xi32>
    %select_n3A_425 = arith.select %ge3A_421, %sub3A_424, %add3A_418 : vector<16xi1>, vector<16xi32>
    %get3A_426 = arith.constant 288 : index
    %get3A_427 = tpu.vector_load %arg5[%get3A_426] {strides = array<i32>} : memref<400xi32, #tpu.memory_space<vmem>>, vector<16xi32>,
    %get3A_428 = vector.shape_cast %get3A_427 : vector<16xi32> to vector<16xi32>
    %mul3A_429 = arith.constant 100 : i32
    %mul3A_430 = vector.broadcast %mul3A_429 : i32 to vector<16xi32>
    %mul3A_431 = arith.muli %get3A_428, %mul3A_430 : vector<16xi32>
    %add3A_432 = arith.addi %mul3A_431, %select_n3A_425 : vector<16xi32>
    %swap3A_433 = arith.constant 3 : i32
    %swap3A_434 = arith.index_cast %swap3A_433 : i32 to index
    %swap3A_435 = arith.constant 48 : index
    %swap3A_436 = tpu.vector_load %arg7[%swap3A_434, %swap3A_435] {strides = array<i32>} : memref<5x80xi32, #tpu.memory_space<vmem>>, vector<1x16xi32>,
    %swap3A_437 = vector.shape_cast %swap3A_436 : vector<1x16xi32> to vector<16xi32>
    %swap3A_438 = vector.shape_cast %add3A_432 : vector<16xi32> to vector<1x16xi32>
    tpu.vector_store %arg7[%swap3A_434, %swap3A_435], %swap3A_438 {strides = array<i32>} : memref<5x80xi32, #tpu.memory_space<vmem>>, vector<1x16xi32>,
    %add3A_439 = arith.constant 4 : i32
    %add3A_440 = vector.broadcast %add3A_439 : i32 to vector<16xi32>
    %add3A_441 = arith.addi %add3A_440, %iota3A : vector<16xi32>
    %ge3A_442 = arith.constant 100 : i32
    %ge3A_443 = vector.broadcast %ge3A_442 : i32 to vector<16xi32>
    %ge3A_444 = arith.cmpi sge, %add3A_441, %ge3A_443 : vector<16xi32>
    %sub3A_445 = arith.constant 100 : i32
    %sub3A_446 = vector.broadcast %sub3A_445 : i32 to vector<16xi32>
    %sub3A_447 = arith.subi %add3A_441, %sub3A_446 : vector<16xi32>
    %select_n3A_448 = arith.select %ge3A_444, %sub3A_447, %add3A_441 : vector<16xi1>, vector<16xi32>
    %get3A_449 = arith.constant 304 : index
    %get3A_450 = tpu.vector_load %arg5[%get3A_449] {strides = array<i32>} : memref<400xi32, #tpu.memory_space<vmem>>, vector<16xi32>,
    %get3A_451 = vector.shape_cast %get3A_450 : vector<16xi32> to vector<16xi32>
    %mul3A_452 = arith.constant 100 : i32
    %mul3A_453 = vector.broadcast %mul3A_452 : i32 to vector<16xi32>
    %mul3A_454 = arith.muli %get3A_451, %mul3A_453 : vector<16xi32>
    %add3A_455 = arith.addi %mul3A_454, %select_n3A_448 : vector<16xi32>
    %swap3A_456 = arith.constant 3 : i32
    %swap3A_457 = arith.index_cast %swap3A_456 : i32 to index
    %swap3A_458 = arith.constant 64 : index
    %swap3A_459 = tpu.vector_load %arg7[%swap3A_457, %swap3A_458] {strides = array<i32>} : memref<5x80xi32, #tpu.memory_space<vmem>>, vector<1x16xi32>,
    %swap3A_460 = vector.shape_cast %swap3A_459 : vector<1x16xi32> to vector<16xi32>
    %swap3A_461 = vector.shape_cast %add3A_455 : vector<16xi32> to vector<1x16xi32>
    tpu.vector_store %arg7[%swap3A_457, %swap3A_458], %swap3A_461 {strides = array<i32>} : memref<5x80xi32, #tpu.memory_space<vmem>>, vector<1x16xi32>,
    %add3A_462 = arith.constant 20 : i32
    %add3A_463 = vector.broadcast %add3A_462 : i32 to vector<16xi32>
    %add3A_464 = arith.addi %add3A_463, %iota3A : vector<16xi32>
    %ge3A_465 = arith.constant 100 : i32
    %ge3A_466 = vector.broadcast %ge3A_465 : i32 to vector<16xi32>
    %ge3A_467 = arith.cmpi sge, %add3A_464, %ge3A_466 : vector<16xi32>
    %sub3A_468 = arith.constant 100 : i32
    %sub3A_469 = vector.broadcast %sub3A_468 : i32 to vector<16xi32>
    %sub3A_470 = arith.subi %add3A_464, %sub3A_469 : vector<16xi32>
    %select_n3A_471 = arith.select %ge3A_467, %sub3A_470, %add3A_464 : vector<16xi1>, vector<16xi32>
    %get3A_472 = arith.constant 320 : index
    %get3A_473 = tpu.vector_load %arg5[%get3A_472] {strides = array<i32>} : memref<400xi32, #tpu.memory_space<vmem>>, vector<16xi32>,
    %get3A_474 = vector.shape_cast %get3A_473 : vector<16xi32> to vector<16xi32>
    %mul3A_475 = arith.constant 100 : i32
    %mul3A_476 = vector.broadcast %mul3A_475 : i32 to vector<16xi32>
    %mul3A_477 = arith.muli %get3A_474, %mul3A_476 : vector<16xi32>
    %add3A_478 = arith.addi %mul3A_477, %select_n3A_471 : vector<16xi32>
    %swap3A_479 = arith.constant 4 : i32
    %swap3A_480 = arith.index_cast %swap3A_479 : i32 to index
    %swap3A_481 = arith.constant 0 : index
    %swap3A_482 = tpu.vector_load %arg7[%swap3A_480, %swap3A_481] {strides = array<i32>} : memref<5x80xi32, #tpu.memory_space<vmem>>, vector<1x16xi32>,
    %swap3A_483 = vector.shape_cast %swap3A_482 : vector<1x16xi32> to vector<16xi32>
    %swap3A_484 = vector.shape_cast %add3A_478 : vector<16xi32> to vector<1x16xi32>
    tpu.vector_store %arg7[%swap3A_480, %swap3A_481], %swap3A_484 {strides = array<i32>} : memref<5x80xi32, #tpu.memory_space<vmem>>, vector<1x16xi32>,
    %add3A_485 = arith.constant 36 : i32
    %add3A_486 = vector.broadcast %add3A_485 : i32 to vector<16xi32>
    %add3A_487 = arith.addi %add3A_486, %iota3A : vector<16xi32>
    %ge3A_488 = arith.constant 100 : i32
    %ge3A_489 = vector.broadcast %ge3A_488 : i32 to vector<16xi32>
    %ge3A_490 = arith.cmpi sge, %add3A_487, %ge3A_489 : vector<16xi32>
    %sub3A_491 = arith.constant 100 : i32
    %sub3A_492 = vector.broadcast %sub3A_491 : i32 to vector<16xi32>
    %sub3A_493 = arith.subi %add3A_487, %sub3A_492 : vector<16xi32>
    %select_n3A_494 = arith.select %ge3A_490, %sub3A_493, %add3A_487 : vector<16xi1>, vector<16xi32>
    %get3A_495 = arith.constant 336 : index
    %get3A_496 = tpu.vector_load %arg5[%get3A_495] {strides = array<i32>} : memref<400xi32, #tpu.memory_space<vmem>>, vector<16xi32>,
    %get3A_497 = vector.shape_cast %get3A_496 : vector<16xi32> to vector<16xi32>
    %mul3A_498 = arith.constant 100 : i32
    %mul3A_499 = vector.broadcast %mul3A_498 : i32 to vector<16xi32>
    %mul3A_500 = arith.muli %get3A_497, %mul3A_499 : vector<16xi32>
    %add3A_501 = arith.addi %mul3A_500, %select_n3A_494 : vector<16xi32>
    %swap3A_502 = arith.constant 4 : i32
    %swap3A_503 = arith.index_cast %swap3A_502 : i32 to index
    %swap3A_504 = arith.constant 16 : index
    %swap3A_505 = tpu.vector_load %arg7[%swap3A_503, %swap3A_504] {strides = array<i32>} : memref<5x80xi32, #tpu.memory_space<vmem>>, vector<1x16xi32>,
    %swap3A_506 = vector.shape_cast %swap3A_505 : vector<1x16xi32> to vector<16xi32>
    %swap3A_507 = vector.shape_cast %add3A_501 : vector<16xi32> to vector<1x16xi32>
    tpu.vector_store %arg7[%swap3A_503, %swap3A_504], %swap3A_507 {strides = array<i32>} : memref<5x80xi32, #tpu.memory_space<vmem>>, vector<1x16xi32>,
    %add3A_508 = arith.constant 52 : i32
    %add3A_509 = vector.broadcast %add3A_508 : i32 to vector<16xi32>
    %add3A_510 = arith.addi %add3A_509, %iota3A : vector<16xi32>
    %ge3A_511 = arith.constant 100 : i32
    %ge3A_512 = vector.broadcast %ge3A_511 : i32 to vector<16xi32>
    %ge3A_513 = arith.cmpi sge, %add3A_510, %ge3A_512 : vector<16xi32>
    %sub3A_514 = arith.constant 100 : i32
    %sub3A_515 = vector.broadcast %sub3A_514 : i32 to vector<16xi32>
    %sub3A_516 = arith.subi %add3A_510, %sub3A_515 : vector<16xi32>
    %select_n3A_517 = arith.select %ge3A_513, %sub3A_516, %add3A_510 : vector<16xi1>, vector<16xi32>
    %get3A_518 = arith.constant 352 : index
    %get3A_519 = tpu.vector_load %arg5[%get3A_518] {strides = array<i32>} : memref<400xi32, #tpu.memory_space<vmem>>, vector<16xi32>,
    %get3A_520 = vector.shape_cast %get3A_519 : vector<16xi32> to vector<16xi32>
    %mul3A_521 = arith.constant 100 : i32
    %mul3A_522 = vector.broadcast %mul3A_521 : i32 to vector<16xi32>
    %mul3A_523 = arith.muli %get3A_520, %mul3A_522 : vector<16xi32>
    %add3A_524 = arith.addi %mul3A_523, %select_n3A_517 : vector<16xi32>
    %swap3A_525 = arith.constant 4 : i32
    %swap3A_526 = arith.index_cast %swap3A_525 : i32 to index
    %swap3A_527 = arith.constant 32 : index
    %swap3A_528 = tpu.vector_load %arg7[%swap3A_526, %swap3A_527] {strides = array<i32>} : memref<5x80xi32, #tpu.memory_space<vmem>>, vector<1x16xi32>,
    %swap3A_529 = vector.shape_cast %swap3A_528 : vector<1x16xi32> to vector<16xi32>
    %swap3A_530 = vector.shape_cast %add3A_524 : vector<16xi32> to vector<1x16xi32>
    tpu.vector_store %arg7[%swap3A_526, %swap3A_527], %swap3A_530 {strides = array<i32>} : memref<5x80xi32, #tpu.memory_space<vmem>>, vector<1x16xi32>,
    %add3A_531 = arith.constant 68 : i32
    %add3A_532 = vector.broadcast %add3A_531 : i32 to vector<16xi32>
    %add3A_533 = arith.addi %add3A_532, %iota3A : vector<16xi32>
    %ge3A_534 = arith.constant 100 : i32
    %ge3A_535 = vector.broadcast %ge3A_534 : i32 to vector<16xi32>
    %ge3A_536 = arith.cmpi sge, %add3A_533, %ge3A_535 : vector<16xi32>
    %sub3A_537 = arith.constant 100 : i32
    %sub3A_538 = vector.broadcast %sub3A_537 : i32 to vector<16xi32>
    %sub3A_539 = arith.subi %add3A_533, %sub3A_538 : vector<16xi32>
    %select_n3A_540 = arith.select %ge3A_536, %sub3A_539, %add3A_533 : vector<16xi1>, vector<16xi32>
    %get3A_541 = arith.constant 368 : index
    %get3A_542 = tpu.vector_load %arg5[%get3A_541] {strides = array<i32>} : memref<400xi32, #tpu.memory_space<vmem>>, vector<16xi32>,
    %get3A_543 = vector.shape_cast %get3A_542 : vector<16xi32> to vector<16xi32>
    %mul3A_544 = arith.constant 100 : i32
    %mul3A_545 = vector.broadcast %mul3A_544 : i32 to vector<16xi32>
    %mul3A_546 = arith.muli %get3A_543, %mul3A_545 : vector<16xi32>
    %add3A_547 = arith.addi %mul3A_546, %select_n3A_540 : vector<16xi32>
    %swap3A_548 = arith.constant 4 : i32
    %swap3A_549 = arith.index_cast %swap3A_548 : i32 to index
    %swap3A_550 = arith.constant 48 : index
    %swap3A_551 = tpu.vector_load %arg7[%swap3A_549, %swap3A_550] {strides = array<i32>} : memref<5x80xi32, #tpu.memory_space<vmem>>, vector<1x16xi32>,
    %swap3A_552 = vector.shape_cast %swap3A_551 : vector<1x16xi32> to vector<16xi32>
    %swap3A_553 = vector.shape_cast %add3A_547 : vector<16xi32> to vector<1x16xi32>
    tpu.vector_store %arg7[%swap3A_549, %swap3A_550], %swap3A_553 {strides = array<i32>} : memref<5x80xi32, #tpu.memory_space<vmem>>, vector<1x16xi32>,
    %add3A_554 = arith.constant 84 : i32
    %add3A_555 = vector.broadcast %add3A_554 : i32 to vector<16xi32>
    %add3A_556 = arith.addi %add3A_555, %iota3A : vector<16xi32>
    %ge3A_557 = arith.constant 100 : i32
    %ge3A_558 = vector.broadcast %ge3A_557 : i32 to vector<16xi32>
    %ge3A_559 = arith.cmpi sge, %add3A_556, %ge3A_558 : vector<16xi32>
    %sub3A_560 = arith.constant 100 : i32
    %sub3A_561 = vector.broadcast %sub3A_560 : i32 to vector<16xi32>
    %sub3A_562 = arith.subi %add3A_556, %sub3A_561 : vector<16xi32>
    %select_n3A_563 = arith.select %ge3A_559, %sub3A_562, %add3A_556 : vector<16xi1>, vector<16xi32>
    %get3A_564 = arith.constant 384 : index
    %get3A_565 = tpu.vector_load %arg5[%get3A_564] {strides = array<i32>} : memref<400xi32, #tpu.memory_space<vmem>>, vector<16xi32>,
    %get3A_566 = vector.shape_cast %get3A_565 : vector<16xi32> to vector<16xi32>
    %mul3A_567 = arith.constant 100 : i32
    %mul3A_568 = vector.broadcast %mul3A_567 : i32 to vector<16xi32>
    %mul3A_569 = arith.muli %get3A_566, %mul3A_568 : vector<16xi32>
    %add3A_570 = arith.addi %mul3A_569, %select_n3A_563 : vector<16xi32>
    %swap3A_571 = arith.constant 4 : i32
    %swap3A_572 = arith.index_cast %swap3A_571 : i32 to index
    %swap3A_573 = arith.constant 64 : index
    %swap3A_574 = tpu.vector_load %arg7[%swap3A_572, %swap3A_573] {strides = array<i32>} : memref<5x80xi32, #tpu.memory_space<vmem>>, vector<1x16xi32>,
    %swap3A_575 = vector.shape_cast %swap3A_574 : vector<1x16xi32> to vector<16xi32>
    %swap3A_576 = vector.shape_cast %add3A_570 : vector<16xi32> to vector<1x16xi32>
    tpu.vector_store %arg7[%swap3A_572, %swap3A_573], %swap3A_576 {strides = array<i32>} : memref<5x80xi32, #tpu.memory_space<vmem>>, vector<1x16xi32>,
    %dma_start3A = arith.constant 0 : i32
    %dma_start3A_577 = arith.constant 0 : i32
    %dma_start3A_578 = arith.constant 0 : i32
    %dma_start3A_579 = tpu.memref_slice %arg9[%dma_start3A_577, %dma_start3A_578] : memref<400x128xf32, #tpu.memory_space<vmem>> -> memref<80x128xf32, #tpu.memory_space<vmem>>
    %dma_start3A_580 = arith.constant 0 : i32
    %dma_start3A_581 = tpu.memref_slice %arg7[%dma_start3A, %dma_start3A_580] : memref<5x80xi32, #tpu.memory_space<vmem>> -> memref<1x80xi32, #tpu.memory_space<vmem>>
    %dma_start3A_582 = tpu.memref_squeeze %dma_start3A_581 : memref<1x80xi32, #tpu.memory_space<vmem>> -> memref<80xi32, #tpu.memory_space<vmem>>
    %dma_start3A_583 = arith.constant 0 : i32
    %dma_start3A_584 = arith.constant 0 : i32
    %dma_start3A_585 = tpu.memref_slice %arg15[%dma_start3A_583, %dma_start3A_584] : memref<1000x128xf32, #tpu.memory_space<vmem_shared>> -> memref<1000x128xf32, #tpu.memory_space<vmem_shared>>
    tpu.enqueue_indirect_dma source(%dma_start3A_585 : memref<1000x128xf32, #tpu.memory_space<vmem_shared>>) target(%dma_start3A_579 : memref<80x128xf32, #tpu.memory_space<vmem>>) offsets(%dma_start3A_582 : memref<80xi32, #tpu.memory_space<vmem>>) semaphore(%arg11 : memref<!tpu.dma_semaphore, #tpu.memory_space<semaphore_mem>>)
    %dma_start3A_586 = arith.constant 1 : i32
    %dma_start3A_587 = arith.constant 80 : i32
    %dma_start3A_588 = arith.constant 0 : i32
    %dma_start3A_589 = tpu.memref_slice %arg9[%dma_start3A_587, %dma_start3A_588] : memref<400x128xf32, #tpu.memory_space<vmem>> -> memref<80x128xf32, #tpu.memory_space<vmem>>
    %dma_start3A_590 = arith.constant 0 : i32
    %dma_start3A_591 = tpu.memref_slice %arg7[%dma_start3A_586, %dma_start3A_590] : memref<5x80xi32, #tpu.memory_space<vmem>> -> memref<1x80xi32, #tpu.memory_space<vmem>>
    %dma_start3A_592 = tpu.memref_squeeze %dma_start3A_591 : memref<1x80xi32, #tpu.memory_space<vmem>> -> memref<80xi32, #tpu.memory_space<vmem>>
    %dma_start3A_593 = arith.constant 0 : i32
    %dma_start3A_594 = arith.constant 0 : i32
    %dma_start3A_595 = tpu.memref_slice %arg15[%dma_start3A_593, %dma_start3A_594] : memref<1000x128xf32, #tpu.memory_space<vmem_shared>> -> memref<1000x128xf32, #tpu.memory_space<vmem_shared>>
    tpu.enqueue_indirect_dma source(%dma_start3A_595 : memref<1000x128xf32, #tpu.memory_space<vmem_shared>>) target(%dma_start3A_589 : memref<80x128xf32, #tpu.memory_space<vmem>>) offsets(%dma_start3A_592 : memref<80xi32, #tpu.memory_space<vmem>>) semaphore(%arg11 : memref<!tpu.dma_semaphore, #tpu.memory_space<semaphore_mem>>)
    %dma_start3A_596 = arith.constant 2 : i32
    %dma_start3A_597 = arith.constant 160 : i32
    %dma_start3A_598 = arith.constant 0 : i32
    %dma_start3A_599 = tpu.memref_slice %arg9[%dma_start3A_597, %dma_start3A_598] : memref<400x128xf32, #tpu.memory_space<vmem>> -> memref<80x128xf32, #tpu.memory_space<vmem>>
    %dma_start3A_600 = arith.constant 0 : i32
    %dma_start3A_601 = tpu.memref_slice %arg7[%dma_start3A_596, %dma_start3A_600] : memref<5x80xi32, #tpu.memory_space<vmem>> -> memref<1x80xi32, #tpu.memory_space<vmem>>
    %dma_start3A_602 = tpu.memref_squeeze %dma_start3A_601 : memref<1x80xi32, #tpu.memory_space<vmem>> -> memref<80xi32, #tpu.memory_space<vmem>>
    %dma_start3A_603 = arith.constant 0 : i32
    %dma_start3A_604 = arith.constant 0 : i32
    %dma_start3A_605 = tpu.memref_slice %arg15[%dma_start3A_603, %dma_start3A_604] : memref<1000x128xf32, #tpu.memory_space<vmem_shared>> -> memref<1000x128xf32, #tpu.memory_space<vmem_shared>>
    tpu.enqueue_indirect_dma source(%dma_start3A_605 : memref<1000x128xf32, #tpu.memory_space<vmem_shared>>) target(%dma_start3A_599 : memref<80x128xf32, #tpu.memory_space<vmem>>) offsets(%dma_start3A_602 : memref<80xi32, #tpu.memory_space<vmem>>) semaphore(%arg11 : memref<!tpu.dma_semaphore, #tpu.memory_space<semaphore_mem>>)
    %dma_start3A_606 = arith.constant 3 : i32
    %dma_start3A_607 = arith.constant 240 : i32
    %dma_start3A_608 = arith.constant 0 : i32
    %dma_start3A_609 = tpu.memref_slice %arg9[%dma_start3A_607, %dma_start3A_608] : memref<400x128xf32, #tpu.memory_space<vmem>> -> memref<80x128xf32, #tpu.memory_space<vmem>>
    %dma_start3A_610 = arith.constant 0 : i32
    %dma_start3A_611 = tpu.memref_slice %arg7[%dma_start3A_606, %dma_start3A_610] : memref<5x80xi32, #tpu.memory_space<vmem>> -> memref<1x80xi32, #tpu.memory_space<vmem>>
    %dma_start3A_612 = tpu.memref_squeeze %dma_start3A_611 : memref<1x80xi32, #tpu.memory_space<vmem>> -> memref<80xi32, #tpu.memory_space<vmem>>
    %dma_start3A_613 = arith.constant 0 : i32
    %dma_start3A_614 = arith.constant 0 : i32
    %dma_start3A_615 = tpu.memref_slice %arg15[%dma_start3A_613, %dma_start3A_614] : memref<1000x128xf32, #tpu.memory_space<vmem_shared>> -> memref<1000x128xf32, #tpu.memory_space<vmem_shared>>
    tpu.enqueue_indirect_dma source(%dma_start3A_615 : memref<1000x128xf32, #tpu.memory_space<vmem_shared>>) target(%dma_start3A_609 : memref<80x128xf32, #tpu.memory_space<vmem>>) offsets(%dma_start3A_612 : memref<80xi32, #tpu.memory_space<vmem>>) semaphore(%arg11 : memref<!tpu.dma_semaphore, #tpu.memory_space<semaphore_mem>>)
    %dma_start3A_616 = arith.constant 4 : i32
    %dma_start3A_617 = arith.constant 320 : i32
    %dma_start3A_618 = arith.constant 0 : i32
    %dma_start3A_619 = tpu.memref_slice %arg9[%dma_start3A_617, %dma_start3A_618] : memref<400x128xf32, #tpu.memory_space<vmem>> -> memref<80x128xf32, #tpu.memory_space<vmem>>
    %dma_start3A_620 = arith.constant 0 : i32
    %dma_start3A_621 = tpu.memref_slice %arg7[%dma_start3A_616, %dma_start3A_620] : memref<5x80xi32, #tpu.memory_space<vmem>> -> memref<1x80xi32, #tpu.memory_space<vmem>>
    %dma_start3A_622 = tpu.memref_squeeze %dma_start3A_621 : memref<1x80xi32, #tpu.memory_space<vmem>> -> memref<80xi32, #tpu.memory_space<vmem>>
    %dma_start3A_623 = arith.constant 0 : i32
    %dma_start3A_624 = arith.constant 0 : i32
    %dma_start3A_625 = tpu.memref_slice %arg15[%dma_start3A_623, %dma_start3A_624] : memref<1000x128xf32, #tpu.memory_space<vmem_shared>> -> memref<1000x128xf32, #tpu.memory_space<vmem_shared>>
    tpu.enqueue_indirect_dma source(%dma_start3A_625 : memref<1000x128xf32, #tpu.memory_space<vmem_shared>>) target(%dma_start3A_619 : memref<80x128xf32, #tpu.memory_space<vmem>>) offsets(%dma_start3A_622 : memref<80xi32, #tpu.memory_space<vmem>>) semaphore(%arg11 : memref<!tpu.dma_semaphore, #tpu.memory_space<semaphore_mem>>)
    %scan3A = arith.constant 0 : i32
    %scan3A_626 = arith.constant 0 : i32
    %scan3A_627 = arith.constant 16 : i32
    %scan3A_628 = arith.addi %scan3A_626, %scan3A_627 : i32
    %scan3A_629 = arith.constant 1 : i32
    scf.for %scan3A_690 = %scan3A_626 to %scan3A_628 step %scan3A_629  : i32 {
      %mul3A_691 = arith.constant 2 : i32
      %mul3A_692 = arith.muli %mul3A_691, %scan3A_690 : i32
      %add3A_693 = arith.constant 1 : i32
      %add3A_694 = arith.addi %mul3A_692, %add3A_693 : i32
      %mul3A_695 = arith.constant 400 : i32
      %mul3A_696 = arith.muli %add3A_694, %mul3A_695 : i32
      %add3A_697 = arith.addi %mul3A_2, %mul3A_696 : i32
      %multiple_of3A_698 = tpu.assume_multiple %add3A_697, 400 : i32
      "tpu.region"() ({
        %run_scoped3A = tpu.sem_alloc : memref<!tpu.dma_semaphore, #tpu.memory_space<semaphore_mem>>
        %dma_start3A_1695 = tpu.memref_slice %arg3[%multiple_of3A_698] : memref<409600xi32, #tpu.memory_space<hbm>> -> memref<400xi32, #tpu.memory_space<hbm>>
        %dma_start3A_1696 = tpu.memref_slice %arg3[%multiple_of3A_698] : memref<409600xi32, #tpu.memory_space<hbm>> -> memref<400xi32, #tpu.memory_space<hbm>>
        tpu.enqueue_dma source(%dma_start3A_1696 : memref<400xi32, #tpu.memory_space<hbm>>) target(%arg6 : memref<400xi32, #tpu.memory_space<vmem>>) target_semaphore(%run_scoped3A : memref<!tpu.dma_semaphore, #tpu.memory_space<semaphore_mem>>)
        %dma_wait3A_1697 = tpu.memref_slice %arg3[%multiple_of3A_698] : memref<409600xi32, #tpu.memory_space<hbm>> -> memref<400xi32, #tpu.memory_space<hbm>>
        %dma_wait3A_1698 = tpu.memref_slice %arg3[%multiple_of3A_698] : memref<409600xi32, #tpu.memory_space<hbm>> -> memref<400xi32, #tpu.memory_space<hbm>>
        tpu.wait_dma2 semaphore(%run_scoped3A : memref<!tpu.dma_semaphore, #tpu.memory_space<semaphore_mem>>) src(%dma_wait3A_1698 : memref<400xi32, #tpu.memory_space<hbm>>) dst(%arg6 : memref<400xi32, #tpu.memory_space<vmem>>)
        tpu.yield
      }) : () -> ()
      %add3A_699 = arith.constant 0 : i32
      %add3A_700 = vector.broadcast %add3A_699 : i32 to vector<16xi32>
      %add3A_701 = arith.addi %add3A_700, %iota3A : vector<16xi32>
      %ge3A_702 = arith.constant 100 : i32
      %ge3A_703 = vector.broadcast %ge3A_702 : i32 to vector<16xi32>
      %ge3A_704 = arith.cmpi sge, %add3A_701, %ge3A_703 : vector<16xi32>
      %sub3A_705 = arith.constant 100 : i32
      %sub3A_706 = vector.broadcast %sub3A_705 : i32 to vector<16xi32>
      %sub3A_707 = arith.subi %add3A_701, %sub3A_706 : vector<16xi32>
      %select_n3A_708 = arith.select %ge3A_704, %sub3A_707, %add3A_701 : vector<16xi1>, vector<16xi32>
      %get3A_709 = arith.constant 0 : index
      %get3A_710 = tpu.vector_load %arg6[%get3A_709] {strides = array<i32>} : memref<400xi32, #tpu.memory_space<vmem>>, vector<16xi32>,
      %get3A_711 = vector.shape_cast %get3A_710 : vector<16xi32> to vector<16xi32>
      %mul3A_712 = arith.constant 100 : i32
      %mul3A_713 = vector.broadcast %mul3A_712 : i32 to vector<16xi32>
      %mul3A_714 = arith.muli %get3A_711, %mul3A_713 : vector<16xi32>
      %add3A_715 = arith.addi %mul3A_714, %select_n3A_708 : vector<16xi32>
      %swap3A_716 = arith.constant 0 : i32
      %swap3A_717 = arith.index_cast %swap3A_716 : i32 to index
      %swap3A_718 = arith.constant 0 : index
      %swap3A_719 = tpu.vector_load %arg8[%swap3A_717, %swap3A_718] {strides = array<i32>} : memref<5x80xi32, #tpu.memory_space<vmem>>, vector<1x16xi32>,
      %swap3A_720 = vector.shape_cast %swap3A_719 : vector<1x16xi32> to vector<16xi32>
      %swap3A_721 = vector.shape_cast %add3A_715 : vector<16xi32> to vector<1x16xi32>
      tpu.vector_store %arg8[%swap3A_717, %swap3A_718], %swap3A_721 {strides = array<i32>} : memref<5x80xi32, #tpu.memory_space<vmem>>, vector<1x16xi32>,
      %add3A_722 = arith.constant 16 : i32
      %add3A_723 = vector.broadcast %add3A_722 : i32 to vector<16xi32>
      %add3A_724 = arith.addi %add3A_723, %iota3A : vector<16xi32>
      %ge3A_725 = arith.constant 100 : i32
      %ge3A_726 = vector.broadcast %ge3A_725 : i32 to vector<16xi32>
      %ge3A_727 = arith.cmpi sge, %add3A_724, %ge3A_726 : vector<16xi32>
      %sub3A_728 = arith.constant 100 : i32
      %sub3A_729 = vector.broadcast %sub3A_728 : i32 to vector<16xi32>
      %sub3A_730 = arith.subi %add3A_724, %sub3A_729 : vector<16xi32>
      %select_n3A_731 = arith.select %ge3A_727, %sub3A_730, %add3A_724 : vector<16xi1>, vector<16xi32>
      %get3A_732 = arith.constant 16 : index
      %get3A_733 = tpu.vector_load %arg6[%get3A_732] {strides = array<i32>} : memref<400xi32, #tpu.memory_space<vmem>>, vector<16xi32>,
      %get3A_734 = vector.shape_cast %get3A_733 : vector<16xi32> to vector<16xi32>
      %mul3A_735 = arith.constant 100 : i32
      %mul3A_736 = vector.broadcast %mul3A_735 : i32 to vector<16xi32>
      %mul3A_737 = arith.muli %get3A_734, %mul3A_736 : vector<16xi32>
      %add3A_738 = arith.addi %mul3A_737, %select_n3A_731 : vector<16xi32>
      %swap3A_739 = arith.constant 0 : i32
      %swap3A_740 = arith.index_cast %swap3A_739 : i32 to index
      %swap3A_741 = arith.constant 16 : index
      %swap3A_742 = tpu.vector_load %arg8[%swap3A_740, %swap3A_741] {strides = array<i32>} : memref<5x80xi32, #tpu.memory_space<vmem>>, vector<1x16xi32>,
      %swap3A_743 = vector.shape_cast %swap3A_742 : vector<1x16xi32> to vector<16xi32>
      %swap3A_744 = vector.shape_cast %add3A_738 : vector<16xi32> to vector<1x16xi32>
      tpu.vector_store %arg8[%swap3A_740, %swap3A_741], %swap3A_744 {strides = array<i32>} : memref<5x80xi32, #tpu.memory_space<vmem>>, vector<1x16xi32>,
      %add3A_745 = arith.constant 32 : i32
      %add3A_746 = vector.broadcast %add3A_745 : i32 to vector<16xi32>
      %add3A_747 = arith.addi %add3A_746, %iota3A : vector<16xi32>
      %ge3A_748 = arith.constant 100 : i32
      %ge3A_749 = vector.broadcast %ge3A_748 : i32 to vector<16xi32>
      %ge3A_750 = arith.cmpi sge, %add3A_747, %ge3A_749 : vector<16xi32>
      %sub3A_751 = arith.constant 100 : i32
      %sub3A_752 = vector.broadcast %sub3A_751 : i32 to vector<16xi32>
      %sub3A_753 = arith.subi %add3A_747, %sub3A_752 : vector<16xi32>
      %select_n3A_754 = arith.select %ge3A_750, %sub3A_753, %add3A_747 : vector<16xi1>, vector<16xi32>
      %get3A_755 = arith.constant 32 : index
      %get3A_756 = tpu.vector_load %arg6[%get3A_755] {strides = array<i32>} : memref<400xi32, #tpu.memory_space<vmem>>, vector<16xi32>,
      %get3A_757 = vector.shape_cast %get3A_756 : vector<16xi32> to vector<16xi32>
      %mul3A_758 = arith.constant 100 : i32
      %mul3A_759 = vector.broadcast %mul3A_758 : i32 to vector<16xi32>
      %mul3A_760 = arith.muli %get3A_757, %mul3A_759 : vector<16xi32>
      %add3A_761 = arith.addi %mul3A_760, %select_n3A_754 : vector<16xi32>
      %swap3A_762 = arith.constant 0 : i32
      %swap3A_763 = arith.index_cast %swap3A_762 : i32 to index
      %swap3A_764 = arith.constant 32 : index
      %swap3A_765 = tpu.vector_load %arg8[%swap3A_763, %swap3A_764] {strides = array<i32>} : memref<5x80xi32, #tpu.memory_space<vmem>>, vector<1x16xi32>,
      %swap3A_766 = vector.shape_cast %swap3A_765 : vector<1x16xi32> to vector<16xi32>
      %swap3A_767 = vector.shape_cast %add3A_761 : vector<16xi32> to vector<1x16xi32>
      tpu.vector_store %arg8[%swap3A_763, %swap3A_764], %swap3A_767 {strides = array<i32>} : memref<5x80xi32, #tpu.memory_space<vmem>>, vector<1x16xi32>,
      %add3A_768 = arith.constant 48 : i32
      %add3A_769 = vector.broadcast %add3A_768 : i32 to vector<16xi32>
      %add3A_770 = arith.addi %add3A_769, %iota3A : vector<16xi32>
      %ge3A_771 = arith.constant 100 : i32
      %ge3A_772 = vector.broadcast %ge3A_771 : i32 to vector<16xi32>
      %ge3A_773 = arith.cmpi sge, %add3A_770, %ge3A_772 : vector<16xi32>
      %sub3A_774 = arith.constant 100 : i32
      %sub3A_775 = vector.broadcast %sub3A_774 : i32 to vector<16xi32>
      %sub3A_776 = arith.subi %add3A_770, %sub3A_775 : vector<16xi32>
      %select_n3A_777 = arith.select %ge3A_773, %sub3A_776, %add3A_770 : vector<16xi1>, vector<16xi32>
      %get3A_778 = arith.constant 48 : index
      %get3A_779 = tpu.vector_load %arg6[%get3A_778] {strides = array<i32>} : memref<400xi32, #tpu.memory_space<vmem>>, vector<16xi32>,
      %get3A_780 = vector.shape_cast %get3A_779 : vector<16xi32> to vector<16xi32>
      %mul3A_781 = arith.constant 100 : i32
      %mul3A_782 = vector.broadcast %mul3A_781 : i32 to vector<16xi32>
      %mul3A_783 = arith.muli %get3A_780, %mul3A_782 : vector<16xi32>
      %add3A_784 = arith.addi %mul3A_783, %select_n3A_777 : vector<16xi32>
      %swap3A_785 = arith.constant 0 : i32
      %swap3A_786 = arith.index_cast %swap3A_785 : i32 to index
      %swap3A_787 = arith.constant 48 : index
      %swap3A_788 = tpu.vector_load %arg8[%swap3A_786, %swap3A_787] {strides = array<i32>} : memref<5x80xi32, #tpu.memory_space<vmem>>, vector<1x16xi32>,
      %swap3A_789 = vector.shape_cast %swap3A_788 : vector<1x16xi32> to vector<16xi32>
      %swap3A_790 = vector.shape_cast %add3A_784 : vector<16xi32> to vector<1x16xi32>
      tpu.vector_store %arg8[%swap3A_786, %swap3A_787], %swap3A_790 {strides = array<i32>} : memref<5x80xi32, #tpu.memory_space<vmem>>, vector<1x16xi32>,
      %add3A_791 = arith.constant 64 : i32
      %add3A_792 = vector.broadcast %add3A_791 : i32 to vector<16xi32>
      %add3A_793 = arith.addi %add3A_792, %iota3A : vector<16xi32>
      %ge3A_794 = arith.constant 100 : i32
      %ge3A_795 = vector.broadcast %ge3A_794 : i32 to vector<16xi32>
      %ge3A_796 = arith.cmpi sge, %add3A_793, %ge3A_795 : vector<16xi32>
      %sub3A_797 = arith.constant 100 : i32
      %sub3A_798 = vector.broadcast %sub3A_797 : i32 to vector<16xi32>
      %sub3A_799 = arith.subi %add3A_793, %sub3A_798 : vector<16xi32>
      %select_n3A_800 = arith.select %ge3A_796, %sub3A_799, %add3A_793 : vector<16xi1>, vector<16xi32>
      %get3A_801 = arith.constant 64 : index
      %get3A_802 = tpu.vector_load %arg6[%get3A_801] {strides = array<i32>} : memref<400xi32, #tpu.memory_space<vmem>>, vector<16xi32>,
      %get3A_803 = vector.shape_cast %get3A_802 : vector<16xi32> to vector<16xi32>
      %mul3A_804 = arith.constant 100 : i32
      %mul3A_805 = vector.broadcast %mul3A_804 : i32 to vector<16xi32>
      %mul3A_806 = arith.muli %get3A_803, %mul3A_805 : vector<16xi32>
      %add3A_807 = arith.addi %mul3A_806, %select_n3A_800 : vector<16xi32>
      %swap3A_808 = arith.constant 0 : i32
      %swap3A_809 = arith.index_cast %swap3A_808 : i32 to index
      %swap3A_810 = arith.constant 64 : index
      %swap3A_811 = tpu.vector_load %arg8[%swap3A_809, %swap3A_810] {strides = array<i32>} : memref<5x80xi32, #tpu.memory_space<vmem>>, vector<1x16xi32>,
      %swap3A_812 = vector.shape_cast %swap3A_811 : vector<1x16xi32> to vector<16xi32>
      %swap3A_813 = vector.shape_cast %add3A_807 : vector<16xi32> to vector<1x16xi32>
      tpu.vector_store %arg8[%swap3A_809, %swap3A_810], %swap3A_813 {strides = array<i32>} : memref<5x80xi32, #tpu.memory_space<vmem>>, vector<1x16xi32>,
      %add3A_814 = arith.constant 80 : i32
      %add3A_815 = vector.broadcast %add3A_814 : i32 to vector<16xi32>
      %add3A_816 = arith.addi %add3A_815, %iota3A : vector<16xi32>
      %ge3A_817 = arith.constant 100 : i32
      %ge3A_818 = vector.broadcast %ge3A_817 : i32 to vector<16xi32>
      %ge3A_819 = arith.cmpi sge, %add3A_816, %ge3A_818 : vector<16xi32>
      %sub3A_820 = arith.constant 100 : i32
      %sub3A_821 = vector.broadcast %sub3A_820 : i32 to vector<16xi32>
      %sub3A_822 = arith.subi %add3A_816, %sub3A_821 : vector<16xi32>
      %select_n3A_823 = arith.select %ge3A_819, %sub3A_822, %add3A_816 : vector<16xi1>, vector<16xi32>
      %get3A_824 = arith.constant 80 : index
      %get3A_825 = tpu.vector_load %arg6[%get3A_824] {strides = array<i32>} : memref<400xi32, #tpu.memory_space<vmem>>, vector<16xi32>,
      %get3A_826 = vector.shape_cast %get3A_825 : vector<16xi32> to vector<16xi32>
      %mul3A_827 = arith.constant 100 : i32
      %mul3A_828 = vector.broadcast %mul3A_827 : i32 to vector<16xi32>
      %mul3A_829 = arith.muli %get3A_826, %mul3A_828 : vector<16xi32>
      %add3A_830 = arith.addi %mul3A_829, %select_n3A_823 : vector<16xi32>
      %swap3A_831 = arith.constant 1 : i32
      %swap3A_832 = arith.index_cast %swap3A_831 : i32 to index
      %swap3A_833 = arith.constant 0 : index
      %swap3A_834 = tpu.vector_load %arg8[%swap3A_832, %swap3A_833] {strides = array<i32>} : memref<5x80xi32, #tpu.memory_space<vmem>>, vector<1x16xi32>,
      %swap3A_835 = vector.shape_cast %swap3A_834 : vector<1x16xi32> to vector<16xi32>
      %swap3A_836 = vector.shape_cast %add3A_830 : vector<16xi32> to vector<1x16xi32>
      tpu.vector_store %arg8[%swap3A_832, %swap3A_833], %swap3A_836 {strides = array<i32>} : memref<5x80xi32, #tpu.memory_space<vmem>>, vector<1x16xi32>,
      %add3A_837 = arith.constant 96 : i32
      %add3A_838 = vector.broadcast %add3A_837 : i32 to vector<16xi32>
      %add3A_839 = arith.addi %add3A_838, %iota3A : vector<16xi32>
      %ge3A_840 = arith.constant 100 : i32
      %ge3A_841 = vector.broadcast %ge3A_840 : i32 to vector<16xi32>
      %ge3A_842 = arith.cmpi sge, %add3A_839, %ge3A_841 : vector<16xi32>
      %sub3A_843 = arith.constant 100 : i32
      %sub3A_844 = vector.broadcast %sub3A_843 : i32 to vector<16xi32>
      %sub3A_845 = arith.subi %add3A_839, %sub3A_844 : vector<16xi32>
      %select_n3A_846 = arith.select %ge3A_842, %sub3A_845, %add3A_839 : vector<16xi1>, vector<16xi32>
      %get3A_847 = arith.constant 96 : index
      %get3A_848 = tpu.vector_load %arg6[%get3A_847] {strides = array<i32>} : memref<400xi32, #tpu.memory_space<vmem>>, vector<16xi32>,
      %get3A_849 = vector.shape_cast %get3A_848 : vector<16xi32> to vector<16xi32>
      %mul3A_850 = arith.constant 100 : i32
      %mul3A_851 = vector.broadcast %mul3A_850 : i32 to vector<16xi32>
      %mul3A_852 = arith.muli %get3A_849, %mul3A_851 : vector<16xi32>
      %add3A_853 = arith.addi %mul3A_852, %select_n3A_846 : vector<16xi32>
      %swap3A_854 = arith.constant 1 : i32
      %swap3A_855 = arith.index_cast %swap3A_854 : i32 to index
      %swap3A_856 = arith.constant 16 : index
      %swap3A_857 = tpu.vector_load %arg8[%swap3A_855, %swap3A_856] {strides = array<i32>} : memref<5x80xi32, #tpu.memory_space<vmem>>, vector<1x16xi32>,
      %swap3A_858 = vector.shape_cast %swap3A_857 : vector<1x16xi32> to vector<16xi32>
      %swap3A_859 = vector.shape_cast %add3A_853 : vector<16xi32> to vector<1x16xi32>
      tpu.vector_store %arg8[%swap3A_855, %swap3A_856], %swap3A_859 {strides = array<i32>} : memref<5x80xi32, #tpu.memory_space<vmem>>, vector<1x16xi32>,
      %add3A_860 = arith.constant 12 : i32
      %add3A_861 = vector.broadcast %add3A_860 : i32 to vector<16xi32>
      %add3A_862 = arith.addi %add3A_861, %iota3A : vector<16xi32>
      %ge3A_863 = arith.constant 100 : i32
      %ge3A_864 = vector.broadcast %ge3A_863 : i32 to vector<16xi32>
      %ge3A_865 = arith.cmpi sge, %add3A_862, %ge3A_864 : vector<16xi32>
      %sub3A_866 = arith.constant 100 : i32
      %sub3A_867 = vector.broadcast %sub3A_866 : i32 to vector<16xi32>
      %sub3A_868 = arith.subi %add3A_862, %sub3A_867 : vector<16xi32>
      %select_n3A_869 = arith.select %ge3A_865, %sub3A_868, %add3A_862 : vector<16xi1>, vector<16xi32>
      %get3A_870 = arith.constant 112 : index
      %get3A_871 = tpu.vector_load %arg6[%get3A_870] {strides = array<i32>} : memref<400xi32, #tpu.memory_space<vmem>>, vector<16xi32>,
      %get3A_872 = vector.shape_cast %get3A_871 : vector<16xi32> to vector<16xi32>
      %mul3A_873 = arith.constant 100 : i32
      %mul3A_874 = vector.broadcast %mul3A_873 : i32 to vector<16xi32>
      %mul3A_875 = arith.muli %get3A_872, %mul3A_874 : vector<16xi32>
      %add3A_876 = arith.addi %mul3A_875, %select_n3A_869 : vector<16xi32>
      %swap3A_877 = arith.constant 1 : i32
      %swap3A_878 = arith.index_cast %swap3A_877 : i32 to index
      %swap3A_879 = arith.constant 32 : index
      %swap3A_880 = tpu.vector_load %arg8[%swap3A_878, %swap3A_879] {strides = array<i32>} : memref<5x80xi32, #tpu.memory_space<vmem>>, vector<1x16xi32>,
      %swap3A_881 = vector.shape_cast %swap3A_880 : vector<1x16xi32> to vector<16xi32>
      %swap3A_882 = vector.shape_cast %add3A_876 : vector<16xi32> to vector<1x16xi32>
      tpu.vector_store %arg8[%swap3A_878, %swap3A_879], %swap3A_882 {strides = array<i32>} : memref<5x80xi32, #tpu.memory_space<vmem>>, vector<1x16xi32>,
      %add3A_883 = arith.constant 28 : i32
      %add3A_884 = vector.broadcast %add3A_883 : i32 to vector<16xi32>
      %add3A_885 = arith.addi %add3A_884, %iota3A : vector<16xi32>
      %ge3A_886 = arith.constant 100 : i32
      %ge3A_887 = vector.broadcast %ge3A_886 : i32 to vector<16xi32>
      %ge3A_888 = arith.cmpi sge, %add3A_885, %ge3A_887 : vector<16xi32>
      %sub3A_889 = arith.constant 100 : i32
      %sub3A_890 = vector.broadcast %sub3A_889 : i32 to vector<16xi32>
      %sub3A_891 = arith.subi %add3A_885, %sub3A_890 : vector<16xi32>
      %select_n3A_892 = arith.select %ge3A_888, %sub3A_891, %add3A_885 : vector<16xi1>, vector<16xi32>
      %get3A_893 = arith.constant 128 : index
      %get3A_894 = tpu.vector_load %arg6[%get3A_893] {strides = array<i32>} : memref<400xi32, #tpu.memory_space<vmem>>, vector<16xi32>,
      %get3A_895 = vector.shape_cast %get3A_894 : vector<16xi32> to vector<16xi32>
      %mul3A_896 = arith.constant 100 : i32
      %mul3A_897 = vector.broadcast %mul3A_896 : i32 to vector<16xi32>
      %mul3A_898 = arith.muli %get3A_895, %mul3A_897 : vector<16xi32>
      %add3A_899 = arith.addi %mul3A_898, %select_n3A_892 : vector<16xi32>
      %swap3A_900 = arith.constant 1 : i32
      %swap3A_901 = arith.index_cast %swap3A_900 : i32 to index
      %swap3A_902 = arith.constant 48 : index
      %swap3A_903 = tpu.vector_load %arg8[%swap3A_901, %swap3A_902] {strides = array<i32>} : memref<5x80xi32, #tpu.memory_space<vmem>>, vector<1x16xi32>,
      %swap3A_904 = vector.shape_cast %swap3A_903 : vector<1x16xi32> to vector<16xi32>
      %swap3A_905 = vector.shape_cast %add3A_899 : vector<16xi32> to vector<1x16xi32>
      tpu.vector_store %arg8[%swap3A_901, %swap3A_902], %swap3A_905 {strides = array<i32>} : memref<5x80xi32, #tpu.memory_space<vmem>>, vector<1x16xi32>,
      %add3A_906 = arith.constant 44 : i32
      %add3A_907 = vector.broadcast %add3A_906 : i32 to vector<16xi32>
      %add3A_908 = arith.addi %add3A_907, %iota3A : vector<16xi32>
      %ge3A_909 = arith.constant 100 : i32
      %ge3A_910 = vector.broadcast %ge3A_909 : i32 to vector<16xi32>
      %ge3A_911 = arith.cmpi sge, %add3A_908, %ge3A_910 : vector<16xi32>
      %sub3A_912 = arith.constant 100 : i32
      %sub3A_913 = vector.broadcast %sub3A_912 : i32 to vector<16xi32>
      %sub3A_914 = arith.subi %add3A_908, %sub3A_913 : vector<16xi32>
      %select_n3A_915 = arith.select %ge3A_911, %sub3A_914, %add3A_908 : vector<16xi1>, vector<16xi32>
      %get3A_916 = arith.constant 144 : index
      %get3A_917 = tpu.vector_load %arg6[%get3A_916] {strides = array<i32>} : memref<400xi32, #tpu.memory_space<vmem>>, vector<16xi32>,
      %get3A_918 = vector.shape_cast %get3A_917 : vector<16xi32> to vector<16xi32>
      %mul3A_919 = arith.constant 100 : i32
      %mul3A_920 = vector.broadcast %mul3A_919 : i32 to vector<16xi32>
      %mul3A_921 = arith.muli %get3A_918, %mul3A_920 : vector<16xi32>
      %add3A_922 = arith.addi %mul3A_921, %select_n3A_915 : vector<16xi32>
      %swap3A_923 = arith.constant 1 : i32
      %swap3A_924 = arith.index_cast %swap3A_923 : i32 to index
      %swap3A_925 = arith.constant 64 : index
      %swap3A_926 = tpu.vector_load %arg8[%swap3A_924, %swap3A_925] {strides = array<i32>} : memref<5x80xi32, #tpu.memory_space<vmem>>, vector<1x16xi32>,
      %swap3A_927 = vector.shape_cast %swap3A_926 : vector<1x16xi32> to vector<16xi32>
      %swap3A_928 = vector.shape_cast %add3A_922 : vector<16xi32> to vector<1x16xi32>
      tpu.vector_store %arg8[%swap3A_924, %swap3A_925], %swap3A_928 {strides = array<i32>} : memref<5x80xi32, #tpu.memory_space<vmem>>, vector<1x16xi32>,
      %add3A_929 = arith.constant 60 : i32
      %add3A_930 = vector.broadcast %add3A_929 : i32 to vector<16xi32>
      %add3A_931 = arith.addi %add3A_930, %iota3A : vector<16xi32>
      %ge3A_932 = arith.constant 100 : i32
      %ge3A_933 = vector.broadcast %ge3A_932 : i32 to vector<16xi32>
      %ge3A_934 = arith.cmpi sge, %add3A_931, %ge3A_933 : vector<16xi32>
      %sub3A_935 = arith.constant 100 : i32
      %sub3A_936 = vector.broadcast %sub3A_935 : i32 to vector<16xi32>
      %sub3A_937 = arith.subi %add3A_931, %sub3A_936 : vector<16xi32>
      %select_n3A_938 = arith.select %ge3A_934, %sub3A_937, %add3A_931 : vector<16xi1>, vector<16xi32>
      %get3A_939 = arith.constant 160 : index
      %get3A_940 = tpu.vector_load %arg6[%get3A_939] {strides = array<i32>} : memref<400xi32, #tpu.memory_space<vmem>>, vector<16xi32>,
      %get3A_941 = vector.shape_cast %get3A_940 : vector<16xi32> to vector<16xi32>
      %mul3A_942 = arith.constant 100 : i32
      %mul3A_943 = vector.broadcast %mul3A_942 : i32 to vector<16xi32>
      %mul3A_944 = arith.muli %get3A_941, %mul3A_943 : vector<16xi32>
      %add3A_945 = arith.addi %mul3A_944, %select_n3A_938 : vector<16xi32>
      %swap3A_946 = arith.constant 2 : i32
      %swap3A_947 = arith.index_cast %swap3A_946 : i32 to index
      %swap3A_948 = arith.constant 0 : index
      %swap3A_949 = tpu.vector_load %arg8[%swap3A_947, %swap3A_948] {strides = array<i32>} : memref<5x80xi32, #tpu.memory_space<vmem>>, vector<1x16xi32>,
      %swap3A_950 = vector.shape_cast %swap3A_949 : vector<1x16xi32> to vector<16xi32>
      %swap3A_951 = vector.shape_cast %add3A_945 : vector<16xi32> to vector<1x16xi32>
      tpu.vector_store %arg8[%swap3A_947, %swap3A_948], %swap3A_951 {strides = array<i32>} : memref<5x80xi32, #tpu.memory_space<vmem>>, vector<1x16xi32>,
      %add3A_952 = arith.constant 76 : i32
      %add3A_953 = vector.broadcast %add3A_952 : i32 to vector<16xi32>
      %add3A_954 = arith.addi %add3A_953, %iota3A : vector<16xi32>
      %ge3A_955 = arith.constant 100 : i32
      %ge3A_956 = vector.broadcast %ge3A_955 : i32 to vector<16xi32>
      %ge3A_957 = arith.cmpi sge, %add3A_954, %ge3A_956 : vector<16xi32>
      %sub3A_958 = arith.constant 100 : i32
      %sub3A_959 = vector.broadcast %sub3A_958 : i32 to vector<16xi32>
      %sub3A_960 = arith.subi %add3A_954, %sub3A_959 : vector<16xi32>
      %select_n3A_961 = arith.select %ge3A_957, %sub3A_960, %add3A_954 : vector<16xi1>, vector<16xi32>
      %get3A_962 = arith.constant 176 : index
      %get3A_963 = tpu.vector_load %arg6[%get3A_962] {strides = array<i32>} : memref<400xi32, #tpu.memory_space<vmem>>, vector<16xi32>,
      %get3A_964 = vector.shape_cast %get3A_963 : vector<16xi32> to vector<16xi32>
      %mul3A_965 = arith.constant 100 : i32
      %mul3A_966 = vector.broadcast %mul3A_965 : i32 to vector<16xi32>
      %mul3A_967 = arith.muli %get3A_964, %mul3A_966 : vector<16xi32>
      %add3A_968 = arith.addi %mul3A_967, %select_n3A_961 : vector<16xi32>
      %swap3A_969 = arith.constant 2 : i32
      %swap3A_970 = arith.index_cast %swap3A_969 : i32 to index
      %swap3A_971 = arith.constant 16 : index
      %swap3A_972 = tpu.vector_load %arg8[%swap3A_970, %swap3A_971] {strides = array<i32>} : memref<5x80xi32, #tpu.memory_space<vmem>>, vector<1x16xi32>,
      %swap3A_973 = vector.shape_cast %swap3A_972 : vector<1x16xi32> to vector<16xi32>
      %swap3A_974 = vector.shape_cast %add3A_968 : vector<16xi32> to vector<1x16xi32>
      tpu.vector_store %arg8[%swap3A_970, %swap3A_971], %swap3A_974 {strides = array<i32>} : memref<5x80xi32, #tpu.memory_space<vmem>>, vector<1x16xi32>,
      %add3A_975 = arith.constant 92 : i32
      %add3A_976 = vector.broadcast %add3A_975 : i32 to vector<16xi32>
      %add3A_977 = arith.addi %add3A_976, %iota3A : vector<16xi32>
      %ge3A_978 = arith.constant 100 : i32
      %ge3A_979 = vector.broadcast %ge3A_978 : i32 to vector<16xi32>
      %ge3A_980 = arith.cmpi sge, %add3A_977, %ge3A_979 : vector<16xi32>
      %sub3A_981 = arith.constant 100 : i32
      %sub3A_982 = vector.broadcast %sub3A_981 : i32 to vector<16xi32>
      %sub3A_983 = arith.subi %add3A_977, %sub3A_982 : vector<16xi32>
      %select_n3A_984 = arith.select %ge3A_980, %sub3A_983, %add3A_977 : vector<16xi1>, vector<16xi32>
      %get3A_985 = arith.constant 192 : index
      %get3A_986 = tpu.vector_load %arg6[%get3A_985] {strides = array<i32>} : memref<400xi32, #tpu.memory_space<vmem>>, vector<16xi32>,
      %get3A_987 = vector.shape_cast %get3A_986 : vector<16xi32> to vector<16xi32>
      %mul3A_988 = arith.constant 100 : i32
      %mul3A_989 = vector.broadcast %mul3A_988 : i32 to vector<16xi32>
      %mul3A_990 = arith.muli %get3A_987, %mul3A_989 : vector<16xi32>
      %add3A_991 = arith.addi %mul3A_990, %select_n3A_984 : vector<16xi32>
      %swap3A_992 = arith.constant 2 : i32
      %swap3A_993 = arith.index_cast %swap3A_992 : i32 to index
      %swap3A_994 = arith.constant 32 : index
      %swap3A_995 = tpu.vector_load %arg8[%swap3A_993, %swap3A_994] {strides = array<i32>} : memref<5x80xi32, #tpu.memory_space<vmem>>, vector<1x16xi32>,
      %swap3A_996 = vector.shape_cast %swap3A_995 : vector<1x16xi32> to vector<16xi32>
      %swap3A_997 = vector.shape_cast %add3A_991 : vector<16xi32> to vector<1x16xi32>
      tpu.vector_store %arg8[%swap3A_993, %swap3A_994], %swap3A_997 {strides = array<i32>} : memref<5x80xi32, #tpu.memory_space<vmem>>, vector<1x16xi32>,
      %add3A_998 = arith.constant 8 : i32
      %add3A_999 = vector.broadcast %add3A_998 : i32 to vector<16xi32>
      %add3A_1000 = arith.addi %add3A_999, %iota3A : vector<16xi32>
      %ge3A_1001 = arith.constant 100 : i32
      %ge3A_1002 = vector.broadcast %ge3A_1001 : i32 to vector<16xi32>
      %ge3A_1003 = arith.cmpi sge, %add3A_1000, %ge3A_1002 : vector<16xi32>
      %sub3A_1004 = arith.constant 100 : i32
      %sub3A_1005 = vector.broadcast %sub3A_1004 : i32 to vector<16xi32>
      %sub3A_1006 = arith.subi %add3A_1000, %sub3A_1005 : vector<16xi32>
      %select_n3A_1007 = arith.select %ge3A_1003, %sub3A_1006, %add3A_1000 : vector<16xi1>, vector<16xi32>
      %get3A_1008 = arith.constant 208 : index
      %get3A_1009 = tpu.vector_load %arg6[%get3A_1008] {strides = array<i32>} : memref<400xi32, #tpu.memory_space<vmem>>, vector<16xi32>,
      %get3A_1010 = vector.shape_cast %get3A_1009 : vector<16xi32> to vector<16xi32>
      %mul3A_1011 = arith.constant 100 : i32
      %mul3A_1012 = vector.broadcast %mul3A_1011 : i32 to vector<16xi32>
      %mul3A_1013 = arith.muli %get3A_1010, %mul3A_1012 : vector<16xi32>
      %add3A_1014 = arith.addi %mul3A_1013, %select_n3A_1007 : vector<16xi32>
      %swap3A_1015 = arith.constant 2 : i32
      %swap3A_1016 = arith.index_cast %swap3A_1015 : i32 to index
      %swap3A_1017 = arith.constant 48 : index
      %swap3A_1018 = tpu.vector_load %arg8[%swap3A_1016, %swap3A_1017] {strides = array<i32>} : memref<5x80xi32, #tpu.memory_space<vmem>>, vector<1x16xi32>,
      %swap3A_1019 = vector.shape_cast %swap3A_1018 : vector<1x16xi32> to vector<16xi32>
      %swap3A_1020 = vector.shape_cast %add3A_1014 : vector<16xi32> to vector<1x16xi32>
      tpu.vector_store %arg8[%swap3A_1016, %swap3A_1017], %swap3A_1020 {strides = array<i32>} : memref<5x80xi32, #tpu.memory_space<vmem>>, vector<1x16xi32>,
      %add3A_1021 = arith.constant 24 : i32
      %add3A_1022 = vector.broadcast %add3A_1021 : i32 to vector<16xi32>
      %add3A_1023 = arith.addi %add3A_1022, %iota3A : vector<16xi32>
      %ge3A_1024 = arith.constant 100 : i32
      %ge3A_1025 = vector.broadcast %ge3A_1024 : i32 to vector<16xi32>
      %ge3A_1026 = arith.cmpi sge, %add3A_1023, %ge3A_1025 : vector<16xi32>
      %sub3A_1027 = arith.constant 100 : i32
      %sub3A_1028 = vector.broadcast %sub3A_1027 : i32 to vector<16xi32>
      %sub3A_1029 = arith.subi %add3A_1023, %sub3A_1028 : vector<16xi32>
      %select_n3A_1030 = arith.select %ge3A_1026, %sub3A_1029, %add3A_1023 : vector<16xi1>, vector<16xi32>
      %get3A_1031 = arith.constant 224 : index
      %get3A_1032 = tpu.vector_load %arg6[%get3A_1031] {strides = array<i32>} : memref<400xi32, #tpu.memory_space<vmem>>, vector<16xi32>,
      %get3A_1033 = vector.shape_cast %get3A_1032 : vector<16xi32> to vector<16xi32>
      %mul3A_1034 = arith.constant 100 : i32
      %mul3A_1035 = vector.broadcast %mul3A_1034 : i32 to vector<16xi32>
      %mul3A_1036 = arith.muli %get3A_1033, %mul3A_1035 : vector<16xi32>
      %add3A_1037 = arith.addi %mul3A_1036, %select_n3A_1030 : vector<16xi32>
      %swap3A_1038 = arith.constant 2 : i32
      %swap3A_1039 = arith.index_cast %swap3A_1038 : i32 to index
      %swap3A_1040 = arith.constant 64 : index
      %swap3A_1041 = tpu.vector_load %arg8[%swap3A_1039, %swap3A_1040] {strides = array<i32>} : memref<5x80xi32, #tpu.memory_space<vmem>>, vector<1x16xi32>,
      %swap3A_1042 = vector.shape_cast %swap3A_1041 : vector<1x16xi32> to vector<16xi32>
      %swap3A_1043 = vector.shape_cast %add3A_1037 : vector<16xi32> to vector<1x16xi32>
      tpu.vector_store %arg8[%swap3A_1039, %swap3A_1040], %swap3A_1043 {strides = array<i32>} : memref<5x80xi32, #tpu.memory_space<vmem>>, vector<1x16xi32>,
      %add3A_1044 = arith.constant 40 : i32
      %add3A_1045 = vector.broadcast %add3A_1044 : i32 to vector<16xi32>
      %add3A_1046 = arith.addi %add3A_1045, %iota3A : vector<16xi32>
      %ge3A_1047 = arith.constant 100 : i32
      %ge3A_1048 = vector.broadcast %ge3A_1047 : i32 to vector<16xi32>
      %ge3A_1049 = arith.cmpi sge, %add3A_1046, %ge3A_1048 : vector<16xi32>
      %sub3A_1050 = arith.constant 100 : i32
      %sub3A_1051 = vector.broadcast %sub3A_1050 : i32 to vector<16xi32>
      %sub3A_1052 = arith.subi %add3A_1046, %sub3A_1051 : vector<16xi32>
      %select_n3A_1053 = arith.select %ge3A_1049, %sub3A_1052, %add3A_1046 : vector<16xi1>, vector<16xi32>
      %get3A_1054 = arith.constant 240 : index
      %get3A_1055 = tpu.vector_load %arg6[%get3A_1054] {strides = array<i32>} : memref<400xi32, #tpu.memory_space<vmem>>, vector<16xi32>,
      %get3A_1056 = vector.shape_cast %get3A_1055 : vector<16xi32> to vector<16xi32>
      %mul3A_1057 = arith.constant 100 : i32
      %mul3A_1058 = vector.broadcast %mul3A_1057 : i32 to vector<16xi32>
      %mul3A_1059 = arith.muli %get3A_1056, %mul3A_1058 : vector<16xi32>
      %add3A_1060 = arith.addi %mul3A_1059, %select_n3A_1053 : vector<16xi32>
      %swap3A_1061 = arith.constant 3 : i32
      %swap3A_1062 = arith.index_cast %swap3A_1061 : i32 to index
      %swap3A_1063 = arith.constant 0 : index
      %swap3A_1064 = tpu.vector_load %arg8[%swap3A_1062, %swap3A_1063] {strides = array<i32>} : memref<5x80xi32, #tpu.memory_space<vmem>>, vector<1x16xi32>,
      %swap3A_1065 = vector.shape_cast %swap3A_1064 : vector<1x16xi32> to vector<16xi32>
      %swap3A_1066 = vector.shape_cast %add3A_1060 : vector<16xi32> to vector<1x16xi32>
      tpu.vector_store %arg8[%swap3A_1062, %swap3A_1063], %swap3A_1066 {strides = array<i32>} : memref<5x80xi32, #tpu.memory_space<vmem>>, vector<1x16xi32>,
      %add3A_1067 = arith.constant 56 : i32
      %add3A_1068 = vector.broadcast %add3A_1067 : i32 to vector<16xi32>
      %add3A_1069 = arith.addi %add3A_1068, %iota3A : vector<16xi32>
      %ge3A_1070 = arith.constant 100 : i32
      %ge3A_1071 = vector.broadcast %ge3A_1070 : i32 to vector<16xi32>
      %ge3A_1072 = arith.cmpi sge, %add3A_1069, %ge3A_1071 : vector<16xi32>
      %sub3A_1073 = arith.constant 100 : i32
      %sub3A_1074 = vector.broadcast %sub3A_1073 : i32 to vector<16xi32>
      %sub3A_1075 = arith.subi %add3A_1069, %sub3A_1074 : vector<16xi32>
      %select_n3A_1076 = arith.select %ge3A_1072, %sub3A_1075, %add3A_1069 : vector<16xi1>, vector<16xi32>
      %get3A_1077 = arith.constant 256 : index
      %get3A_1078 = tpu.vector_load %arg6[%get3A_1077] {strides = array<i32>} : memref<400xi32, #tpu.memory_space<vmem>>, vector<16xi32>,
      %get3A_1079 = vector.shape_cast %get3A_1078 : vector<16xi32> to vector<16xi32>
      %mul3A_1080 = arith.constant 100 : i32
      %mul3A_1081 = vector.broadcast %mul3A_1080 : i32 to vector<16xi32>
      %mul3A_1082 = arith.muli %get3A_1079, %mul3A_1081 : vector<16xi32>
      %add3A_1083 = arith.addi %mul3A_1082, %select_n3A_1076 : vector<16xi32>
      %swap3A_1084 = arith.constant 3 : i32
      %swap3A_1085 = arith.index_cast %swap3A_1084 : i32 to index
      %swap3A_1086 = arith.constant 16 : index
      %swap3A_1087 = tpu.vector_load %arg8[%swap3A_1085, %swap3A_1086] {strides = array<i32>} : memref<5x80xi32, #tpu.memory_space<vmem>>, vector<1x16xi32>,
      %swap3A_1088 = vector.shape_cast %swap3A_1087 : vector<1x16xi32> to vector<16xi32>
      %swap3A_1089 = vector.shape_cast %add3A_1083 : vector<16xi32> to vector<1x16xi32>
      tpu.vector_store %arg8[%swap3A_1085, %swap3A_1086], %swap3A_1089 {strides = array<i32>} : memref<5x80xi32, #tpu.memory_space<vmem>>, vector<1x16xi32>,
      %add3A_1090 = arith.constant 72 : i32
      %add3A_1091 = vector.broadcast %add3A_1090 : i32 to vector<16xi32>
      %add3A_1092 = arith.addi %add3A_1091, %iota3A : vector<16xi32>
      %ge3A_1093 = arith.constant 100 : i32
      %ge3A_1094 = vector.broadcast %ge3A_1093 : i32 to vector<16xi32>
      %ge3A_1095 = arith.cmpi sge, %add3A_1092, %ge3A_1094 : vector<16xi32>
      %sub3A_1096 = arith.constant 100 : i32
      %sub3A_1097 = vector.broadcast %sub3A_1096 : i32 to vector<16xi32>
      %sub3A_1098 = arith.subi %add3A_1092, %sub3A_1097 : vector<16xi32>
      %select_n3A_1099 = arith.select %ge3A_1095, %sub3A_1098, %add3A_1092 : vector<16xi1>, vector<16xi32>
      %get3A_1100 = arith.constant 272 : index
      %get3A_1101 = tpu.vector_load %arg6[%get3A_1100] {strides = array<i32>} : memref<400xi32, #tpu.memory_space<vmem>>, vector<16xi32>,
      %get3A_1102 = vector.shape_cast %get3A_1101 : vector<16xi32> to vector<16xi32>
      %mul3A_1103 = arith.constant 100 : i32
      %mul3A_1104 = vector.broadcast %mul3A_1103 : i32 to vector<16xi32>
      %mul3A_1105 = arith.muli %get3A_1102, %mul3A_1104 : vector<16xi32>
      %add3A_1106 = arith.addi %mul3A_1105, %select_n3A_1099 : vector<16xi32>
      %swap3A_1107 = arith.constant 3 : i32
      %swap3A_1108 = arith.index_cast %swap3A_1107 : i32 to index
      %swap3A_1109 = arith.constant 32 : index
      %swap3A_1110 = tpu.vector_load %arg8[%swap3A_1108, %swap3A_1109] {strides = array<i32>} : memref<5x80xi32, #tpu.memory_space<vmem>>, vector<1x16xi32>,
      %swap3A_1111 = vector.shape_cast %swap3A_1110 : vector<1x16xi32> to vector<16xi32>
      %swap3A_1112 = vector.shape_cast %add3A_1106 : vector<16xi32> to vector<1x16xi32>
      tpu.vector_store %arg8[%swap3A_1108, %swap3A_1109], %swap3A_1112 {strides = array<i32>} : memref<5x80xi32, #tpu.memory_space<vmem>>, vector<1x16xi32>,
      %add3A_1113 = arith.constant 88 : i32
      %add3A_1114 = vector.broadcast %add3A_1113 : i32 to vector<16xi32>
      %add3A_1115 = arith.addi %add3A_1114, %iota3A : vector<16xi32>
      %ge3A_1116 = arith.constant 100 : i32
      %ge3A_1117 = vector.broadcast %ge3A_1116 : i32 to vector<16xi32>
      %ge3A_1118 = arith.cmpi sge, %add3A_1115, %ge3A_1117 : vector<16xi32>
      %sub3A_1119 = arith.constant 100 : i32
      %sub3A_1120 = vector.broadcast %sub3A_1119 : i32 to vector<16xi32>
      %sub3A_1121 = arith.subi %add3A_1115, %sub3A_1120 : vector<16xi32>
      %select_n3A_1122 = arith.select %ge3A_1118, %sub3A_1121, %add3A_1115 : vector<16xi1>, vector<16xi32>
      %get3A_1123 = arith.constant 288 : index
      %get3A_1124 = tpu.vector_load %arg6[%get3A_1123] {strides = array<i32>} : memref<400xi32, #tpu.memory_space<vmem>>, vector<16xi32>,
      %get3A_1125 = vector.shape_cast %get3A_1124 : vector<16xi32> to vector<16xi32>
      %mul3A_1126 = arith.constant 100 : i32
      %mul3A_1127 = vector.broadcast %mul3A_1126 : i32 to vector<16xi32>
      %mul3A_1128 = arith.muli %get3A_1125, %mul3A_1127 : vector<16xi32>
      %add3A_1129 = arith.addi %mul3A_1128, %select_n3A_1122 : vector<16xi32>
      %swap3A_1130 = arith.constant 3 : i32
      %swap3A_1131 = arith.index_cast %swap3A_1130 : i32 to index
      %swap3A_1132 = arith.constant 48 : index
      %swap3A_1133 = tpu.vector_load %arg8[%swap3A_1131, %swap3A_1132] {strides = array<i32>} : memref<5x80xi32, #tpu.memory_space<vmem>>, vector<1x16xi32>,
      %swap3A_1134 = vector.shape_cast %swap3A_1133 : vector<1x16xi32> to vector<16xi32>
      %swap3A_1135 = vector.shape_cast %add3A_1129 : vector<16xi32> to vector<1x16xi32>
      tpu.vector_store %arg8[%swap3A_1131, %swap3A_1132], %swap3A_1135 {strides = array<i32>} : memref<5x80xi32, #tpu.memory_space<vmem>>, vector<1x16xi32>,
      %add3A_1136 = arith.constant 4 : i32
      %add3A_1137 = vector.broadcast %add3A_1136 : i32 to vector<16xi32>
      %add3A_1138 = arith.addi %add3A_1137, %iota3A : vector<16xi32>
      %ge3A_1139 = arith.constant 100 : i32
      %ge3A_1140 = vector.broadcast %ge3A_1139 : i32 to vector<16xi32>
      %ge3A_1141 = arith.cmpi sge, %add3A_1138, %ge3A_1140 : vector<16xi32>
      %sub3A_1142 = arith.constant 100 : i32
      %sub3A_1143 = vector.broadcast %sub3A_1142 : i32 to vector<16xi32>
      %sub3A_1144 = arith.subi %add3A_1138, %sub3A_1143 : vector<16xi32>
      %select_n3A_1145 = arith.select %ge3A_1141, %sub3A_1144, %add3A_1138 : vector<16xi1>, vector<16xi32>
      %get3A_1146 = arith.constant 304 : index
      %get3A_1147 = tpu.vector_load %arg6[%get3A_1146] {strides = array<i32>} : memref<400xi32, #tpu.memory_space<vmem>>, vector<16xi32>,
      %get3A_1148 = vector.shape_cast %get3A_1147 : vector<16xi32> to vector<16xi32>
      %mul3A_1149 = arith.constant 100 : i32
      %mul3A_1150 = vector.broadcast %mul3A_1149 : i32 to vector<16xi32>
      %mul3A_1151 = arith.muli %get3A_1148, %mul3A_1150 : vector<16xi32>
      %add3A_1152 = arith.addi %mul3A_1151, %select_n3A_1145 : vector<16xi32>
      %swap3A_1153 = arith.constant 3 : i32
      %swap3A_1154 = arith.index_cast %swap3A_1153 : i32 to index
      %swap3A_1155 = arith.constant 64 : index
      %swap3A_1156 = tpu.vector_load %arg8[%swap3A_1154, %swap3A_1155] {strides = array<i32>} : memref<5x80xi32, #tpu.memory_space<vmem>>, vector<1x16xi32>,
      %swap3A_1157 = vector.shape_cast %swap3A_1156 : vector<1x16xi32> to vector<16xi32>
      %swap3A_1158 = vector.shape_cast %add3A_1152 : vector<16xi32> to vector<1x16xi32>
      tpu.vector_store %arg8[%swap3A_1154, %swap3A_1155], %swap3A_1158 {strides = array<i32>} : memref<5x80xi32, #tpu.memory_space<vmem>>, vector<1x16xi32>,
      %add3A_1159 = arith.constant 20 : i32
      %add3A_1160 = vector.broadcast %add3A_1159 : i32 to vector<16xi32>
      %add3A_1161 = arith.addi %add3A_1160, %iota3A : vector<16xi32>
      %ge3A_1162 = arith.constant 100 : i32
      %ge3A_1163 = vector.broadcast %ge3A_1162 : i32 to vector<16xi32>
      %ge3A_1164 = arith.cmpi sge, %add3A_1161, %ge3A_1163 : vector<16xi32>
      %sub3A_1165 = arith.constant 100 : i32
      %sub3A_1166 = vector.broadcast %sub3A_1165 : i32 to vector<16xi32>
      %sub3A_1167 = arith.subi %add3A_1161, %sub3A_1166 : vector<16xi32>
      %select_n3A_1168 = arith.select %ge3A_1164, %sub3A_1167, %add3A_1161 : vector<16xi1>, vector<16xi32>
      %get3A_1169 = arith.constant 320 : index
      %get3A_1170 = tpu.vector_load %arg6[%get3A_1169] {strides = array<i32>} : memref<400xi32, #tpu.memory_space<vmem>>, vector<16xi32>,
      %get3A_1171 = vector.shape_cast %get3A_1170 : vector<16xi32> to vector<16xi32>
      %mul3A_1172 = arith.constant 100 : i32
      %mul3A_1173 = vector.broadcast %mul3A_1172 : i32 to vector<16xi32>
      %mul3A_1174 = arith.muli %get3A_1171, %mul3A_1173 : vector<16xi32>
      %add3A_1175 = arith.addi %mul3A_1174, %select_n3A_1168 : vector<16xi32>
      %swap3A_1176 = arith.constant 4 : i32
      %swap3A_1177 = arith.index_cast %swap3A_1176 : i32 to index
      %swap3A_1178 = arith.constant 0 : index
      %swap3A_1179 = tpu.vector_load %arg8[%swap3A_1177, %swap3A_1178] {strides = array<i32>} : memref<5x80xi32, #tpu.memory_space<vmem>>, vector<1x16xi32>,
      %swap3A_1180 = vector.shape_cast %swap3A_1179 : vector<1x16xi32> to vector<16xi32>
      %swap3A_1181 = vector.shape_cast %add3A_1175 : vector<16xi32> to vector<1x16xi32>
      tpu.vector_store %arg8[%swap3A_1177, %swap3A_1178], %swap3A_1181 {strides = array<i32>} : memref<5x80xi32, #tpu.memory_space<vmem>>, vector<1x16xi32>,
      %add3A_1182 = arith.constant 36 : i32
      %add3A_1183 = vector.broadcast %add3A_1182 : i32 to vector<16xi32>
      %add3A_1184 = arith.addi %add3A_1183, %iota3A : vector<16xi32>
      %ge3A_1185 = arith.constant 100 : i32
      %ge3A_1186 = vector.broadcast %ge3A_1185 : i32 to vector<16xi32>
      %ge3A_1187 = arith.cmpi sge, %add3A_1184, %ge3A_1186 : vector<16xi32>
      %sub3A_1188 = arith.constant 100 : i32
      %sub3A_1189 = vector.broadcast %sub3A_1188 : i32 to vector<16xi32>
      %sub3A_1190 = arith.subi %add3A_1184, %sub3A_1189 : vector<16xi32>
      %select_n3A_1191 = arith.select %ge3A_1187, %sub3A_1190, %add3A_1184 : vector<16xi1>, vector<16xi32>
      %get3A_1192 = arith.constant 336 : index
      %get3A_1193 = tpu.vector_load %arg6[%get3A_1192] {strides = array<i32>} : memref<400xi32, #tpu.memory_space<vmem>>, vector<16xi32>,
      %get3A_1194 = vector.shape_cast %get3A_1193 : vector<16xi32> to vector<16xi32>
      %mul3A_1195 = arith.constant 100 : i32
      %mul3A_1196 = vector.broadcast %mul3A_1195 : i32 to vector<16xi32>
      %mul3A_1197 = arith.muli %get3A_1194, %mul3A_1196 : vector<16xi32>
      %add3A_1198 = arith.addi %mul3A_1197, %select_n3A_1191 : vector<16xi32>
      %swap3A_1199 = arith.constant 4 : i32
      %swap3A_1200 = arith.index_cast %swap3A_1199 : i32 to index
      %swap3A_1201 = arith.constant 16 : index
      %swap3A_1202 = tpu.vector_load %arg8[%swap3A_1200, %swap3A_1201] {strides = array<i32>} : memref<5x80xi32, #tpu.memory_space<vmem>>, vector<1x16xi32>,
      %swap3A_1203 = vector.shape_cast %swap3A_1202 : vector<1x16xi32> to vector<16xi32>
      %swap3A_1204 = vector.shape_cast %add3A_1198 : vector<16xi32> to vector<1x16xi32>
      tpu.vector_store %arg8[%swap3A_1200, %swap3A_1201], %swap3A_1204 {strides = array<i32>} : memref<5x80xi32, #tpu.memory_space<vmem>>, vector<1x16xi32>,
      %add3A_1205 = arith.constant 52 : i32
      %add3A_1206 = vector.broadcast %add3A_1205 : i32 to vector<16xi32>
      %add3A_1207 = arith.addi %add3A_1206, %iota3A : vector<16xi32>
      %ge3A_1208 = arith.constant 100 : i32
      %ge3A_1209 = vector.broadcast %ge3A_1208 : i32 to vector<16xi32>
      %ge3A_1210 = arith.cmpi sge, %add3A_1207, %ge3A_1209 : vector<16xi32>
      %sub3A_1211 = arith.constant 100 : i32
      %sub3A_1212 = vector.broadcast %sub3A_1211 : i32 to vector<16xi32>
      %sub3A_1213 = arith.subi %add3A_1207, %sub3A_1212 : vector<16xi32>
      %select_n3A_1214 = arith.select %ge3A_1210, %sub3A_1213, %add3A_1207 : vector<16xi1>, vector<16xi32>
      %get3A_1215 = arith.constant 352 : index
      %get3A_1216 = tpu.vector_load %arg6[%get3A_1215] {strides = array<i32>} : memref<400xi32, #tpu.memory_space<vmem>>, vector<16xi32>,
      %get3A_1217 = vector.shape_cast %get3A_1216 : vector<16xi32> to vector<16xi32>
      %mul3A_1218 = arith.constant 100 : i32
      %mul3A_1219 = vector.broadcast %mul3A_1218 : i32 to vector<16xi32>
      %mul3A_1220 = arith.muli %get3A_1217, %mul3A_1219 : vector<16xi32>
      %add3A_1221 = arith.addi %mul3A_1220, %select_n3A_1214 : vector<16xi32>
      %swap3A_1222 = arith.constant 4 : i32
      %swap3A_1223 = arith.index_cast %swap3A_1222 : i32 to index
      %swap3A_1224 = arith.constant 32 : index
      %swap3A_1225 = tpu.vector_load %arg8[%swap3A_1223, %swap3A_1224] {strides = array<i32>} : memref<5x80xi32, #tpu.memory_space<vmem>>, vector<1x16xi32>,
      %swap3A_1226 = vector.shape_cast %swap3A_1225 : vector<1x16xi32> to vector<16xi32>
      %swap3A_1227 = vector.shape_cast %add3A_1221 : vector<16xi32> to vector<1x16xi32>
      tpu.vector_store %arg8[%swap3A_1223, %swap3A_1224], %swap3A_1227 {strides = array<i32>} : memref<5x80xi32, #tpu.memory_space<vmem>>, vector<1x16xi32>,
      %add3A_1228 = arith.constant 68 : i32
      %add3A_1229 = vector.broadcast %add3A_1228 : i32 to vector<16xi32>
      %add3A_1230 = arith.addi %add3A_1229, %iota3A : vector<16xi32>
      %ge3A_1231 = arith.constant 100 : i32
      %ge3A_1232 = vector.broadcast %ge3A_1231 : i32 to vector<16xi32>
      %ge3A_1233 = arith.cmpi sge, %add3A_1230, %ge3A_1232 : vector<16xi32>
      %sub3A_1234 = arith.constant 100 : i32
      %sub3A_1235 = vector.broadcast %sub3A_1234 : i32 to vector<16xi32>
      %sub3A_1236 = arith.subi %add3A_1230, %sub3A_1235 : vector<16xi32>
      %select_n3A_1237 = arith.select %ge3A_1233, %sub3A_1236, %add3A_1230 : vector<16xi1>, vector<16xi32>
      %get3A_1238 = arith.constant 368 : index
      %get3A_1239 = tpu.vector_load %arg6[%get3A_1238] {strides = array<i32>} : memref<400xi32, #tpu.memory_space<vmem>>, vector<16xi32>,
      %get3A_1240 = vector.shape_cast %get3A_1239 : vector<16xi32> to vector<16xi32>
      %mul3A_1241 = arith.constant 100 : i32
      %mul3A_1242 = vector.broadcast %mul3A_1241 : i32 to vector<16xi32>
      %mul3A_1243 = arith.muli %get3A_1240, %mul3A_1242 : vector<16xi32>
      %add3A_1244 = arith.addi %mul3A_1243, %select_n3A_1237 : vector<16xi32>
      %swap3A_1245 = arith.constant 4 : i32
      %swap3A_1246 = arith.index_cast %swap3A_1245 : i32 to index
      %swap3A_1247 = arith.constant 48 : index
      %swap3A_1248 = tpu.vector_load %arg8[%swap3A_1246, %swap3A_1247] {strides = array<i32>} : memref<5x80xi32, #tpu.memory_space<vmem>>, vector<1x16xi32>,
      %swap3A_1249 = vector.shape_cast %swap3A_1248 : vector<1x16xi32> to vector<16xi32>
      %swap3A_1250 = vector.shape_cast %add3A_1244 : vector<16xi32> to vector<1x16xi32>
      tpu.vector_store %arg8[%swap3A_1246, %swap3A_1247], %swap3A_1250 {strides = array<i32>} : memref<5x80xi32, #tpu.memory_space<vmem>>, vector<1x16xi32>,
      %add3A_1251 = arith.constant 84 : i32
      %add3A_1252 = vector.broadcast %add3A_1251 : i32 to vector<16xi32>
      %add3A_1253 = arith.addi %add3A_1252, %iota3A : vector<16xi32>
      %ge3A_1254 = arith.constant 100 : i32
      %ge3A_1255 = vector.broadcast %ge3A_1254 : i32 to vector<16xi32>
      %ge3A_1256 = arith.cmpi sge, %add3A_1253, %ge3A_1255 : vector<16xi32>
      %sub3A_1257 = arith.constant 100 : i32
      %sub3A_1258 = vector.broadcast %sub3A_1257 : i32 to vector<16xi32>
      %sub3A_1259 = arith.subi %add3A_1253, %sub3A_1258 : vector<16xi32>
      %select_n3A_1260 = arith.select %ge3A_1256, %sub3A_1259, %add3A_1253 : vector<16xi1>, vector<16xi32>
      %get3A_1261 = arith.constant 384 : index
      %get3A_1262 = tpu.vector_load %arg6[%get3A_1261] {strides = array<i32>} : memref<400xi32, #tpu.memory_space<vmem>>, vector<16xi32>,
      %get3A_1263 = vector.shape_cast %get3A_1262 : vector<16xi32> to vector<16xi32>
      %mul3A_1264 = arith.constant 100 : i32
      %mul3A_1265 = vector.broadcast %mul3A_1264 : i32 to vector<16xi32>
      %mul3A_1266 = arith.muli %get3A_1263, %mul3A_1265 : vector<16xi32>
      %add3A_1267 = arith.addi %mul3A_1266, %select_n3A_1260 : vector<16xi32>
      %swap3A_1268 = arith.constant 4 : i32
      %swap3A_1269 = arith.index_cast %swap3A_1268 : i32 to index
      %swap3A_1270 = arith.constant 64 : index
      %swap3A_1271 = tpu.vector_load %arg8[%swap3A_1269, %swap3A_1270] {strides = array<i32>} : memref<5x80xi32, #tpu.memory_space<vmem>>, vector<1x16xi32>,
      %swap3A_1272 = vector.shape_cast %swap3A_1271 : vector<1x16xi32> to vector<16xi32>
      %swap3A_1273 = vector.shape_cast %add3A_1267 : vector<16xi32> to vector<1x16xi32>
      tpu.vector_store %arg8[%swap3A_1269, %swap3A_1270], %swap3A_1273 {strides = array<i32>} : memref<5x80xi32, #tpu.memory_space<vmem>>, vector<1x16xi32>,
      %dma_wait3A_1274 = arith.constant 0 : i32
      %dma_wait3A_1275 = arith.constant 0 : i32
      %dma_wait3A_1276 = tpu.memref_slice %arg9[%dma_wait3A_1274, %dma_wait3A_1275] : memref<400x128xf32, #tpu.memory_space<vmem>> -> memref<80x128xf32, #tpu.memory_space<vmem>>
      %dma_wait3A_1277 = arith.constant 0 : i32
      %dma_wait3A_1278 = arith.constant 0 : i32
      %dma_wait3A_1279 = tpu.memref_slice %arg2[%dma_wait3A_1277, %dma_wait3A_1278] : memref<1000x128xf32, #tpu.memory_space<hbm>> -> memref<80x128xf32, #tpu.memory_space<hbm>>
      %dma_wait3A_1280 = arith.constant 0 : i32
      %dma_wait3A_1281 = arith.constant 0 : i32
      %dma_wait3A_1282 = tpu.memref_slice %arg9[%dma_wait3A_1280, %dma_wait3A_1281] : memref<400x128xf32, #tpu.memory_space<vmem>> -> memref<80x128xf32, #tpu.memory_space<vmem>>
      %dma_wait3A_1283 = arith.constant 0 : i32
      %dma_wait3A_1284 = arith.constant 0 : i32
      %dma_wait3A_1285 = tpu.memref_slice %arg2[%dma_wait3A_1283, %dma_wait3A_1284] : memref<1000x128xf32, #tpu.memory_space<hbm>> -> memref<80x128xf32, #tpu.memory_space<hbm>>
      tpu.wait_dma2 semaphore(%arg11 : memref<!tpu.dma_semaphore, #tpu.memory_space<semaphore_mem>>) src(%dma_wait3A_1285 : memref<80x128xf32, #tpu.memory_space<hbm>>) dst(%dma_wait3A_1282 : memref<80x128xf32, #tpu.memory_space<vmem>>)
      %dma_wait3A_1286 = arith.constant 80 : i32
      %dma_wait3A_1287 = arith.constant 0 : i32
      %dma_wait3A_1288 = tpu.memref_slice %arg9[%dma_wait3A_1286, %dma_wait3A_1287] : memref<400x128xf32, #tpu.memory_space<vmem>> -> memref<80x128xf32, #tpu.memory_space<vmem>>
      %dma_wait3A_1289 = arith.constant 0 : i32
      %dma_wait3A_1290 = arith.constant 0 : i32
      %dma_wait3A_1291 = tpu.memref_slice %arg2[%dma_wait3A_1289, %dma_wait3A_1290] : memref<1000x128xf32, #tpu.memory_space<hbm>> -> memref<80x128xf32, #tpu.memory_space<hbm>>
      %dma_wait3A_1292 = arith.constant 80 : i32
      %dma_wait3A_1293 = arith.constant 0 : i32
      %dma_wait3A_1294 = tpu.memref_slice %arg9[%dma_wait3A_1292, %dma_wait3A_1293] : memref<400x128xf32, #tpu.memory_space<vmem>> -> memref<80x128xf32, #tpu.memory_space<vmem>>
      %dma_wait3A_1295 = arith.constant 0 : i32
      %dma_wait3A_1296 = arith.constant 0 : i32
      %dma_wait3A_1297 = tpu.memref_slice %arg2[%dma_wait3A_1295, %dma_wait3A_1296] : memref<1000x128xf32, #tpu.memory_space<hbm>> -> memref<80x128xf32, #tpu.memory_space<hbm>>
      tpu.wait_dma2 semaphore(%arg11 : memref<!tpu.dma_semaphore, #tpu.memory_space<semaphore_mem>>) src(%dma_wait3A_1297 : memref<80x128xf32, #tpu.memory_space<hbm>>) dst(%dma_wait3A_1294 : memref<80x128xf32, #tpu.memory_space<vmem>>)
      %dma_wait3A_1298 = arith.constant 160 : i32
      %dma_wait3A_1299 = arith.constant 0 : i32
      %dma_wait3A_1300 = tpu.memref_slice %arg9[%dma_wait3A_1298, %dma_wait3A_1299] : memref<400x128xf32, #tpu.memory_space<vmem>> -> memref<80x128xf32, #tpu.memory_space<vmem>>
      %dma_wait3A_1301 = arith.constant 0 : i32
      %dma_wait3A_1302 = arith.constant 0 : i32
      %dma_wait3A_1303 = tpu.memref_slice %arg2[%dma_wait3A_1301, %dma_wait3A_1302] : memref<1000x128xf32, #tpu.memory_space<hbm>> -> memref<80x128xf32, #tpu.memory_space<hbm>>
      %dma_wait3A_1304 = arith.constant 160 : i32
      %dma_wait3A_1305 = arith.constant 0 : i32
      %dma_wait3A_1306 = tpu.memref_slice %arg9[%dma_wait3A_1304, %dma_wait3A_1305] : memref<400x128xf32, #tpu.memory_space<vmem>> -> memref<80x128xf32, #tpu.memory_space<vmem>>
      %dma_wait3A_1307 = arith.constant 0 : i32
      %dma_wait3A_1308 = arith.constant 0 : i32
      %dma_wait3A_1309 = tpu.memref_slice %arg2[%dma_wait3A_1307, %dma_wait3A_1308] : memref<1000x128xf32, #tpu.memory_space<hbm>> -> memref<80x128xf32, #tpu.memory_space<hbm>>
      tpu.wait_dma2 semaphore(%arg11 : memref<!tpu.dma_semaphore, #tpu.memory_space<semaphore_mem>>) src(%dma_wait3A_1309 : memref<80x128xf32, #tpu.memory_space<hbm>>) dst(%dma_wait3A_1306 : memref<80x128xf32, #tpu.memory_space<vmem>>)
      %dma_wait3A_1310 = arith.constant 240 : i32
      %dma_wait3A_1311 = arith.constant 0 : i32
      %dma_wait3A_1312 = tpu.memref_slice %arg9[%dma_wait3A_1310, %dma_wait3A_1311] : memref<400x128xf32, #tpu.memory_space<vmem>> -> memref<80x128xf32, #tpu.memory_space<vmem>>
      %dma_wait3A_1313 = arith.constant 0 : i32
      %dma_wait3A_1314 = arith.constant 0 : i32
      %dma_wait3A_1315 = tpu.memref_slice %arg2[%dma_wait3A_1313, %dma_wait3A_1314] : memref<1000x128xf32, #tpu.memory_space<hbm>> -> memref<80x128xf32, #tpu.memory_space<hbm>>
      %dma_wait3A_1316 = arith.constant 240 : i32
      %dma_wait3A_1317 = arith.constant 0 : i32
      %dma_wait3A_1318 = tpu.memref_slice %arg9[%dma_wait3A_1316, %dma_wait3A_1317] : memref<400x128xf32, #tpu.memory_space<vmem>> -> memref<80x128xf32, #tpu.memory_space<vmem>>
      %dma_wait3A_1319 = arith.constant 0 : i32
      %dma_wait3A_1320 = arith.constant 0 : i32
      %dma_wait3A_1321 = tpu.memref_slice %arg2[%dma_wait3A_1319, %dma_wait3A_1320] : memref<1000x128xf32, #tpu.memory_space<hbm>> -> memref<80x128xf32, #tpu.memory_space<hbm>>
      tpu.wait_dma2 semaphore(%arg11 : memref<!tpu.dma_semaphore, #tpu.memory_space<semaphore_mem>>) src(%dma_wait3A_1321 : memref<80x128xf32, #tpu.memory_space<hbm>>) dst(%dma_wait3A_1318 : memref<80x128xf32, #tpu.memory_space<vmem>>)
      %dma_wait3A_1322 = arith.constant 320 : i32
      %dma_wait3A_1323 = arith.constant 0 : i32
      %dma_wait3A_1324 = tpu.memref_slice %arg9[%dma_wait3A_1322, %dma_wait3A_1323] : memref<400x128xf32, #tpu.memory_space<vmem>> -> memref<80x128xf32, #tpu.memory_space<vmem>>
      %dma_wait3A_1325 = arith.constant 0 : i32
      %dma_wait3A_1326 = arith.constant 0 : i32
      %dma_wait3A_1327 = tpu.memref_slice %arg2[%dma_wait3A_1325, %dma_wait3A_1326] : memref<1000x128xf32, #tpu.memory_space<hbm>> -> memref<80x128xf32, #tpu.memory_space<hbm>>
      %dma_wait3A_1328 = arith.constant 320 : i32
      %dma_wait3A_1329 = arith.constant 0 : i32
      %dma_wait3A_1330 = tpu.memref_slice %arg9[%dma_wait3A_1328, %dma_wait3A_1329] : memref<400x128xf32, #tpu.memory_space<vmem>> -> memref<80x128xf32, #tpu.memory_space<vmem>>
      %dma_wait3A_1331 = arith.constant 0 : i32
      %dma_wait3A_1332 = arith.constant 0 : i32
      %dma_wait3A_1333 = tpu.memref_slice %arg2[%dma_wait3A_1331, %dma_wait3A_1332] : memref<1000x128xf32, #tpu.memory_space<hbm>> -> memref<80x128xf32, #tpu.memory_space<hbm>>
      tpu.wait_dma2 semaphore(%arg11 : memref<!tpu.dma_semaphore, #tpu.memory_space<semaphore_mem>>) src(%dma_wait3A_1333 : memref<80x128xf32, #tpu.memory_space<hbm>>) dst(%dma_wait3A_1330 : memref<80x128xf32, #tpu.memory_space<vmem>>)
      %jit3A = arith.constant 100 : i32
      %div3A = arith.divsi %mul3A_2, %jit3A : i32
      %sign3A = arith.constant 0 : i32
      %sign3A_1334 = arith.cmpi sgt, %mul3A_2, %sign3A : i32
      %sign3A_1335 = arith.extui %sign3A_1334 : i1 to i32
      %sign3A_1336 = arith.constant 0 : i32
      %sign3A_1337 = arith.cmpi slt, %mul3A_2, %sign3A_1336 : i32
      %sign3A_1338 = arith.extui %sign3A_1337 : i1 to i32
      %sign3A_1339 = arith.subi %sign3A_1335, %sign3A_1338 : i32
      %sign3A_1340 = arith.constant 0 : i32
      %sign3A_1341 = arith.cmpi sgt, %jit3A, %sign3A_1340 : i32
      %sign3A_1342 = arith.extui %sign3A_1341 : i1 to i32
      %sign3A_1343 = arith.constant 0 : i32
      %sign3A_1344 = arith.cmpi slt, %jit3A, %sign3A_1343 : i32
      %sign3A_1345 = arith.extui %sign3A_1344 : i1 to i32
      %sign3A_1346 = arith.subi %sign3A_1342, %sign3A_1345 : i32
      %ne3A = arith.cmpi ne, %sign3A_1339, %sign3A_1346 : i32
      %rem3A = arith.remsi %mul3A_2, %jit3A : i32
      %ne3A_1347 = arith.constant 0 : i32
      %ne3A_1348 = arith.cmpi ne, %rem3A, %ne3A_1347 : i32
      %and3A = arith.andi %ne3A, %ne3A_1348 : i1
      %sub3A_1349 = arith.constant 1 : i32
      %sub3A_1350 = arith.subi %div3A, %sub3A_1349 : i32
      %select_n3A_1351 = arith.select %and3A, %sub3A_1350, %div3A : i32
      %mul3A_1352 = arith.constant 4 : i32
      %mul3A_1353 = arith.muli %mul3A_692, %mul3A_1352 : i32
      %add3A_1354 = arith.addi %select_n3A_1351, %mul3A_1353 : i32
      %add3A_1355 = arith.constant 0 : i32
      %add3A_1356 = arith.addi %add3A_1354, %add3A_1355 : i32
      %dma_start3A_1357 = arith.constant 0 : i32
      %dma_start3A_1358 = arith.constant 0 : i32
      %dma_start3A_1359 = tpu.memref_slice %arg9[%dma_start3A_1357, %dma_start3A_1358] : memref<400x128xf32, #tpu.memory_space<vmem>> -> memref<100x128xf32, #tpu.memory_space<vmem>>
      %dma_start3A_1360 = arith.constant 0 : i32
      %dma_start3A_1361 = arith.constant 0 : i32
      %dma_start3A_1362 = tpu.memref_slice %arg4[%add3A_1356, %dma_start3A_1360, %dma_start3A_1361] : memref<4096x100x128xf32, #tpu.memory_space<hbm>> -> memref<1x100x128xf32, #tpu.memory_space<hbm>>
      %dma_start3A_1363 = tpu.memref_squeeze %dma_start3A_1362 : memref<1x100x128xf32, #tpu.memory_space<hbm>> -> memref<100x128xf32, #tpu.memory_space<hbm>>
      %dma_start3A_1364 = arith.constant 0 : i32
      %dma_start3A_1365 = arith.constant 0 : i32
      %dma_start3A_1366 = tpu.memref_slice %arg4[%add3A_1356, %dma_start3A_1364, %dma_start3A_1365] : memref<4096x100x128xf32, #tpu.memory_space<hbm>> -> memref<1x100x128xf32, #tpu.memory_space<hbm>>
      %dma_start3A_1367 = tpu.memref_squeeze %dma_start3A_1366 : memref<1x100x128xf32, #tpu.memory_space<hbm>> -> memref<100x128xf32, #tpu.memory_space<hbm>>
      %dma_start3A_1368 = arith.constant 0 : i32
      %dma_start3A_1369 = arith.constant 0 : i32
      %dma_start3A_1370 = tpu.memref_slice %arg9[%dma_start3A_1368, %dma_start3A_1369] : memref<400x128xf32, #tpu.memory_space<vmem>> -> memref<100x128xf32, #tpu.memory_space<vmem>>
      tpu.enqueue_dma source(%dma_start3A_1370 : memref<100x128xf32, #tpu.memory_space<vmem>>) target(%dma_start3A_1367 : memref<100x128xf32, #tpu.memory_space<hbm>>) target_semaphore(%arg13 : memref<!tpu.dma_semaphore, #tpu.memory_space<semaphore_mem>>)
      %add3A_1371 = arith.constant 1 : i32
      %add3A_1372 = arith.addi %add3A_1354, %add3A_1371 : i32
      %dma_start3A_1373 = arith.constant 100 : i32
      %dma_start3A_1374 = arith.constant 0 : i32
      %dma_start3A_1375 = tpu.memref_slice %arg9[%dma_start3A_1373, %dma_start3A_1374] : memref<400x128xf32, #tpu.memory_space<vmem>> -> memref<100x128xf32, #tpu.memory_space<vmem>>
      %dma_start3A_1376 = arith.constant 0 : i32
      %dma_start3A_1377 = arith.constant 0 : i32
      %dma_start3A_1378 = tpu.memref_slice %arg4[%add3A_1372, %dma_start3A_1376, %dma_start3A_1377] : memref<4096x100x128xf32, #tpu.memory_space<hbm>> -> memref<1x100x128xf32, #tpu.memory_space<hbm>>
      %dma_start3A_1379 = tpu.memref_squeeze %dma_start3A_1378 : memref<1x100x128xf32, #tpu.memory_space<hbm>> -> memref<100x128xf32, #tpu.memory_space<hbm>>
      %dma_start3A_1380 = arith.constant 0 : i32
      %dma_start3A_1381 = arith.constant 0 : i32
      %dma_start3A_1382 = tpu.memref_slice %arg4[%add3A_1372, %dma_start3A_1380, %dma_start3A_1381] : memref<4096x100x128xf32, #tpu.memory_space<hbm>> -> memref<1x100x128xf32, #tpu.memory_space<hbm>>
      %dma_start3A_1383 = tpu.memref_squeeze %dma_start3A_1382 : memref<1x100x128xf32, #tpu.memory_space<hbm>> -> memref<100x128xf32, #tpu.memory_space<hbm>>
      %dma_start3A_1384 = arith.constant 100 : i32
      %dma_start3A_1385 = arith.constant 0 : i32
      %dma_start3A_1386 = tpu.memref_slice %arg9[%dma_start3A_1384, %dma_start3A_1385] : memref<400x128xf32, #tpu.memory_space<vmem>> -> memref<100x128xf32, #tpu.memory_space<vmem>>
      tpu.enqueue_dma source(%dma_start3A_1386 : memref<100x128xf32, #tpu.memory_space<vmem>>) target(%dma_start3A_1383 : memref<100x128xf32, #tpu.memory_space<hbm>>) target_semaphore(%arg13 : memref<!tpu.dma_semaphore, #tpu.memory_space<semaphore_mem>>)
      %add3A_1387 = arith.constant 2 : i32
      %add3A_1388 = arith.addi %add3A_1354, %add3A_1387 : i32
      %dma_start3A_1389 = arith.constant 200 : i32
      %dma_start3A_1390 = arith.constant 0 : i32
      %dma_start3A_1391 = tpu.memref_slice %arg9[%dma_start3A_1389, %dma_start3A_1390] : memref<400x128xf32, #tpu.memory_space<vmem>> -> memref<100x128xf32, #tpu.memory_space<vmem>>
      %dma_start3A_1392 = arith.constant 0 : i32
      %dma_start3A_1393 = arith.constant 0 : i32
      %dma_start3A_1394 = tpu.memref_slice %arg4[%add3A_1388, %dma_start3A_1392, %dma_start3A_1393] : memref<4096x100x128xf32, #tpu.memory_space<hbm>> -> memref<1x100x128xf32, #tpu.memory_space<hbm>>
      %dma_start3A_1395 = tpu.memref_squeeze %dma_start3A_1394 : memref<1x100x128xf32, #tpu.memory_space<hbm>> -> memref<100x128xf32, #tpu.memory_space<hbm>>
      %dma_start3A_1396 = arith.constant 0 : i32
      %dma_start3A_1397 = arith.constant 0 : i32
      %dma_start3A_1398 = tpu.memref_slice %arg4[%add3A_1388, %dma_start3A_1396, %dma_start3A_1397] : memref<4096x100x128xf32, #tpu.memory_space<hbm>> -> memref<1x100x128xf32, #tpu.memory_space<hbm>>
      %dma_start3A_1399 = tpu.memref_squeeze %dma_start3A_1398 : memref<1x100x128xf32, #tpu.memory_space<hbm>> -> memref<100x128xf32, #tpu.memory_space<hbm>>
      %dma_start3A_1400 = arith.constant 200 : i32
      %dma_start3A_1401 = arith.constant 0 : i32
      %dma_start3A_1402 = tpu.memref_slice %arg9[%dma_start3A_1400, %dma_start3A_1401] : memref<400x128xf32, #tpu.memory_space<vmem>> -> memref<100x128xf32, #tpu.memory_space<vmem>>
      tpu.enqueue_dma source(%dma_start3A_1402 : memref<100x128xf32, #tpu.memory_space<vmem>>) target(%dma_start3A_1399 : memref<100x128xf32, #tpu.memory_space<hbm>>) target_semaphore(%arg13 : memref<!tpu.dma_semaphore, #tpu.memory_space<semaphore_mem>>)
      %add3A_1403 = arith.constant 3 : i32
      %add3A_1404 = arith.addi %add3A_1354, %add3A_1403 : i32
      %dma_start3A_1405 = arith.constant 300 : i32
      %dma_start3A_1406 = arith.constant 0 : i32
      %dma_start3A_1407 = tpu.memref_slice %arg9[%dma_start3A_1405, %dma_start3A_1406] : memref<400x128xf32, #tpu.memory_space<vmem>> -> memref<100x128xf32, #tpu.memory_space<vmem>>
      %dma_start3A_1408 = arith.constant 0 : i32
      %dma_start3A_1409 = arith.constant 0 : i32
      %dma_start3A_1410 = tpu.memref_slice %arg4[%add3A_1404, %dma_start3A_1408, %dma_start3A_1409] : memref<4096x100x128xf32, #tpu.memory_space<hbm>> -> memref<1x100x128xf32, #tpu.memory_space<hbm>>
      %dma_start3A_1411 = tpu.memref_squeeze %dma_start3A_1410 : memref<1x100x128xf32, #tpu.memory_space<hbm>> -> memref<100x128xf32, #tpu.memory_space<hbm>>
      %dma_start3A_1412 = arith.constant 0 : i32
      %dma_start3A_1413 = arith.constant 0 : i32
      %dma_start3A_1414 = tpu.memref_slice %arg4[%add3A_1404, %dma_start3A_1412, %dma_start3A_1413] : memref<4096x100x128xf32, #tpu.memory_space<hbm>> -> memref<1x100x128xf32, #tpu.memory_space<hbm>>
      %dma_start3A_1415 = tpu.memref_squeeze %dma_start3A_1414 : memref<1x100x128xf32, #tpu.memory_space<hbm>> -> memref<100x128xf32, #tpu.memory_space<hbm>>
      %dma_start3A_1416 = arith.constant 300 : i32
      %dma_start3A_1417 = arith.constant 0 : i32
      %dma_start3A_1418 = tpu.memref_slice %arg9[%dma_start3A_1416, %dma_start3A_1417] : memref<400x128xf32, #tpu.memory_space<vmem>> -> memref<100x128xf32, #tpu.memory_space<vmem>>
      tpu.enqueue_dma source(%dma_start3A_1418 : memref<100x128xf32, #tpu.memory_space<vmem>>) target(%dma_start3A_1415 : memref<100x128xf32, #tpu.memory_space<hbm>>) target_semaphore(%arg13 : memref<!tpu.dma_semaphore, #tpu.memory_space<semaphore_mem>>)
      %gt3A = arith.constant 0 : i32
      %gt3A_1419 = arith.cmpi sgt, %scan3A_690, %gt3A : i32
      %convert_element_type3A_1420 = arith.extui %gt3A_1419 : i1 to i32
      %cond3A_1421 = arith.constant 0 : i32
      %cond3A_1422 = arith.cmpi ne, %convert_element_type3A_1420, %cond3A_1421 : i32
      scf.if %cond3A_1422 {
        %dma_wait3A_1695 = arith.constant 0 : i32
        %dma_wait3A_1696 = arith.constant 0 : i32
        %dma_wait3A_1697 = arith.constant 0 : i32
        %dma_wait3A_1698 = tpu.memref_slice %arg10[%dma_wait3A_1696, %dma_wait3A_1697] : memref<400x128xf32, #tpu.memory_space<vmem>> -> memref<100x128xf32, #tpu.memory_space<vmem>>
        %dma_wait3A_1699 = arith.constant 0 : i32
        %dma_wait3A_1700 = arith.constant 0 : i32
        %dma_wait3A_1701 = tpu.memref_slice %arg4[%dma_wait3A_1695, %dma_wait3A_1699, %dma_wait3A_1700] : memref<4096x100x128xf32, #tpu.memory_space<hbm>> -> memref<1x100x128xf32, #tpu.memory_space<hbm>>
        %dma_wait3A_1702 = tpu.memref_squeeze %dma_wait3A_1701 : memref<1x100x128xf32, #tpu.memory_space<hbm>> -> memref<100x128xf32, #tpu.memory_space<hbm>>
        %dma_wait3A_1703 = arith.constant 0 : i32
        %dma_wait3A_1704 = arith.constant 0 : i32
        %dma_wait3A_1705 = tpu.memref_slice %arg4[%dma_wait3A_1695, %dma_wait3A_1703, %dma_wait3A_1704] : memref<4096x100x128xf32, #tpu.memory_space<hbm>> -> memref<1x100x128xf32, #tpu.memory_space<hbm>>
        %dma_wait3A_1706 = tpu.memref_squeeze %dma_wait3A_1705 : memref<1x100x128xf32, #tpu.memory_space<hbm>> -> memref<100x128xf32, #tpu.memory_space<hbm>>
        %dma_wait3A_1707 = arith.constant 0 : i32
        %dma_wait3A_1708 = arith.constant 0 : i32
        %dma_wait3A_1709 = tpu.memref_slice %arg10[%dma_wait3A_1707, %dma_wait3A_1708] : memref<400x128xf32, #tpu.memory_space<vmem>> -> memref<100x128xf32, #tpu.memory_space<vmem>>
        tpu.wait_dma2 semaphore(%arg14 : memref<!tpu.dma_semaphore, #tpu.memory_space<semaphore_mem>>) src(%dma_wait3A_1709 : memref<100x128xf32, #tpu.memory_space<vmem>>) dst(%dma_wait3A_1706 : memref<100x128xf32, #tpu.memory_space<hbm>>)
        %dma_wait3A_1710 = arith.constant 0 : i32
        %dma_wait3A_1711 = arith.constant 100 : i32
        %dma_wait3A_1712 = arith.constant 0 : i32
        %dma_wait3A_1713 = tpu.memref_slice %arg10[%dma_wait3A_1711, %dma_wait3A_1712] : memref<400x128xf32, #tpu.memory_space<vmem>> -> memref<100x128xf32, #tpu.memory_space<vmem>>
        %dma_wait3A_1714 = arith.constant 0 : i32
        %dma_wait3A_1715 = arith.constant 0 : i32
        %dma_wait3A_1716 = tpu.memref_slice %arg4[%dma_wait3A_1710, %dma_wait3A_1714, %dma_wait3A_1715] : memref<4096x100x128xf32, #tpu.memory_space<hbm>> -> memref<1x100x128xf32, #tpu.memory_space<hbm>>
        %dma_wait3A_1717 = tpu.memref_squeeze %dma_wait3A_1716 : memref<1x100x128xf32, #tpu.memory_space<hbm>> -> memref<100x128xf32, #tpu.memory_space<hbm>>
        %dma_wait3A_1718 = arith.constant 0 : i32
        %dma_wait3A_1719 = arith.constant 0 : i32
        %dma_wait3A_1720 = tpu.memref_slice %arg4[%dma_wait3A_1710, %dma_wait3A_1718, %dma_wait3A_1719] : memref<4096x100x128xf32, #tpu.memory_space<hbm>> -> memref<1x100x128xf32, #tpu.memory_space<hbm>>
        %dma_wait3A_1721 = tpu.memref_squeeze %dma_wait3A_1720 : memref<1x100x128xf32, #tpu.memory_space<hbm>> -> memref<100x128xf32, #tpu.memory_space<hbm>>
        %dma_wait3A_1722 = arith.constant 100 : i32
        %dma_wait3A_1723 = arith.constant 0 : i32
        %dma_wait3A_1724 = tpu.memref_slice %arg10[%dma_wait3A_1722, %dma_wait3A_1723] : memref<400x128xf32, #tpu.memory_space<vmem>> -> memref<100x128xf32, #tpu.memory_space<vmem>>
        tpu.wait_dma2 semaphore(%arg14 : memref<!tpu.dma_semaphore, #tpu.memory_space<semaphore_mem>>) src(%dma_wait3A_1724 : memref<100x128xf32, #tpu.memory_space<vmem>>) dst(%dma_wait3A_1721 : memref<100x128xf32, #tpu.memory_space<hbm>>)
        %dma_wait3A_1725 = arith.constant 0 : i32
        %dma_wait3A_1726 = arith.constant 200 : i32
        %dma_wait3A_1727 = arith.constant 0 : i32
        %dma_wait3A_1728 = tpu.memref_slice %arg10[%dma_wait3A_1726, %dma_wait3A_1727] : memref<400x128xf32, #tpu.memory_space<vmem>> -> memref<100x128xf32, #tpu.memory_space<vmem>>
        %dma_wait3A_1729 = arith.constant 0 : i32
        %dma_wait3A_1730 = arith.constant 0 : i32
        %dma_wait3A_1731 = tpu.memref_slice %arg4[%dma_wait3A_1725, %dma_wait3A_1729, %dma_wait3A_1730] : memref<4096x100x128xf32, #tpu.memory_space<hbm>> -> memref<1x100x128xf32, #tpu.memory_space<hbm>>
        %dma_wait3A_1732 = tpu.memref_squeeze %dma_wait3A_1731 : memref<1x100x128xf32, #tpu.memory_space<hbm>> -> memref<100x128xf32, #tpu.memory_space<hbm>>
        %dma_wait3A_1733 = arith.constant 0 : i32
        %dma_wait3A_1734 = arith.constant 0 : i32
        %dma_wait3A_1735 = tpu.memref_slice %arg4[%dma_wait3A_1725, %dma_wait3A_1733, %dma_wait3A_1734] : memref<4096x100x128xf32, #tpu.memory_space<hbm>> -> memref<1x100x128xf32, #tpu.memory_space<hbm>>
        %dma_wait3A_1736 = tpu.memref_squeeze %dma_wait3A_1735 : memref<1x100x128xf32, #tpu.memory_space<hbm>> -> memref<100x128xf32, #tpu.memory_space<hbm>>
        %dma_wait3A_1737 = arith.constant 200 : i32
        %dma_wait3A_1738 = arith.constant 0 : i32
        %dma_wait3A_1739 = tpu.memref_slice %arg10[%dma_wait3A_1737, %dma_wait3A_1738] : memref<400x128xf32, #tpu.memory_space<vmem>> -> memref<100x128xf32, #tpu.memory_space<vmem>>
        tpu.wait_dma2 semaphore(%arg14 : memref<!tpu.dma_semaphore, #tpu.memory_space<semaphore_mem>>) src(%dma_wait3A_1739 : memref<100x128xf32, #tpu.memory_space<vmem>>) dst(%dma_wait3A_1736 : memref<100x128xf32, #tpu.memory_space<hbm>>)
        %dma_wait3A_1740 = arith.constant 0 : i32
        %dma_wait3A_1741 = arith.constant 300 : i32
        %dma_wait3A_1742 = arith.constant 0 : i32
        %dma_wait3A_1743 = tpu.memref_slice %arg10[%dma_wait3A_1741, %dma_wait3A_1742] : memref<400x128xf32, #tpu.memory_space<vmem>> -> memref<100x128xf32, #tpu.memory_space<vmem>>
        %dma_wait3A_1744 = arith.constant 0 : i32
        %dma_wait3A_1745 = arith.constant 0 : i32
        %dma_wait3A_1746 = tpu.memref_slice %arg4[%dma_wait3A_1740, %dma_wait3A_1744, %dma_wait3A_1745] : memref<4096x100x128xf32, #tpu.memory_space<hbm>> -> memref<1x100x128xf32, #tpu.memory_space<hbm>>
        %dma_wait3A_1747 = tpu.memref_squeeze %dma_wait3A_1746 : memref<1x100x128xf32, #tpu.memory_space<hbm>> -> memref<100x128xf32, #tpu.memory_space<hbm>>
        %dma_wait3A_1748 = arith.constant 0 : i32
        %dma_wait3A_1749 = arith.constant 0 : i32
        %dma_wait3A_1750 = tpu.memref_slice %arg4[%dma_wait3A_1740, %dma_wait3A_1748, %dma_wait3A_1749] : memref<4096x100x128xf32, #tpu.memory_space<hbm>> -> memref<1x100x128xf32, #tpu.memory_space<hbm>>
        %dma_wait3A_1751 = tpu.memref_squeeze %dma_wait3A_1750 : memref<1x100x128xf32, #tpu.memory_space<hbm>> -> memref<100x128xf32, #tpu.memory_space<hbm>>
        %dma_wait3A_1752 = arith.constant 300 : i32
        %dma_wait3A_1753 = arith.constant 0 : i32
        %dma_wait3A_1754 = tpu.memref_slice %arg10[%dma_wait3A_1752, %dma_wait3A_1753] : memref<400x128xf32, #tpu.memory_space<vmem>> -> memref<100x128xf32, #tpu.memory_space<vmem>>
        tpu.wait_dma2 semaphore(%arg14 : memref<!tpu.dma_semaphore, #tpu.memory_space<semaphore_mem>>) src(%dma_wait3A_1754 : memref<100x128xf32, #tpu.memory_space<vmem>>) dst(%dma_wait3A_1751 : memref<100x128xf32, #tpu.memory_space<hbm>>)
      } else {
      }
      %dma_start3A_1423 = arith.constant 0 : i32
      %dma_start3A_1424 = arith.constant 0 : i32
      %dma_start3A_1425 = arith.constant 0 : i32
      %dma_start3A_1426 = tpu.memref_slice %arg10[%dma_start3A_1424, %dma_start3A_1425] : memref<400x128xf32, #tpu.memory_space<vmem>> -> memref<80x128xf32, #tpu.memory_space<vmem>>
      %dma_start3A_1427 = arith.constant 0 : i32
      %dma_start3A_1428 = tpu.memref_slice %arg8[%dma_start3A_1423, %dma_start3A_1427] : memref<5x80xi32, #tpu.memory_space<vmem>> -> memref<1x80xi32, #tpu.memory_space<vmem>>
      %dma_start3A_1429 = tpu.memref_squeeze %dma_start3A_1428 : memref<1x80xi32, #tpu.memory_space<vmem>> -> memref<80xi32, #tpu.memory_space<vmem>>
      %dma_start3A_1430 = arith.constant 0 : i32
      %dma_start3A_1431 = arith.constant 0 : i32
      %dma_start3A_1432 = tpu.memref_slice %arg15[%dma_start3A_1430, %dma_start3A_1431] : memref<1000x128xf32, #tpu.memory_space<vmem_shared>> -> memref<1000x128xf32, #tpu.memory_space<vmem_shared>>
      tpu.enqueue_indirect_dma source(%dma_start3A_1432 : memref<1000x128xf32, #tpu.memory_space<vmem_shared>>) target(%dma_start3A_1426 : memref<80x128xf32, #tpu.memory_space<vmem>>) offsets(%dma_start3A_1429 : memref<80xi32, #tpu.memory_space<vmem>>) semaphore(%arg12 : memref<!tpu.dma_semaphore, #tpu.memory_space<semaphore_mem>>)
      %dma_start3A_1433 = arith.constant 1 : i32
      %dma_start3A_1434 = arith.constant 80 : i32
      %dma_start3A_1435 = arith.constant 0 : i32
      %dma_start3A_1436 = tpu.memref_slice %arg10[%dma_start3A_1434, %dma_start3A_1435] : memref<400x128xf32, #tpu.memory_space<vmem>> -> memref<80x128xf32, #tpu.memory_space<vmem>>
      %dma_start3A_1437 = arith.constant 0 : i32
      %dma_start3A_1438 = tpu.memref_slice %arg8[%dma_start3A_1433, %dma_start3A_1437] : memref<5x80xi32, #tpu.memory_space<vmem>> -> memref<1x80xi32, #tpu.memory_space<vmem>>
      %dma_start3A_1439 = tpu.memref_squeeze %dma_start3A_1438 : memref<1x80xi32, #tpu.memory_space<vmem>> -> memref<80xi32, #tpu.memory_space<vmem>>
      %dma_start3A_1440 = arith.constant 0 : i32
      %dma_start3A_1441 = arith.constant 0 : i32
      %dma_start3A_1442 = tpu.memref_slice %arg15[%dma_start3A_1440, %dma_start3A_1441] : memref<1000x128xf32, #tpu.memory_space<vmem_shared>> -> memref<1000x128xf32, #tpu.memory_space<vmem_shared>>
      tpu.enqueue_indirect_dma source(%dma_start3A_1442 : memref<1000x128xf32, #tpu.memory_space<vmem_shared>>) target(%dma_start3A_1436 : memref<80x128xf32, #tpu.memory_space<vmem>>) offsets(%dma_start3A_1439 : memref<80xi32, #tpu.memory_space<vmem>>) semaphore(%arg12 : memref<!tpu.dma_semaphore, #tpu.memory_space<semaphore_mem>>)
      %dma_start3A_1443 = arith.constant 2 : i32
      %dma_start3A_1444 = arith.constant 160 : i32
      %dma_start3A_1445 = arith.constant 0 : i32
      %dma_start3A_1446 = tpu.memref_slice %arg10[%dma_start3A_1444, %dma_start3A_1445] : memref<400x128xf32, #tpu.memory_space<vmem>> -> memref<80x128xf32, #tpu.memory_space<vmem>>
      %dma_start3A_1447 = arith.constant 0 : i32
      %dma_start3A_1448 = tpu.memref_slice %arg8[%dma_start3A_1443, %dma_start3A_1447] : memref<5x80xi32, #tpu.memory_space<vmem>> -> memref<1x80xi32, #tpu.memory_space<vmem>>
      %dma_start3A_1449 = tpu.memref_squeeze %dma_start3A_1448 : memref<1x80xi32, #tpu.memory_space<vmem>> -> memref<80xi32, #tpu.memory_space<vmem>>
      %dma_start3A_1450 = arith.constant 0 : i32
      %dma_start3A_1451 = arith.constant 0 : i32
      %dma_start3A_1452 = tpu.memref_slice %arg15[%dma_start3A_1450, %dma_start3A_1451] : memref<1000x128xf32, #tpu.memory_space<vmem_shared>> -> memref<1000x128xf32, #tpu.memory_space<vmem_shared>>
      tpu.enqueue_indirect_dma source(%dma_start3A_1452 : memref<1000x128xf32, #tpu.memory_space<vmem_shared>>) target(%dma_start3A_1446 : memref<80x128xf32, #tpu.memory_space<vmem>>) offsets(%dma_start3A_1449 : memref<80xi32, #tpu.memory_space<vmem>>) semaphore(%arg12 : memref<!tpu.dma_semaphore, #tpu.memory_space<semaphore_mem>>)
      %dma_start3A_1453 = arith.constant 3 : i32
      %dma_start3A_1454 = arith.constant 240 : i32
      %dma_start3A_1455 = arith.constant 0 : i32
      %dma_start3A_1456 = tpu.memref_slice %arg10[%dma_start3A_1454, %dma_start3A_1455] : memref<400x128xf32, #tpu.memory_space<vmem>> -> memref<80x128xf32, #tpu.memory_space<vmem>>
      %dma_start3A_1457 = arith.constant 0 : i32
      %dma_start3A_1458 = tpu.memref_slice %arg8[%dma_start3A_1453, %dma_start3A_1457] : memref<5x80xi32, #tpu.memory_space<vmem>> -> memref<1x80xi32, #tpu.memory_space<vmem>>
      %dma_start3A_1459 = tpu.memref_squeeze %dma_start3A_1458 : memref<1x80xi32, #tpu.memory_space<vmem>> -> memref<80xi32, #tpu.memory_space<vmem>>
      %dma_start3A_1460 = arith.constant 0 : i32
      %dma_start3A_1461 = arith.constant 0 : i32
      %dma_start3A_1462 = tpu.memref_slice %arg15[%dma_start3A_1460, %dma_start3A_1461] : memref<1000x128xf32, #tpu.memory_space<vmem_shared>> -> memref<1000x128xf32, #tpu.memory_space<vmem_shared>>
      tpu.enqueue_indirect_dma source(%dma_start3A_1462 : memref<1000x128xf32, #tpu.memory_space<vmem_shared>>) target(%dma_start3A_1456 : memref<80x128xf32, #tpu.memory_space<vmem>>) offsets(%dma_start3A_1459 : memref<80xi32, #tpu.memory_space<vmem>>) semaphore(%arg12 : memref<!tpu.dma_semaphore, #tpu.memory_space<semaphore_mem>>)
      %dma_start3A_1463 = arith.constant 4 : i32
      %dma_start3A_1464 = arith.constant 320 : i32
      %dma_start3A_1465 = arith.constant 0 : i32
      %dma_start3A_1466 = tpu.memref_slice %arg10[%dma_start3A_1464, %dma_start3A_1465] : memref<400x128xf32, #tpu.memory_space<vmem>> -> memref<80x128xf32, #tpu.memory_space<vmem>>
      %dma_start3A_1467 = arith.constant 0 : i32
      %dma_start3A_1468 = tpu.memref_slice %arg8[%dma_start3A_1463, %dma_start3A_1467] : memref<5x80xi32, #tpu.memory_space<vmem>> -> memref<1x80xi32, #tpu.memory_space<vmem>>
      %dma_start3A_1469 = tpu.memref_squeeze %dma_start3A_1468 : memref<1x80xi32, #tpu.memory_space<vmem>> -> memref<80xi32, #tpu.memory_space<vmem>>
      %dma_start3A_1470 = arith.constant 0 : i32
      %dma_start3A_1471 = arith.constant 0 : i32
      %dma_start3A_1472 = tpu.memref_slice %arg15[%dma_start3A_1470, %dma_start3A_1471] : memref<1000x128xf32, #tpu.memory_space<vmem_shared>> -> memref<1000x128xf32, #tpu.memory_space<vmem_shared>>
      tpu.enqueue_indirect_dma source(%dma_start3A_1472 : memref<1000x128xf32, #tpu.memory_space<vmem_shared>>) target(%dma_start3A_1466 : memref<80x128xf32, #tpu.memory_space<vmem>>) offsets(%dma_start3A_1469 : memref<80xi32, #tpu.memory_space<vmem>>) semaphore(%arg12 : memref<!tpu.dma_semaphore, #tpu.memory_space<semaphore_mem>>)
      %lt3A = arith.constant 15 : i32
      %lt3A_1473 = arith.cmpi slt, %scan3A_690, %lt3A : i32
      %convert_element_type3A_1474 = arith.extui %lt3A_1473 : i1 to i32
      %cond3A_1475 = arith.constant 0 : i32
      %cond3A_1476 = arith.cmpi ne, %convert_element_type3A_1474, %cond3A_1475 : i32
      scf.if %cond3A_1476 {
        %add3A_1695 = arith.constant 2 : i32
        %add3A_1696 = arith.addi %mul3A_692, %add3A_1695 : i32
        %mul3A_1697 = arith.constant 400 : i32
        %mul3A_1698 = arith.muli %add3A_1696, %mul3A_1697 : i32
        %add3A_1699 = arith.addi %mul3A_2, %mul3A_1698 : i32
        %multiple_of3A_1700 = tpu.assume_multiple %add3A_1699, 400 : i32
        "tpu.region"() ({
          %run_scoped3A = tpu.sem_alloc : memref<!tpu.dma_semaphore, #tpu.memory_space<semaphore_mem>>
          %dma_start3A_2276 = tpu.memref_slice %arg3[%multiple_of3A_1700] : memref<409600xi32, #tpu.memory_space<hbm>> -> memref<400xi32, #tpu.memory_space<hbm>>
          %dma_start3A_2277 = tpu.memref_slice %arg3[%multiple_of3A_1700] : memref<409600xi32, #tpu.memory_space<hbm>> -> memref<400xi32, #tpu.memory_space<hbm>>
          tpu.enqueue_dma source(%dma_start3A_2277 : memref<400xi32, #tpu.memory_space<hbm>>) target(%arg5 : memref<400xi32, #tpu.memory_space<vmem>>) target_semaphore(%run_scoped3A : memref<!tpu.dma_semaphore, #tpu.memory_space<semaphore_mem>>)
          %dma_wait3A_2278 = tpu.memref_slice %arg3[%multiple_of3A_1700] : memref<409600xi32, #tpu.memory_space<hbm>> -> memref<400xi32, #tpu.memory_space<hbm>>
          %dma_wait3A_2279 = tpu.memref_slice %arg3[%multiple_of3A_1700] : memref<409600xi32, #tpu.memory_space<hbm>> -> memref<400xi32, #tpu.memory_space<hbm>>
          tpu.wait_dma2 semaphore(%run_scoped3A : memref<!tpu.dma_semaphore, #tpu.memory_space<semaphore_mem>>) src(%dma_wait3A_2279 : memref<400xi32, #tpu.memory_space<hbm>>) dst(%arg5 : memref<400xi32, #tpu.memory_space<vmem>>)
          tpu.yield
        }) : () -> ()
        %add3A_1701 = arith.constant 0 : i32
        %add3A_1702 = vector.broadcast %add3A_1701 : i32 to vector<16xi32>
        %add3A_1703 = arith.addi %add3A_1702, %iota3A : vector<16xi32>
        %ge3A_1704 = arith.constant 100 : i32
        %ge3A_1705 = vector.broadcast %ge3A_1704 : i32 to vector<16xi32>
        %ge3A_1706 = arith.cmpi sge, %add3A_1703, %ge3A_1705 : vector<16xi32>
        %sub3A_1707 = arith.constant 100 : i32
        %sub3A_1708 = vector.broadcast %sub3A_1707 : i32 to vector<16xi32>
        %sub3A_1709 = arith.subi %add3A_1703, %sub3A_1708 : vector<16xi32>
        %select_n3A_1710 = arith.select %ge3A_1706, %sub3A_1709, %add3A_1703 : vector<16xi1>, vector<16xi32>
        %get3A_1711 = arith.constant 0 : index
        %get3A_1712 = tpu.vector_load %arg5[%get3A_1711] {strides = array<i32>} : memref<400xi32, #tpu.memory_space<vmem>>, vector<16xi32>,
        %get3A_1713 = vector.shape_cast %get3A_1712 : vector<16xi32> to vector<16xi32>
        %mul3A_1714 = arith.constant 100 : i32
        %mul3A_1715 = vector.broadcast %mul3A_1714 : i32 to vector<16xi32>
        %mul3A_1716 = arith.muli %get3A_1713, %mul3A_1715 : vector<16xi32>
        %add3A_1717 = arith.addi %mul3A_1716, %select_n3A_1710 : vector<16xi32>
        %swap3A_1718 = arith.constant 0 : i32
        %swap3A_1719 = arith.index_cast %swap3A_1718 : i32 to index
        %swap3A_1720 = arith.constant 0 : index
        %swap3A_1721 = tpu.vector_load %arg7[%swap3A_1719, %swap3A_1720] {strides = array<i32>} : memref<5x80xi32, #tpu.memory_space<vmem>>, vector<1x16xi32>,
        %swap3A_1722 = vector.shape_cast %swap3A_1721 : vector<1x16xi32> to vector<16xi32>
        %swap3A_1723 = vector.shape_cast %add3A_1717 : vector<16xi32> to vector<1x16xi32>
        tpu.vector_store %arg7[%swap3A_1719, %swap3A_1720], %swap3A_1723 {strides = array<i32>} : memref<5x80xi32, #tpu.memory_space<vmem>>, vector<1x16xi32>,
        %add3A_1724 = arith.constant 16 : i32
        %add3A_1725 = vector.broadcast %add3A_1724 : i32 to vector<16xi32>
        %add3A_1726 = arith.addi %add3A_1725, %iota3A : vector<16xi32>
        %ge3A_1727 = arith.constant 100 : i32
        %ge3A_1728 = vector.broadcast %ge3A_1727 : i32 to vector<16xi32>
        %ge3A_1729 = arith.cmpi sge, %add3A_1726, %ge3A_1728 : vector<16xi32>
        %sub3A_1730 = arith.constant 100 : i32
        %sub3A_1731 = vector.broadcast %sub3A_1730 : i32 to vector<16xi32>
        %sub3A_1732 = arith.subi %add3A_1726, %sub3A_1731 : vector<16xi32>
        %select_n3A_1733 = arith.select %ge3A_1729, %sub3A_1732, %add3A_1726 : vector<16xi1>, vector<16xi32>
        %get3A_1734 = arith.constant 16 : index
        %get3A_1735 = tpu.vector_load %arg5[%get3A_1734] {strides = array<i32>} : memref<400xi32, #tpu.memory_space<vmem>>, vector<16xi32>,
        %get3A_1736 = vector.shape_cast %get3A_1735 : vector<16xi32> to vector<16xi32>
        %mul3A_1737 = arith.constant 100 : i32
        %mul3A_1738 = vector.broadcast %mul3A_1737 : i32 to vector<16xi32>
        %mul3A_1739 = arith.muli %get3A_1736, %mul3A_1738 : vector<16xi32>
        %add3A_1740 = arith.addi %mul3A_1739, %select_n3A_1733 : vector<16xi32>
        %swap3A_1741 = arith.constant 0 : i32
        %swap3A_1742 = arith.index_cast %swap3A_1741 : i32 to index
        %swap3A_1743 = arith.constant 16 : index
        %swap3A_1744 = tpu.vector_load %arg7[%swap3A_1742, %swap3A_1743] {strides = array<i32>} : memref<5x80xi32, #tpu.memory_space<vmem>>, vector<1x16xi32>,
        %swap3A_1745 = vector.shape_cast %swap3A_1744 : vector<1x16xi32> to vector<16xi32>
        %swap3A_1746 = vector.shape_cast %add3A_1740 : vector<16xi32> to vector<1x16xi32>
        tpu.vector_store %arg7[%swap3A_1742, %swap3A_1743], %swap3A_1746 {strides = array<i32>} : memref<5x80xi32, #tpu.memory_space<vmem>>, vector<1x16xi32>,
        %add3A_1747 = arith.constant 32 : i32
        %add3A_1748 = vector.broadcast %add3A_1747 : i32 to vector<16xi32>
        %add3A_1749 = arith.addi %add3A_1748, %iota3A : vector<16xi32>
        %ge3A_1750 = arith.constant 100 : i32
        %ge3A_1751 = vector.broadcast %ge3A_1750 : i32 to vector<16xi32>
        %ge3A_1752 = arith.cmpi sge, %add3A_1749, %ge3A_1751 : vector<16xi32>
        %sub3A_1753 = arith.constant 100 : i32
        %sub3A_1754 = vector.broadcast %sub3A_1753 : i32 to vector<16xi32>
        %sub3A_1755 = arith.subi %add3A_1749, %sub3A_1754 : vector<16xi32>
        %select_n3A_1756 = arith.select %ge3A_1752, %sub3A_1755, %add3A_1749 : vector<16xi1>, vector<16xi32>
        %get3A_1757 = arith.constant 32 : index
        %get3A_1758 = tpu.vector_load %arg5[%get3A_1757] {strides = array<i32>} : memref<400xi32, #tpu.memory_space<vmem>>, vector<16xi32>,
        %get3A_1759 = vector.shape_cast %get3A_1758 : vector<16xi32> to vector<16xi32>
        %mul3A_1760 = arith.constant 100 : i32
        %mul3A_1761 = vector.broadcast %mul3A_1760 : i32 to vector<16xi32>
        %mul3A_1762 = arith.muli %get3A_1759, %mul3A_1761 : vector<16xi32>
        %add3A_1763 = arith.addi %mul3A_1762, %select_n3A_1756 : vector<16xi32>
        %swap3A_1764 = arith.constant 0 : i32
        %swap3A_1765 = arith.index_cast %swap3A_1764 : i32 to index
        %swap3A_1766 = arith.constant 32 : index
        %swap3A_1767 = tpu.vector_load %arg7[%swap3A_1765, %swap3A_1766] {strides = array<i32>} : memref<5x80xi32, #tpu.memory_space<vmem>>, vector<1x16xi32>,
        %swap3A_1768 = vector.shape_cast %swap3A_1767 : vector<1x16xi32> to vector<16xi32>
        %swap3A_1769 = vector.shape_cast %add3A_1763 : vector<16xi32> to vector<1x16xi32>
        tpu.vector_store %arg7[%swap3A_1765, %swap3A_1766], %swap3A_1769 {strides = array<i32>} : memref<5x80xi32, #tpu.memory_space<vmem>>, vector<1x16xi32>,
        %add3A_1770 = arith.constant 48 : i32
        %add3A_1771 = vector.broadcast %add3A_1770 : i32 to vector<16xi32>
        %add3A_1772 = arith.addi %add3A_1771, %iota3A : vector<16xi32>
        %ge3A_1773 = arith.constant 100 : i32
        %ge3A_1774 = vector.broadcast %ge3A_1773 : i32 to vector<16xi32>
        %ge3A_1775 = arith.cmpi sge, %add3A_1772, %ge3A_1774 : vector<16xi32>
        %sub3A_1776 = arith.constant 100 : i32
        %sub3A_1777 = vector.broadcast %sub3A_1776 : i32 to vector<16xi32>
        %sub3A_1778 = arith.subi %add3A_1772, %sub3A_1777 : vector<16xi32>
        %select_n3A_1779 = arith.select %ge3A_1775, %sub3A_1778, %add3A_1772 : vector<16xi1>, vector<16xi32>
        %get3A_1780 = arith.constant 48 : index
        %get3A_1781 = tpu.vector_load %arg5[%get3A_1780] {strides = array<i32>} : memref<400xi32, #tpu.memory_space<vmem>>, vector<16xi32>,
        %get3A_1782 = vector.shape_cast %get3A_1781 : vector<16xi32> to vector<16xi32>
        %mul3A_1783 = arith.constant 100 : i32
        %mul3A_1784 = vector.broadcast %mul3A_1783 : i32 to vector<16xi32>
        %mul3A_1785 = arith.muli %get3A_1782, %mul3A_1784 : vector<16xi32>
        %add3A_1786 = arith.addi %mul3A_1785, %select_n3A_1779 : vector<16xi32>
        %swap3A_1787 = arith.constant 0 : i32
        %swap3A_1788 = arith.index_cast %swap3A_1787 : i32 to index
        %swap3A_1789 = arith.constant 48 : index
        %swap3A_1790 = tpu.vector_load %arg7[%swap3A_1788, %swap3A_1789] {strides = array<i32>} : memref<5x80xi32, #tpu.memory_space<vmem>>, vector<1x16xi32>,
        %swap3A_1791 = vector.shape_cast %swap3A_1790 : vector<1x16xi32> to vector<16xi32>
        %swap3A_1792 = vector.shape_cast %add3A_1786 : vector<16xi32> to vector<1x16xi32>
        tpu.vector_store %arg7[%swap3A_1788, %swap3A_1789], %swap3A_1792 {strides = array<i32>} : memref<5x80xi32, #tpu.memory_space<vmem>>, vector<1x16xi32>,
        %add3A_1793 = arith.constant 64 : i32
        %add3A_1794 = vector.broadcast %add3A_1793 : i32 to vector<16xi32>
        %add3A_1795 = arith.addi %add3A_1794, %iota3A : vector<16xi32>
        %ge3A_1796 = arith.constant 100 : i32
        %ge3A_1797 = vector.broadcast %ge3A_1796 : i32 to vector<16xi32>
        %ge3A_1798 = arith.cmpi sge, %add3A_1795, %ge3A_1797 : vector<16xi32>
        %sub3A_1799 = arith.constant 100 : i32
        %sub3A_1800 = vector.broadcast %sub3A_1799 : i32 to vector<16xi32>
        %sub3A_1801 = arith.subi %add3A_1795, %sub3A_1800 : vector<16xi32>
        %select_n3A_1802 = arith.select %ge3A_1798, %sub3A_1801, %add3A_1795 : vector<16xi1>, vector<16xi32>
        %get3A_1803 = arith.constant 64 : index
        %get3A_1804 = tpu.vector_load %arg5[%get3A_1803] {strides = array<i32>} : memref<400xi32, #tpu.memory_space<vmem>>, vector<16xi32>,
        %get3A_1805 = vector.shape_cast %get3A_1804 : vector<16xi32> to vector<16xi32>
        %mul3A_1806 = arith.constant 100 : i32
        %mul3A_1807 = vector.broadcast %mul3A_1806 : i32 to vector<16xi32>
        %mul3A_1808 = arith.muli %get3A_1805, %mul3A_1807 : vector<16xi32>
        %add3A_1809 = arith.addi %mul3A_1808, %select_n3A_1802 : vector<16xi32>
        %swap3A_1810 = arith.constant 0 : i32
        %swap3A_1811 = arith.index_cast %swap3A_1810 : i32 to index
        %swap3A_1812 = arith.constant 64 : index
        %swap3A_1813 = tpu.vector_load %arg7[%swap3A_1811, %swap3A_1812] {strides = array<i32>} : memref<5x80xi32, #tpu.memory_space<vmem>>, vector<1x16xi32>,
        %swap3A_1814 = vector.shape_cast %swap3A_1813 : vector<1x16xi32> to vector<16xi32>
        %swap3A_1815 = vector.shape_cast %add3A_1809 : vector<16xi32> to vector<1x16xi32>
        tpu.vector_store %arg7[%swap3A_1811, %swap3A_1812], %swap3A_1815 {strides = array<i32>} : memref<5x80xi32, #tpu.memory_space<vmem>>, vector<1x16xi32>,
        %add3A_1816 = arith.constant 80 : i32
        %add3A_1817 = vector.broadcast %add3A_1816 : i32 to vector<16xi32>
        %add3A_1818 = arith.addi %add3A_1817, %iota3A : vector<16xi32>
        %ge3A_1819 = arith.constant 100 : i32
        %ge3A_1820 = vector.broadcast %ge3A_1819 : i32 to vector<16xi32>
        %ge3A_1821 = arith.cmpi sge, %add3A_1818, %ge3A_1820 : vector<16xi32>
        %sub3A_1822 = arith.constant 100 : i32
        %sub3A_1823 = vector.broadcast %sub3A_1822 : i32 to vector<16xi32>
        %sub3A_1824 = arith.subi %add3A_1818, %sub3A_1823 : vector<16xi32>
        %select_n3A_1825 = arith.select %ge3A_1821, %sub3A_1824, %add3A_1818 : vector<16xi1>, vector<16xi32>
        %get3A_1826 = arith.constant 80 : index
        %get3A_1827 = tpu.vector_load %arg5[%get3A_1826] {strides = array<i32>} : memref<400xi32, #tpu.memory_space<vmem>>, vector<16xi32>,
        %get3A_1828 = vector.shape_cast %get3A_1827 : vector<16xi32> to vector<16xi32>
        %mul3A_1829 = arith.constant 100 : i32
        %mul3A_1830 = vector.broadcast %mul3A_1829 : i32 to vector<16xi32>
        %mul3A_1831 = arith.muli %get3A_1828, %mul3A_1830 : vector<16xi32>
        %add3A_1832 = arith.addi %mul3A_1831, %select_n3A_1825 : vector<16xi32>
        %swap3A_1833 = arith.constant 1 : i32
        %swap3A_1834 = arith.index_cast %swap3A_1833 : i32 to index
        %swap3A_1835 = arith.constant 0 : index
        %swap3A_1836 = tpu.vector_load %arg7[%swap3A_1834, %swap3A_1835] {strides = array<i32>} : memref<5x80xi32, #tpu.memory_space<vmem>>, vector<1x16xi32>,
        %swap3A_1837 = vector.shape_cast %swap3A_1836 : vector<1x16xi32> to vector<16xi32>
        %swap3A_1838 = vector.shape_cast %add3A_1832 : vector<16xi32> to vector<1x16xi32>
        tpu.vector_store %arg7[%swap3A_1834, %swap3A_1835], %swap3A_1838 {strides = array<i32>} : memref<5x80xi32, #tpu.memory_space<vmem>>, vector<1x16xi32>,
        %add3A_1839 = arith.constant 96 : i32
        %add3A_1840 = vector.broadcast %add3A_1839 : i32 to vector<16xi32>
        %add3A_1841 = arith.addi %add3A_1840, %iota3A : vector<16xi32>
        %ge3A_1842 = arith.constant 100 : i32
        %ge3A_1843 = vector.broadcast %ge3A_1842 : i32 to vector<16xi32>
        %ge3A_1844 = arith.cmpi sge, %add3A_1841, %ge3A_1843 : vector<16xi32>
        %sub3A_1845 = arith.constant 100 : i32
        %sub3A_1846 = vector.broadcast %sub3A_1845 : i32 to vector<16xi32>
        %sub3A_1847 = arith.subi %add3A_1841, %sub3A_1846 : vector<16xi32>
        %select_n3A_1848 = arith.select %ge3A_1844, %sub3A_1847, %add3A_1841 : vector<16xi1>, vector<16xi32>
        %get3A_1849 = arith.constant 96 : index
        %get3A_1850 = tpu.vector_load %arg5[%get3A_1849] {strides = array<i32>} : memref<400xi32, #tpu.memory_space<vmem>>, vector<16xi32>,
        %get3A_1851 = vector.shape_cast %get3A_1850 : vector<16xi32> to vector<16xi32>
        %mul3A_1852 = arith.constant 100 : i32
        %mul3A_1853 = vector.broadcast %mul3A_1852 : i32 to vector<16xi32>
        %mul3A_1854 = arith.muli %get3A_1851, %mul3A_1853 : vector<16xi32>
        %add3A_1855 = arith.addi %mul3A_1854, %select_n3A_1848 : vector<16xi32>
        %swap3A_1856 = arith.constant 1 : i32
        %swap3A_1857 = arith.index_cast %swap3A_1856 : i32 to index
        %swap3A_1858 = arith.constant 16 : index
        %swap3A_1859 = tpu.vector_load %arg7[%swap3A_1857, %swap3A_1858] {strides = array<i32>} : memref<5x80xi32, #tpu.memory_space<vmem>>, vector<1x16xi32>,
        %swap3A_1860 = vector.shape_cast %swap3A_1859 : vector<1x16xi32> to vector<16xi32>
        %swap3A_1861 = vector.shape_cast %add3A_1855 : vector<16xi32> to vector<1x16xi32>
        tpu.vector_store %arg7[%swap3A_1857, %swap3A_1858], %swap3A_1861 {strides = array<i32>} : memref<5x80xi32, #tpu.memory_space<vmem>>, vector<1x16xi32>,
        %add3A_1862 = arith.constant 12 : i32
        %add3A_1863 = vector.broadcast %add3A_1862 : i32 to vector<16xi32>
        %add3A_1864 = arith.addi %add3A_1863, %iota3A : vector<16xi32>
        %ge3A_1865 = arith.constant 100 : i32
        %ge3A_1866 = vector.broadcast %ge3A_1865 : i32 to vector<16xi32>
        %ge3A_1867 = arith.cmpi sge, %add3A_1864, %ge3A_1866 : vector<16xi32>
        %sub3A_1868 = arith.constant 100 : i32
        %sub3A_1869 = vector.broadcast %sub3A_1868 : i32 to vector<16xi32>
        %sub3A_1870 = arith.subi %add3A_1864, %sub3A_1869 : vector<16xi32>
        %select_n3A_1871 = arith.select %ge3A_1867, %sub3A_1870, %add3A_1864 : vector<16xi1>, vector<16xi32>
        %get3A_1872 = arith.constant 112 : index
        %get3A_1873 = tpu.vector_load %arg5[%get3A_1872] {strides = array<i32>} : memref<400xi32, #tpu.memory_space<vmem>>, vector<16xi32>,
        %get3A_1874 = vector.shape_cast %get3A_1873 : vector<16xi32> to vector<16xi32>
        %mul3A_1875 = arith.constant 100 : i32
        %mul3A_1876 = vector.broadcast %mul3A_1875 : i32 to vector<16xi32>
        %mul3A_1877 = arith.muli %get3A_1874, %mul3A_1876 : vector<16xi32>
        %add3A_1878 = arith.addi %mul3A_1877, %select_n3A_1871 : vector<16xi32>
        %swap3A_1879 = arith.constant 1 : i32
        %swap3A_1880 = arith.index_cast %swap3A_1879 : i32 to index
        %swap3A_1881 = arith.constant 32 : index
        %swap3A_1882 = tpu.vector_load %arg7[%swap3A_1880, %swap3A_1881] {strides = array<i32>} : memref<5x80xi32, #tpu.memory_space<vmem>>, vector<1x16xi32>,
        %swap3A_1883 = vector.shape_cast %swap3A_1882 : vector<1x16xi32> to vector<16xi32>
        %swap3A_1884 = vector.shape_cast %add3A_1878 : vector<16xi32> to vector<1x16xi32>
        tpu.vector_store %arg7[%swap3A_1880, %swap3A_1881], %swap3A_1884 {strides = array<i32>} : memref<5x80xi32, #tpu.memory_space<vmem>>, vector<1x16xi32>,
        %add3A_1885 = arith.constant 28 : i32
        %add3A_1886 = vector.broadcast %add3A_1885 : i32 to vector<16xi32>
        %add3A_1887 = arith.addi %add3A_1886, %iota3A : vector<16xi32>
        %ge3A_1888 = arith.constant 100 : i32
        %ge3A_1889 = vector.broadcast %ge3A_1888 : i32 to vector<16xi32>
        %ge3A_1890 = arith.cmpi sge, %add3A_1887, %ge3A_1889 : vector<16xi32>
        %sub3A_1891 = arith.constant 100 : i32
        %sub3A_1892 = vector.broadcast %sub3A_1891 : i32 to vector<16xi32>
        %sub3A_1893 = arith.subi %add3A_1887, %sub3A_1892 : vector<16xi32>
        %select_n3A_1894 = arith.select %ge3A_1890, %sub3A_1893, %add3A_1887 : vector<16xi1>, vector<16xi32>
        %get3A_1895 = arith.constant 128 : index
        %get3A_1896 = tpu.vector_load %arg5[%get3A_1895] {strides = array<i32>} : memref<400xi32, #tpu.memory_space<vmem>>, vector<16xi32>,
        %get3A_1897 = vector.shape_cast %get3A_1896 : vector<16xi32> to vector<16xi32>
        %mul3A_1898 = arith.constant 100 : i32
        %mul3A_1899 = vector.broadcast %mul3A_1898 : i32 to vector<16xi32>
        %mul3A_1900 = arith.muli %get3A_1897, %mul3A_1899 : vector<16xi32>
        %add3A_1901 = arith.addi %mul3A_1900, %select_n3A_1894 : vector<16xi32>
        %swap3A_1902 = arith.constant 1 : i32
        %swap3A_1903 = arith.index_cast %swap3A_1902 : i32 to index
        %swap3A_1904 = arith.constant 48 : index
        %swap3A_1905 = tpu.vector_load %arg7[%swap3A_1903, %swap3A_1904] {strides = array<i32>} : memref<5x80xi32, #tpu.memory_space<vmem>>, vector<1x16xi32>,
        %swap3A_1906 = vector.shape_cast %swap3A_1905 : vector<1x16xi32> to vector<16xi32>
        %swap3A_1907 = vector.shape_cast %add3A_1901 : vector<16xi32> to vector<1x16xi32>
        tpu.vector_store %arg7[%swap3A_1903, %swap3A_1904], %swap3A_1907 {strides = array<i32>} : memref<5x80xi32, #tpu.memory_space<vmem>>, vector<1x16xi32>,
        %add3A_1908 = arith.constant 44 : i32
        %add3A_1909 = vector.broadcast %add3A_1908 : i32 to vector<16xi32>
        %add3A_1910 = arith.addi %add3A_1909, %iota3A : vector<16xi32>
        %ge3A_1911 = arith.constant 100 : i32
        %ge3A_1912 = vector.broadcast %ge3A_1911 : i32 to vector<16xi32>
        %ge3A_1913 = arith.cmpi sge, %add3A_1910, %ge3A_1912 : vector<16xi32>
        %sub3A_1914 = arith.constant 100 : i32
        %sub3A_1915 = vector.broadcast %sub3A_1914 : i32 to vector<16xi32>
        %sub3A_1916 = arith.subi %add3A_1910, %sub3A_1915 : vector<16xi32>
        %select_n3A_1917 = arith.select %ge3A_1913, %sub3A_1916, %add3A_1910 : vector<16xi1>, vector<16xi32>
        %get3A_1918 = arith.constant 144 : index
        %get3A_1919 = tpu.vector_load %arg5[%get3A_1918] {strides = array<i32>} : memref<400xi32, #tpu.memory_space<vmem>>, vector<16xi32>,
        %get3A_1920 = vector.shape_cast %get3A_1919 : vector<16xi32> to vector<16xi32>
        %mul3A_1921 = arith.constant 100 : i32
        %mul3A_1922 = vector.broadcast %mul3A_1921 : i32 to vector<16xi32>
        %mul3A_1923 = arith.muli %get3A_1920, %mul3A_1922 : vector<16xi32>
        %add3A_1924 = arith.addi %mul3A_1923, %select_n3A_1917 : vector<16xi32>
        %swap3A_1925 = arith.constant 1 : i32
        %swap3A_1926 = arith.index_cast %swap3A_1925 : i32 to index
        %swap3A_1927 = arith.constant 64 : index
        %swap3A_1928 = tpu.vector_load %arg7[%swap3A_1926, %swap3A_1927] {strides = array<i32>} : memref<5x80xi32, #tpu.memory_space<vmem>>, vector<1x16xi32>,
        %swap3A_1929 = vector.shape_cast %swap3A_1928 : vector<1x16xi32> to vector<16xi32>
        %swap3A_1930 = vector.shape_cast %add3A_1924 : vector<16xi32> to vector<1x16xi32>
        tpu.vector_store %arg7[%swap3A_1926, %swap3A_1927], %swap3A_1930 {strides = array<i32>} : memref<5x80xi32, #tpu.memory_space<vmem>>, vector<1x16xi32>,
        %add3A_1931 = arith.constant 60 : i32
        %add3A_1932 = vector.broadcast %add3A_1931 : i32 to vector<16xi32>
        %add3A_1933 = arith.addi %add3A_1932, %iota3A : vector<16xi32>
        %ge3A_1934 = arith.constant 100 : i32
        %ge3A_1935 = vector.broadcast %ge3A_1934 : i32 to vector<16xi32>
        %ge3A_1936 = arith.cmpi sge, %add3A_1933, %ge3A_1935 : vector<16xi32>
        %sub3A_1937 = arith.constant 100 : i32
        %sub3A_1938 = vector.broadcast %sub3A_1937 : i32 to vector<16xi32>
        %sub3A_1939 = arith.subi %add3A_1933, %sub3A_1938 : vector<16xi32>
        %select_n3A_1940 = arith.select %ge3A_1936, %sub3A_1939, %add3A_1933 : vector<16xi1>, vector<16xi32>
        %get3A_1941 = arith.constant 160 : index
        %get3A_1942 = tpu.vector_load %arg5[%get3A_1941] {strides = array<i32>} : memref<400xi32, #tpu.memory_space<vmem>>, vector<16xi32>,
        %get3A_1943 = vector.shape_cast %get3A_1942 : vector<16xi32> to vector<16xi32>
        %mul3A_1944 = arith.constant 100 : i32
        %mul3A_1945 = vector.broadcast %mul3A_1944 : i32 to vector<16xi32>
        %mul3A_1946 = arith.muli %get3A_1943, %mul3A_1945 : vector<16xi32>
        %add3A_1947 = arith.addi %mul3A_1946, %select_n3A_1940 : vector<16xi32>
        %swap3A_1948 = arith.constant 2 : i32
        %swap3A_1949 = arith.index_cast %swap3A_1948 : i32 to index
        %swap3A_1950 = arith.constant 0 : index
        %swap3A_1951 = tpu.vector_load %arg7[%swap3A_1949, %swap3A_1950] {strides = array<i32>} : memref<5x80xi32, #tpu.memory_space<vmem>>, vector<1x16xi32>,
        %swap3A_1952 = vector.shape_cast %swap3A_1951 : vector<1x16xi32> to vector<16xi32>
        %swap3A_1953 = vector.shape_cast %add3A_1947 : vector<16xi32> to vector<1x16xi32>
        tpu.vector_store %arg7[%swap3A_1949, %swap3A_1950], %swap3A_1953 {strides = array<i32>} : memref<5x80xi32, #tpu.memory_space<vmem>>, vector<1x16xi32>,
        %add3A_1954 = arith.constant 76 : i32
        %add3A_1955 = vector.broadcast %add3A_1954 : i32 to vector<16xi32>
        %add3A_1956 = arith.addi %add3A_1955, %iota3A : vector<16xi32>
        %ge3A_1957 = arith.constant 100 : i32
        %ge3A_1958 = vector.broadcast %ge3A_1957 : i32 to vector<16xi32>
        %ge3A_1959 = arith.cmpi sge, %add3A_1956, %ge3A_1958 : vector<16xi32>
        %sub3A_1960 = arith.constant 100 : i32
        %sub3A_1961 = vector.broadcast %sub3A_1960 : i32 to vector<16xi32>
        %sub3A_1962 = arith.subi %add3A_1956, %sub3A_1961 : vector<16xi32>
        %select_n3A_1963 = arith.select %ge3A_1959, %sub3A_1962, %add3A_1956 : vector<16xi1>, vector<16xi32>
        %get3A_1964 = arith.constant 176 : index
        %get3A_1965 = tpu.vector_load %arg5[%get3A_1964] {strides = array<i32>} : memref<400xi32, #tpu.memory_space<vmem>>, vector<16xi32>,
        %get3A_1966 = vector.shape_cast %get3A_1965 : vector<16xi32> to vector<16xi32>
        %mul3A_1967 = arith.constant 100 : i32
        %mul3A_1968 = vector.broadcast %mul3A_1967 : i32 to vector<16xi32>
        %mul3A_1969 = arith.muli %get3A_1966, %mul3A_1968 : vector<16xi32>
        %add3A_1970 = arith.addi %mul3A_1969, %select_n3A_1963 : vector<16xi32>
        %swap3A_1971 = arith.constant 2 : i32
        %swap3A_1972 = arith.index_cast %swap3A_1971 : i32 to index
        %swap3A_1973 = arith.constant 16 : index
        %swap3A_1974 = tpu.vector_load %arg7[%swap3A_1972, %swap3A_1973] {strides = array<i32>} : memref<5x80xi32, #tpu.memory_space<vmem>>, vector<1x16xi32>,
        %swap3A_1975 = vector.shape_cast %swap3A_1974 : vector<1x16xi32> to vector<16xi32>
        %swap3A_1976 = vector.shape_cast %add3A_1970 : vector<16xi32> to vector<1x16xi32>
        tpu.vector_store %arg7[%swap3A_1972, %swap3A_1973], %swap3A_1976 {strides = array<i32>} : memref<5x80xi32, #tpu.memory_space<vmem>>, vector<1x16xi32>,
        %add3A_1977 = arith.constant 92 : i32
        %add3A_1978 = vector.broadcast %add3A_1977 : i32 to vector<16xi32>
        %add3A_1979 = arith.addi %add3A_1978, %iota3A : vector<16xi32>
        %ge3A_1980 = arith.constant 100 : i32
        %ge3A_1981 = vector.broadcast %ge3A_1980 : i32 to vector<16xi32>
        %ge3A_1982 = arith.cmpi sge, %add3A_1979, %ge3A_1981 : vector<16xi32>
        %sub3A_1983 = arith.constant 100 : i32
        %sub3A_1984 = vector.broadcast %sub3A_1983 : i32 to vector<16xi32>
        %sub3A_1985 = arith.subi %add3A_1979, %sub3A_1984 : vector<16xi32>
        %select_n3A_1986 = arith.select %ge3A_1982, %sub3A_1985, %add3A_1979 : vector<16xi1>, vector<16xi32>
        %get3A_1987 = arith.constant 192 : index
        %get3A_1988 = tpu.vector_load %arg5[%get3A_1987] {strides = array<i32>} : memref<400xi32, #tpu.memory_space<vmem>>, vector<16xi32>,
        %get3A_1989 = vector.shape_cast %get3A_1988 : vector<16xi32> to vector<16xi32>
        %mul3A_1990 = arith.constant 100 : i32
        %mul3A_1991 = vector.broadcast %mul3A_1990 : i32 to vector<16xi32>
        %mul3A_1992 = arith.muli %get3A_1989, %mul3A_1991 : vector<16xi32>
        %add3A_1993 = arith.addi %mul3A_1992, %select_n3A_1986 : vector<16xi32>
        %swap3A_1994 = arith.constant 2 : i32
        %swap3A_1995 = arith.index_cast %swap3A_1994 : i32 to index
        %swap3A_1996 = arith.constant 32 : index
        %swap3A_1997 = tpu.vector_load %arg7[%swap3A_1995, %swap3A_1996] {strides = array<i32>} : memref<5x80xi32, #tpu.memory_space<vmem>>, vector<1x16xi32>,
        %swap3A_1998 = vector.shape_cast %swap3A_1997 : vector<1x16xi32> to vector<16xi32>
        %swap3A_1999 = vector.shape_cast %add3A_1993 : vector<16xi32> to vector<1x16xi32>
        tpu.vector_store %arg7[%swap3A_1995, %swap3A_1996], %swap3A_1999 {strides = array<i32>} : memref<5x80xi32, #tpu.memory_space<vmem>>, vector<1x16xi32>,
        %add3A_2000 = arith.constant 8 : i32
        %add3A_2001 = vector.broadcast %add3A_2000 : i32 to vector<16xi32>
        %add3A_2002 = arith.addi %add3A_2001, %iota3A : vector<16xi32>
        %ge3A_2003 = arith.constant 100 : i32
        %ge3A_2004 = vector.broadcast %ge3A_2003 : i32 to vector<16xi32>
        %ge3A_2005 = arith.cmpi sge, %add3A_2002, %ge3A_2004 : vector<16xi32>
        %sub3A_2006 = arith.constant 100 : i32
        %sub3A_2007 = vector.broadcast %sub3A_2006 : i32 to vector<16xi32>
        %sub3A_2008 = arith.subi %add3A_2002, %sub3A_2007 : vector<16xi32>
        %select_n3A_2009 = arith.select %ge3A_2005, %sub3A_2008, %add3A_2002 : vector<16xi1>, vector<16xi32>
        %get3A_2010 = arith.constant 208 : index
        %get3A_2011 = tpu.vector_load %arg5[%get3A_2010] {strides = array<i32>} : memref<400xi32, #tpu.memory_space<vmem>>, vector<16xi32>,
        %get3A_2012 = vector.shape_cast %get3A_2011 : vector<16xi32> to vector<16xi32>
        %mul3A_2013 = arith.constant 100 : i32
        %mul3A_2014 = vector.broadcast %mul3A_2013 : i32 to vector<16xi32>
        %mul3A_2015 = arith.muli %get3A_2012, %mul3A_2014 : vector<16xi32>
        %add3A_2016 = arith.addi %mul3A_2015, %select_n3A_2009 : vector<16xi32>
        %swap3A_2017 = arith.constant 2 : i32
        %swap3A_2018 = arith.index_cast %swap3A_2017 : i32 to index
        %swap3A_2019 = arith.constant 48 : index
        %swap3A_2020 = tpu.vector_load %arg7[%swap3A_2018, %swap3A_2019] {strides = array<i32>} : memref<5x80xi32, #tpu.memory_space<vmem>>, vector<1x16xi32>,
        %swap3A_2021 = vector.shape_cast %swap3A_2020 : vector<1x16xi32> to vector<16xi32>
        %swap3A_2022 = vector.shape_cast %add3A_2016 : vector<16xi32> to vector<1x16xi32>
        tpu.vector_store %arg7[%swap3A_2018, %swap3A_2019], %swap3A_2022 {strides = array<i32>} : memref<5x80xi32, #tpu.memory_space<vmem>>, vector<1x16xi32>,
        %add3A_2023 = arith.constant 24 : i32
        %add3A_2024 = vector.broadcast %add3A_2023 : i32 to vector<16xi32>
        %add3A_2025 = arith.addi %add3A_2024, %iota3A : vector<16xi32>
        %ge3A_2026 = arith.constant 100 : i32
        %ge3A_2027 = vector.broadcast %ge3A_2026 : i32 to vector<16xi32>
        %ge3A_2028 = arith.cmpi sge, %add3A_2025, %ge3A_2027 : vector<16xi32>
        %sub3A_2029 = arith.constant 100 : i32
        %sub3A_2030 = vector.broadcast %sub3A_2029 : i32 to vector<16xi32>
        %sub3A_2031 = arith.subi %add3A_2025, %sub3A_2030 : vector<16xi32>
        %select_n3A_2032 = arith.select %ge3A_2028, %sub3A_2031, %add3A_2025 : vector<16xi1>, vector<16xi32>
        %get3A_2033 = arith.constant 224 : index
        %get3A_2034 = tpu.vector_load %arg5[%get3A_2033] {strides = array<i32>} : memref<400xi32, #tpu.memory_space<vmem>>, vector<16xi32>,
        %get3A_2035 = vector.shape_cast %get3A_2034 : vector<16xi32> to vector<16xi32>
        %mul3A_2036 = arith.constant 100 : i32
        %mul3A_2037 = vector.broadcast %mul3A_2036 : i32 to vector<16xi32>
        %mul3A_2038 = arith.muli %get3A_2035, %mul3A_2037 : vector<16xi32>
        %add3A_2039 = arith.addi %mul3A_2038, %select_n3A_2032 : vector<16xi32>
        %swap3A_2040 = arith.constant 2 : i32
        %swap3A_2041 = arith.index_cast %swap3A_2040 : i32 to index
        %swap3A_2042 = arith.constant 64 : index
        %swap3A_2043 = tpu.vector_load %arg7[%swap3A_2041, %swap3A_2042] {strides = array<i32>} : memref<5x80xi32, #tpu.memory_space<vmem>>, vector<1x16xi32>,
        %swap3A_2044 = vector.shape_cast %swap3A_2043 : vector<1x16xi32> to vector<16xi32>
        %swap3A_2045 = vector.shape_cast %add3A_2039 : vector<16xi32> to vector<1x16xi32>
        tpu.vector_store %arg7[%swap3A_2041, %swap3A_2042], %swap3A_2045 {strides = array<i32>} : memref<5x80xi32, #tpu.memory_space<vmem>>, vector<1x16xi32>,
        %add3A_2046 = arith.constant 40 : i32
        %add3A_2047 = vector.broadcast %add3A_2046 : i32 to vector<16xi32>
        %add3A_2048 = arith.addi %add3A_2047, %iota3A : vector<16xi32>
        %ge3A_2049 = arith.constant 100 : i32
        %ge3A_2050 = vector.broadcast %ge3A_2049 : i32 to vector<16xi32>
        %ge3A_2051 = arith.cmpi sge, %add3A_2048, %ge3A_2050 : vector<16xi32>
        %sub3A_2052 = arith.constant 100 : i32
        %sub3A_2053 = vector.broadcast %sub3A_2052 : i32 to vector<16xi32>
        %sub3A_2054 = arith.subi %add3A_2048, %sub3A_2053 : vector<16xi32>
        %select_n3A_2055 = arith.select %ge3A_2051, %sub3A_2054, %add3A_2048 : vector<16xi1>, vector<16xi32>
        %get3A_2056 = arith.constant 240 : index
        %get3A_2057 = tpu.vector_load %arg5[%get3A_2056] {strides = array<i32>} : memref<400xi32, #tpu.memory_space<vmem>>, vector<16xi32>,
        %get3A_2058 = vector.shape_cast %get3A_2057 : vector<16xi32> to vector<16xi32>
        %mul3A_2059 = arith.constant 100 : i32
        %mul3A_2060 = vector.broadcast %mul3A_2059 : i32 to vector<16xi32>
        %mul3A_2061 = arith.muli %get3A_2058, %mul3A_2060 : vector<16xi32>
        %add3A_2062 = arith.addi %mul3A_2061, %select_n3A_2055 : vector<16xi32>
        %swap3A_2063 = arith.constant 3 : i32
        %swap3A_2064 = arith.index_cast %swap3A_2063 : i32 to index
        %swap3A_2065 = arith.constant 0 : index
        %swap3A_2066 = tpu.vector_load %arg7[%swap3A_2064, %swap3A_2065] {strides = array<i32>} : memref<5x80xi32, #tpu.memory_space<vmem>>, vector<1x16xi32>,
        %swap3A_2067 = vector.shape_cast %swap3A_2066 : vector<1x16xi32> to vector<16xi32>
        %swap3A_2068 = vector.shape_cast %add3A_2062 : vector<16xi32> to vector<1x16xi32>
        tpu.vector_store %arg7[%swap3A_2064, %swap3A_2065], %swap3A_2068 {strides = array<i32>} : memref<5x80xi32, #tpu.memory_space<vmem>>, vector<1x16xi32>,
        %add3A_2069 = arith.constant 56 : i32
        %add3A_2070 = vector.broadcast %add3A_2069 : i32 to vector<16xi32>
        %add3A_2071 = arith.addi %add3A_2070, %iota3A : vector<16xi32>
        %ge3A_2072 = arith.constant 100 : i32
        %ge3A_2073 = vector.broadcast %ge3A_2072 : i32 to vector<16xi32>
        %ge3A_2074 = arith.cmpi sge, %add3A_2071, %ge3A_2073 : vector<16xi32>
        %sub3A_2075 = arith.constant 100 : i32
        %sub3A_2076 = vector.broadcast %sub3A_2075 : i32 to vector<16xi32>
        %sub3A_2077 = arith.subi %add3A_2071, %sub3A_2076 : vector<16xi32>
        %select_n3A_2078 = arith.select %ge3A_2074, %sub3A_2077, %add3A_2071 : vector<16xi1>, vector<16xi32>
        %get3A_2079 = arith.constant 256 : index
        %get3A_2080 = tpu.vector_load %arg5[%get3A_2079] {strides = array<i32>} : memref<400xi32, #tpu.memory_space<vmem>>, vector<16xi32>,
        %get3A_2081 = vector.shape_cast %get3A_2080 : vector<16xi32> to vector<16xi32>
        %mul3A_2082 = arith.constant 100 : i32
        %mul3A_2083 = vector.broadcast %mul3A_2082 : i32 to vector<16xi32>
        %mul3A_2084 = arith.muli %get3A_2081, %mul3A_2083 : vector<16xi32>
        %add3A_2085 = arith.addi %mul3A_2084, %select_n3A_2078 : vector<16xi32>
        %swap3A_2086 = arith.constant 3 : i32
        %swap3A_2087 = arith.index_cast %swap3A_2086 : i32 to index
        %swap3A_2088 = arith.constant 16 : index
        %swap3A_2089 = tpu.vector_load %arg7[%swap3A_2087, %swap3A_2088] {strides = array<i32>} : memref<5x80xi32, #tpu.memory_space<vmem>>, vector<1x16xi32>,
        %swap3A_2090 = vector.shape_cast %swap3A_2089 : vector<1x16xi32> to vector<16xi32>
        %swap3A_2091 = vector.shape_cast %add3A_2085 : vector<16xi32> to vector<1x16xi32>
        tpu.vector_store %arg7[%swap3A_2087, %swap3A_2088], %swap3A_2091 {strides = array<i32>} : memref<5x80xi32, #tpu.memory_space<vmem>>, vector<1x16xi32>,
        %add3A_2092 = arith.constant 72 : i32
        %add3A_2093 = vector.broadcast %add3A_2092 : i32 to vector<16xi32>
        %add3A_2094 = arith.addi %add3A_2093, %iota3A : vector<16xi32>
        %ge3A_2095 = arith.constant 100 : i32
        %ge3A_2096 = vector.broadcast %ge3A_2095 : i32 to vector<16xi32>
        %ge3A_2097 = arith.cmpi sge, %add3A_2094, %ge3A_2096 : vector<16xi32>
        %sub3A_2098 = arith.constant 100 : i32
        %sub3A_2099 = vector.broadcast %sub3A_2098 : i32 to vector<16xi32>
        %sub3A_2100 = arith.subi %add3A_2094, %sub3A_2099 : vector<16xi32>
        %select_n3A_2101 = arith.select %ge3A_2097, %sub3A_2100, %add3A_2094 : vector<16xi1>, vector<16xi32>
        %get3A_2102 = arith.constant 272 : index
        %get3A_2103 = tpu.vector_load %arg5[%get3A_2102] {strides = array<i32>} : memref<400xi32, #tpu.memory_space<vmem>>, vector<16xi32>,
        %get3A_2104 = vector.shape_cast %get3A_2103 : vector<16xi32> to vector<16xi32>
        %mul3A_2105 = arith.constant 100 : i32
        %mul3A_2106 = vector.broadcast %mul3A_2105 : i32 to vector<16xi32>
        %mul3A_2107 = arith.muli %get3A_2104, %mul3A_2106 : vector<16xi32>
        %add3A_2108 = arith.addi %mul3A_2107, %select_n3A_2101 : vector<16xi32>
        %swap3A_2109 = arith.constant 3 : i32
        %swap3A_2110 = arith.index_cast %swap3A_2109 : i32 to index
        %swap3A_2111 = arith.constant 32 : index
        %swap3A_2112 = tpu.vector_load %arg7[%swap3A_2110, %swap3A_2111] {strides = array<i32>} : memref<5x80xi32, #tpu.memory_space<vmem>>, vector<1x16xi32>,
        %swap3A_2113 = vector.shape_cast %swap3A_2112 : vector<1x16xi32> to vector<16xi32>
        %swap3A_2114 = vector.shape_cast %add3A_2108 : vector<16xi32> to vector<1x16xi32>
        tpu.vector_store %arg7[%swap3A_2110, %swap3A_2111], %swap3A_2114 {strides = array<i32>} : memref<5x80xi32, #tpu.memory_space<vmem>>, vector<1x16xi32>,
        %add3A_2115 = arith.constant 88 : i32
        %add3A_2116 = vector.broadcast %add3A_2115 : i32 to vector<16xi32>
        %add3A_2117 = arith.addi %add3A_2116, %iota3A : vector<16xi32>
        %ge3A_2118 = arith.constant 100 : i32
        %ge3A_2119 = vector.broadcast %ge3A_2118 : i32 to vector<16xi32>
        %ge3A_2120 = arith.cmpi sge, %add3A_2117, %ge3A_2119 : vector<16xi32>
        %sub3A_2121 = arith.constant 100 : i32
        %sub3A_2122 = vector.broadcast %sub3A_2121 : i32 to vector<16xi32>
        %sub3A_2123 = arith.subi %add3A_2117, %sub3A_2122 : vector<16xi32>
        %select_n3A_2124 = arith.select %ge3A_2120, %sub3A_2123, %add3A_2117 : vector<16xi1>, vector<16xi32>
        %get3A_2125 = arith.constant 288 : index
        %get3A_2126 = tpu.vector_load %arg5[%get3A_2125] {strides = array<i32>} : memref<400xi32, #tpu.memory_space<vmem>>, vector<16xi32>,
        %get3A_2127 = vector.shape_cast %get3A_2126 : vector<16xi32> to vector<16xi32>
        %mul3A_2128 = arith.constant 100 : i32
        %mul3A_2129 = vector.broadcast %mul3A_2128 : i32 to vector<16xi32>
        %mul3A_2130 = arith.muli %get3A_2127, %mul3A_2129 : vector<16xi32>
        %add3A_2131 = arith.addi %mul3A_2130, %select_n3A_2124 : vector<16xi32>
        %swap3A_2132 = arith.constant 3 : i32
        %swap3A_2133 = arith.index_cast %swap3A_2132 : i32 to index
        %swap3A_2134 = arith.constant 48 : index
        %swap3A_2135 = tpu.vector_load %arg7[%swap3A_2133, %swap3A_2134] {strides = array<i32>} : memref<5x80xi32, #tpu.memory_space<vmem>>, vector<1x16xi32>,
        %swap3A_2136 = vector.shape_cast %swap3A_2135 : vector<1x16xi32> to vector<16xi32>
        %swap3A_2137 = vector.shape_cast %add3A_2131 : vector<16xi32> to vector<1x16xi32>
        tpu.vector_store %arg7[%swap3A_2133, %swap3A_2134], %swap3A_2137 {strides = array<i32>} : memref<5x80xi32, #tpu.memory_space<vmem>>, vector<1x16xi32>,
        %add3A_2138 = arith.constant 4 : i32
        %add3A_2139 = vector.broadcast %add3A_2138 : i32 to vector<16xi32>
        %add3A_2140 = arith.addi %add3A_2139, %iota3A : vector<16xi32>
        %ge3A_2141 = arith.constant 100 : i32
        %ge3A_2142 = vector.broadcast %ge3A_2141 : i32 to vector<16xi32>
        %ge3A_2143 = arith.cmpi sge, %add3A_2140, %ge3A_2142 : vector<16xi32>
        %sub3A_2144 = arith.constant 100 : i32
        %sub3A_2145 = vector.broadcast %sub3A_2144 : i32 to vector<16xi32>
        %sub3A_2146 = arith.subi %add3A_2140, %sub3A_2145 : vector<16xi32>
        %select_n3A_2147 = arith.select %ge3A_2143, %sub3A_2146, %add3A_2140 : vector<16xi1>, vector<16xi32>
        %get3A_2148 = arith.constant 304 : index
        %get3A_2149 = tpu.vector_load %arg5[%get3A_2148] {strides = array<i32>} : memref<400xi32, #tpu.memory_space<vmem>>, vector<16xi32>,
        %get3A_2150 = vector.shape_cast %get3A_2149 : vector<16xi32> to vector<16xi32>
        %mul3A_2151 = arith.constant 100 : i32
        %mul3A_2152 = vector.broadcast %mul3A_2151 : i32 to vector<16xi32>
        %mul3A_2153 = arith.muli %get3A_2150, %mul3A_2152 : vector<16xi32>
        %add3A_2154 = arith.addi %mul3A_2153, %select_n3A_2147 : vector<16xi32>
        %swap3A_2155 = arith.constant 3 : i32
        %swap3A_2156 = arith.index_cast %swap3A_2155 : i32 to index
        %swap3A_2157 = arith.constant 64 : index
        %swap3A_2158 = tpu.vector_load %arg7[%swap3A_2156, %swap3A_2157] {strides = array<i32>} : memref<5x80xi32, #tpu.memory_space<vmem>>, vector<1x16xi32>,
        %swap3A_2159 = vector.shape_cast %swap3A_2158 : vector<1x16xi32> to vector<16xi32>
        %swap3A_2160 = vector.shape_cast %add3A_2154 : vector<16xi32> to vector<1x16xi32>
        tpu.vector_store %arg7[%swap3A_2156, %swap3A_2157], %swap3A_2160 {strides = array<i32>} : memref<5x80xi32, #tpu.memory_space<vmem>>, vector<1x16xi32>,
        %add3A_2161 = arith.constant 20 : i32
        %add3A_2162 = vector.broadcast %add3A_2161 : i32 to vector<16xi32>
        %add3A_2163 = arith.addi %add3A_2162, %iota3A : vector<16xi32>
        %ge3A_2164 = arith.constant 100 : i32
        %ge3A_2165 = vector.broadcast %ge3A_2164 : i32 to vector<16xi32>
        %ge3A_2166 = arith.cmpi sge, %add3A_2163, %ge3A_2165 : vector<16xi32>
        %sub3A_2167 = arith.constant 100 : i32
        %sub3A_2168 = vector.broadcast %sub3A_2167 : i32 to vector<16xi32>
        %sub3A_2169 = arith.subi %add3A_2163, %sub3A_2168 : vector<16xi32>
        %select_n3A_2170 = arith.select %ge3A_2166, %sub3A_2169, %add3A_2163 : vector<16xi1>, vector<16xi32>
        %get3A_2171 = arith.constant 320 : index
        %get3A_2172 = tpu.vector_load %arg5[%get3A_2171] {strides = array<i32>} : memref<400xi32, #tpu.memory_space<vmem>>, vector<16xi32>,
        %get3A_2173 = vector.shape_cast %get3A_2172 : vector<16xi32> to vector<16xi32>
        %mul3A_2174 = arith.constant 100 : i32
        %mul3A_2175 = vector.broadcast %mul3A_2174 : i32 to vector<16xi32>
        %mul3A_2176 = arith.muli %get3A_2173, %mul3A_2175 : vector<16xi32>
        %add3A_2177 = arith.addi %mul3A_2176, %select_n3A_2170 : vector<16xi32>
        %swap3A_2178 = arith.constant 4 : i32
        %swap3A_2179 = arith.index_cast %swap3A_2178 : i32 to index
        %swap3A_2180 = arith.constant 0 : index
        %swap3A_2181 = tpu.vector_load %arg7[%swap3A_2179, %swap3A_2180] {strides = array<i32>} : memref<5x80xi32, #tpu.memory_space<vmem>>, vector<1x16xi32>,
        %swap3A_2182 = vector.shape_cast %swap3A_2181 : vector<1x16xi32> to vector<16xi32>
        %swap3A_2183 = vector.shape_cast %add3A_2177 : vector<16xi32> to vector<1x16xi32>
        tpu.vector_store %arg7[%swap3A_2179, %swap3A_2180], %swap3A_2183 {strides = array<i32>} : memref<5x80xi32, #tpu.memory_space<vmem>>, vector<1x16xi32>,
        %add3A_2184 = arith.constant 36 : i32
        %add3A_2185 = vector.broadcast %add3A_2184 : i32 to vector<16xi32>
        %add3A_2186 = arith.addi %add3A_2185, %iota3A : vector<16xi32>
        %ge3A_2187 = arith.constant 100 : i32
        %ge3A_2188 = vector.broadcast %ge3A_2187 : i32 to vector<16xi32>
        %ge3A_2189 = arith.cmpi sge, %add3A_2186, %ge3A_2188 : vector<16xi32>
        %sub3A_2190 = arith.constant 100 : i32
        %sub3A_2191 = vector.broadcast %sub3A_2190 : i32 to vector<16xi32>
        %sub3A_2192 = arith.subi %add3A_2186, %sub3A_2191 : vector<16xi32>
        %select_n3A_2193 = arith.select %ge3A_2189, %sub3A_2192, %add3A_2186 : vector<16xi1>, vector<16xi32>
        %get3A_2194 = arith.constant 336 : index
        %get3A_2195 = tpu.vector_load %arg5[%get3A_2194] {strides = array<i32>} : memref<400xi32, #tpu.memory_space<vmem>>, vector<16xi32>,
        %get3A_2196 = vector.shape_cast %get3A_2195 : vector<16xi32> to vector<16xi32>
        %mul3A_2197 = arith.constant 100 : i32
        %mul3A_2198 = vector.broadcast %mul3A_2197 : i32 to vector<16xi32>
        %mul3A_2199 = arith.muli %get3A_2196, %mul3A_2198 : vector<16xi32>
        %add3A_2200 = arith.addi %mul3A_2199, %select_n3A_2193 : vector<16xi32>
        %swap3A_2201 = arith.constant 4 : i32
        %swap3A_2202 = arith.index_cast %swap3A_2201 : i32 to index
        %swap3A_2203 = arith.constant 16 : index
        %swap3A_2204 = tpu.vector_load %arg7[%swap3A_2202, %swap3A_2203] {strides = array<i32>} : memref<5x80xi32, #tpu.memory_space<vmem>>, vector<1x16xi32>,
        %swap3A_2205 = vector.shape_cast %swap3A_2204 : vector<1x16xi32> to vector<16xi32>
        %swap3A_2206 = vector.shape_cast %add3A_2200 : vector<16xi32> to vector<1x16xi32>
        tpu.vector_store %arg7[%swap3A_2202, %swap3A_2203], %swap3A_2206 {strides = array<i32>} : memref<5x80xi32, #tpu.memory_space<vmem>>, vector<1x16xi32>,
        %add3A_2207 = arith.constant 52 : i32
        %add3A_2208 = vector.broadcast %add3A_2207 : i32 to vector<16xi32>
        %add3A_2209 = arith.addi %add3A_2208, %iota3A : vector<16xi32>
        %ge3A_2210 = arith.constant 100 : i32
        %ge3A_2211 = vector.broadcast %ge3A_2210 : i32 to vector<16xi32>
        %ge3A_2212 = arith.cmpi sge, %add3A_2209, %ge3A_2211 : vector<16xi32>
        %sub3A_2213 = arith.constant 100 : i32
        %sub3A_2214 = vector.broadcast %sub3A_2213 : i32 to vector<16xi32>
        %sub3A_2215 = arith.subi %add3A_2209, %sub3A_2214 : vector<16xi32>
        %select_n3A_2216 = arith.select %ge3A_2212, %sub3A_2215, %add3A_2209 : vector<16xi1>, vector<16xi32>
        %get3A_2217 = arith.constant 352 : index
        %get3A_2218 = tpu.vector_load %arg5[%get3A_2217] {strides = array<i32>} : memref<400xi32, #tpu.memory_space<vmem>>, vector<16xi32>,
        %get3A_2219 = vector.shape_cast %get3A_2218 : vector<16xi32> to vector<16xi32>
        %mul3A_2220 = arith.constant 100 : i32
        %mul3A_2221 = vector.broadcast %mul3A_2220 : i32 to vector<16xi32>
        %mul3A_2222 = arith.muli %get3A_2219, %mul3A_2221 : vector<16xi32>
        %add3A_2223 = arith.addi %mul3A_2222, %select_n3A_2216 : vector<16xi32>
        %swap3A_2224 = arith.constant 4 : i32
        %swap3A_2225 = arith.index_cast %swap3A_2224 : i32 to index
        %swap3A_2226 = arith.constant 32 : index
        %swap3A_2227 = tpu.vector_load %arg7[%swap3A_2225, %swap3A_2226] {strides = array<i32>} : memref<5x80xi32, #tpu.memory_space<vmem>>, vector<1x16xi32>,
        %swap3A_2228 = vector.shape_cast %swap3A_2227 : vector<1x16xi32> to vector<16xi32>
        %swap3A_2229 = vector.shape_cast %add3A_2223 : vector<16xi32> to vector<1x16xi32>
        tpu.vector_store %arg7[%swap3A_2225, %swap3A_2226], %swap3A_2229 {strides = array<i32>} : memref<5x80xi32, #tpu.memory_space<vmem>>, vector<1x16xi32>,
        %add3A_2230 = arith.constant 68 : i32
        %add3A_2231 = vector.broadcast %add3A_2230 : i32 to vector<16xi32>
        %add3A_2232 = arith.addi %add3A_2231, %iota3A : vector<16xi32>
        %ge3A_2233 = arith.constant 100 : i32
        %ge3A_2234 = vector.broadcast %ge3A_2233 : i32 to vector<16xi32>
        %ge3A_2235 = arith.cmpi sge, %add3A_2232, %ge3A_2234 : vector<16xi32>
        %sub3A_2236 = arith.constant 100 : i32
        %sub3A_2237 = vector.broadcast %sub3A_2236 : i32 to vector<16xi32>
        %sub3A_2238 = arith.subi %add3A_2232, %sub3A_2237 : vector<16xi32>
        %select_n3A_2239 = arith.select %ge3A_2235, %sub3A_2238, %add3A_2232 : vector<16xi1>, vector<16xi32>
        %get3A_2240 = arith.constant 368 : index
        %get3A_2241 = tpu.vector_load %arg5[%get3A_2240] {strides = array<i32>} : memref<400xi32, #tpu.memory_space<vmem>>, vector<16xi32>,
        %get3A_2242 = vector.shape_cast %get3A_2241 : vector<16xi32> to vector<16xi32>
        %mul3A_2243 = arith.constant 100 : i32
        %mul3A_2244 = vector.broadcast %mul3A_2243 : i32 to vector<16xi32>
        %mul3A_2245 = arith.muli %get3A_2242, %mul3A_2244 : vector<16xi32>
        %add3A_2246 = arith.addi %mul3A_2245, %select_n3A_2239 : vector<16xi32>
        %swap3A_2247 = arith.constant 4 : i32
        %swap3A_2248 = arith.index_cast %swap3A_2247 : i32 to index
        %swap3A_2249 = arith.constant 48 : index
        %swap3A_2250 = tpu.vector_load %arg7[%swap3A_2248, %swap3A_2249] {strides = array<i32>} : memref<5x80xi32, #tpu.memory_space<vmem>>, vector<1x16xi32>,
        %swap3A_2251 = vector.shape_cast %swap3A_2250 : vector<1x16xi32> to vector<16xi32>
        %swap3A_2252 = vector.shape_cast %add3A_2246 : vector<16xi32> to vector<1x16xi32>
        tpu.vector_store %arg7[%swap3A_2248, %swap3A_2249], %swap3A_2252 {strides = array<i32>} : memref<5x80xi32, #tpu.memory_space<vmem>>, vector<1x16xi32>,
        %add3A_2253 = arith.constant 84 : i32
        %add3A_2254 = vector.broadcast %add3A_2253 : i32 to vector<16xi32>
        %add3A_2255 = arith.addi %add3A_2254, %iota3A : vector<16xi32>
        %ge3A_2256 = arith.constant 100 : i32
        %ge3A_2257 = vector.broadcast %ge3A_2256 : i32 to vector<16xi32>
        %ge3A_2258 = arith.cmpi sge, %add3A_2255, %ge3A_2257 : vector<16xi32>
        %sub3A_2259 = arith.constant 100 : i32
        %sub3A_2260 = vector.broadcast %sub3A_2259 : i32 to vector<16xi32>
        %sub3A_2261 = arith.subi %add3A_2255, %sub3A_2260 : vector<16xi32>
        %select_n3A_2262 = arith.select %ge3A_2258, %sub3A_2261, %add3A_2255 : vector<16xi1>, vector<16xi32>
        %get3A_2263 = arith.constant 384 : index
        %get3A_2264 = tpu.vector_load %arg5[%get3A_2263] {strides = array<i32>} : memref<400xi32, #tpu.memory_space<vmem>>, vector<16xi32>,
        %get3A_2265 = vector.shape_cast %get3A_2264 : vector<16xi32> to vector<16xi32>
        %mul3A_2266 = arith.constant 100 : i32
        %mul3A_2267 = vector.broadcast %mul3A_2266 : i32 to vector<16xi32>
        %mul3A_2268 = arith.muli %get3A_2265, %mul3A_2267 : vector<16xi32>
        %add3A_2269 = arith.addi %mul3A_2268, %select_n3A_2262 : vector<16xi32>
        %swap3A_2270 = arith.constant 4 : i32
        %swap3A_2271 = arith.index_cast %swap3A_2270 : i32 to index
        %swap3A_2272 = arith.constant 64 : index
        %swap3A_2273 = tpu.vector_load %arg7[%swap3A_2271, %swap3A_2272] {strides = array<i32>} : memref<5x80xi32, #tpu.memory_space<vmem>>, vector<1x16xi32>,
        %swap3A_2274 = vector.shape_cast %swap3A_2273 : vector<1x16xi32> to vector<16xi32>
        %swap3A_2275 = vector.shape_cast %add3A_2269 : vector<16xi32> to vector<1x16xi32>
        tpu.vector_store %arg7[%swap3A_2271, %swap3A_2272], %swap3A_2275 {strides = array<i32>} : memref<5x80xi32, #tpu.memory_space<vmem>>, vector<1x16xi32>,
      } else {
      }
      %dma_wait3A_1477 = arith.constant 0 : i32
      %dma_wait3A_1478 = arith.constant 0 : i32
      %dma_wait3A_1479 = tpu.memref_slice %arg10[%dma_wait3A_1477, %dma_wait3A_1478] : memref<400x128xf32, #tpu.memory_space<vmem>> -> memref<80x128xf32, #tpu.memory_space<vmem>>
      %dma_wait3A_1480 = arith.constant 0 : i32
      %dma_wait3A_1481 = arith.constant 0 : i32
      %dma_wait3A_1482 = tpu.memref_slice %arg2[%dma_wait3A_1480, %dma_wait3A_1481] : memref<1000x128xf32, #tpu.memory_space<hbm>> -> memref<80x128xf32, #tpu.memory_space<hbm>>
      %dma_wait3A_1483 = arith.constant 0 : i32
      %dma_wait3A_1484 = arith.constant 0 : i32
      %dma_wait3A_1485 = tpu.memref_slice %arg10[%dma_wait3A_1483, %dma_wait3A_1484] : memref<400x128xf32, #tpu.memory_space<vmem>> -> memref<80x128xf32, #tpu.memory_space<vmem>>
      %dma_wait3A_1486 = arith.constant 0 : i32
      %dma_wait3A_1487 = arith.constant 0 : i32
      %dma_wait3A_1488 = tpu.memref_slice %arg2[%dma_wait3A_1486, %dma_wait3A_1487] : memref<1000x128xf32, #tpu.memory_space<hbm>> -> memref<80x128xf32, #tpu.memory_space<hbm>>
      tpu.wait_dma2 semaphore(%arg12 : memref<!tpu.dma_semaphore, #tpu.memory_space<semaphore_mem>>) src(%dma_wait3A_1488 : memref<80x128xf32, #tpu.memory_space<hbm>>) dst(%dma_wait3A_1485 : memref<80x128xf32, #tpu.memory_space<vmem>>)
      %dma_wait3A_1489 = arith.constant 80 : i32
      %dma_wait3A_1490 = arith.constant 0 : i32
      %dma_wait3A_1491 = tpu.memref_slice %arg10[%dma_wait3A_1489, %dma_wait3A_1490] : memref<400x128xf32, #tpu.memory_space<vmem>> -> memref<80x128xf32, #tpu.memory_space<vmem>>
      %dma_wait3A_1492 = arith.constant 0 : i32
      %dma_wait3A_1493 = arith.constant 0 : i32
      %dma_wait3A_1494 = tpu.memref_slice %arg2[%dma_wait3A_1492, %dma_wait3A_1493] : memref<1000x128xf32, #tpu.memory_space<hbm>> -> memref<80x128xf32, #tpu.memory_space<hbm>>
      %dma_wait3A_1495 = arith.constant 80 : i32
      %dma_wait3A_1496 = arith.constant 0 : i32
      %dma_wait3A_1497 = tpu.memref_slice %arg10[%dma_wait3A_1495, %dma_wait3A_1496] : memref<400x128xf32, #tpu.memory_space<vmem>> -> memref<80x128xf32, #tpu.memory_space<vmem>>
      %dma_wait3A_1498 = arith.constant 0 : i32
      %dma_wait3A_1499 = arith.constant 0 : i32
      %dma_wait3A_1500 = tpu.memref_slice %arg2[%dma_wait3A_1498, %dma_wait3A_1499] : memref<1000x128xf32, #tpu.memory_space<hbm>> -> memref<80x128xf32, #tpu.memory_space<hbm>>
      tpu.wait_dma2 semaphore(%arg12 : memref<!tpu.dma_semaphore, #tpu.memory_space<semaphore_mem>>) src(%dma_wait3A_1500 : memref<80x128xf32, #tpu.memory_space<hbm>>) dst(%dma_wait3A_1497 : memref<80x128xf32, #tpu.memory_space<vmem>>)
      %dma_wait3A_1501 = arith.constant 160 : i32
      %dma_wait3A_1502 = arith.constant 0 : i32
      %dma_wait3A_1503 = tpu.memref_slice %arg10[%dma_wait3A_1501, %dma_wait3A_1502] : memref<400x128xf32, #tpu.memory_space<vmem>> -> memref<80x128xf32, #tpu.memory_space<vmem>>
      %dma_wait3A_1504 = arith.constant 0 : i32
      %dma_wait3A_1505 = arith.constant 0 : i32
      %dma_wait3A_1506 = tpu.memref_slice %arg2[%dma_wait3A_1504, %dma_wait3A_1505] : memref<1000x128xf32, #tpu.memory_space<hbm>> -> memref<80x128xf32, #tpu.memory_space<hbm>>
      %dma_wait3A_1507 = arith.constant 160 : i32
      %dma_wait3A_1508 = arith.constant 0 : i32
      %dma_wait3A_1509 = tpu.memref_slice %arg10[%dma_wait3A_1507, %dma_wait3A_1508] : memref<400x128xf32, #tpu.memory_space<vmem>> -> memref<80x128xf32, #tpu.memory_space<vmem>>
      %dma_wait3A_1510 = arith.constant 0 : i32
      %dma_wait3A_1511 = arith.constant 0 : i32
      %dma_wait3A_1512 = tpu.memref_slice %arg2[%dma_wait3A_1510, %dma_wait3A_1511] : memref<1000x128xf32, #tpu.memory_space<hbm>> -> memref<80x128xf32, #tpu.memory_space<hbm>>
      tpu.wait_dma2 semaphore(%arg12 : memref<!tpu.dma_semaphore, #tpu.memory_space<semaphore_mem>>) src(%dma_wait3A_1512 : memref<80x128xf32, #tpu.memory_space<hbm>>) dst(%dma_wait3A_1509 : memref<80x128xf32, #tpu.memory_space<vmem>>)
      %dma_wait3A_1513 = arith.constant 240 : i32
      %dma_wait3A_1514 = arith.constant 0 : i32
      %dma_wait3A_1515 = tpu.memref_slice %arg10[%dma_wait3A_1513, %dma_wait3A_1514] : memref<400x128xf32, #tpu.memory_space<vmem>> -> memref<80x128xf32, #tpu.memory_space<vmem>>
      %dma_wait3A_1516 = arith.constant 0 : i32
      %dma_wait3A_1517 = arith.constant 0 : i32
      %dma_wait3A_1518 = tpu.memref_slice %arg2[%dma_wait3A_1516, %dma_wait3A_1517] : memref<1000x128xf32, #tpu.memory_space<hbm>> -> memref<80x128xf32, #tpu.memory_space<hbm>>
      %dma_wait3A_1519 = arith.constant 240 : i32
      %dma_wait3A_1520 = arith.constant 0 : i32
      %dma_wait3A_1521 = tpu.memref_slice %arg10[%dma_wait3A_1519, %dma_wait3A_1520] : memref<400x128xf32, #tpu.memory_space<vmem>> -> memref<80x128xf32, #tpu.memory_space<vmem>>
      %dma_wait3A_1522 = arith.constant 0 : i32
      %dma_wait3A_1523 = arith.constant 0 : i32
      %dma_wait3A_1524 = tpu.memref_slice %arg2[%dma_wait3A_1522, %dma_wait3A_1523] : memref<1000x128xf32, #tpu.memory_space<hbm>> -> memref<80x128xf32, #tpu.memory_space<hbm>>
      tpu.wait_dma2 semaphore(%arg12 : memref<!tpu.dma_semaphore, #tpu.memory_space<semaphore_mem>>) src(%dma_wait3A_1524 : memref<80x128xf32, #tpu.memory_space<hbm>>) dst(%dma_wait3A_1521 : memref<80x128xf32, #tpu.memory_space<vmem>>)
      %dma_wait3A_1525 = arith.constant 320 : i32
      %dma_wait3A_1526 = arith.constant 0 : i32
      %dma_wait3A_1527 = tpu.memref_slice %arg10[%dma_wait3A_1525, %dma_wait3A_1526] : memref<400x128xf32, #tpu.memory_space<vmem>> -> memref<80x128xf32, #tpu.memory_space<vmem>>
      %dma_wait3A_1528 = arith.constant 0 : i32
      %dma_wait3A_1529 = arith.constant 0 : i32
      %dma_wait3A_1530 = tpu.memref_slice %arg2[%dma_wait3A_1528, %dma_wait3A_1529] : memref<1000x128xf32, #tpu.memory_space<hbm>> -> memref<80x128xf32, #tpu.memory_space<hbm>>
      %dma_wait3A_1531 = arith.constant 320 : i32
      %dma_wait3A_1532 = arith.constant 0 : i32
      %dma_wait3A_1533 = tpu.memref_slice %arg10[%dma_wait3A_1531, %dma_wait3A_1532] : memref<400x128xf32, #tpu.memory_space<vmem>> -> memref<80x128xf32, #tpu.memory_space<vmem>>
      %dma_wait3A_1534 = arith.constant 0 : i32
      %dma_wait3A_1535 = arith.constant 0 : i32
      %dma_wait3A_1536 = tpu.memref_slice %arg2[%dma_wait3A_1534, %dma_wait3A_1535] : memref<1000x128xf32, #tpu.memory_space<hbm>> -> memref<80x128xf32, #tpu.memory_space<hbm>>
      tpu.wait_dma2 semaphore(%arg12 : memref<!tpu.dma_semaphore, #tpu.memory_space<semaphore_mem>>) src(%dma_wait3A_1536 : memref<80x128xf32, #tpu.memory_space<hbm>>) dst(%dma_wait3A_1533 : memref<80x128xf32, #tpu.memory_space<vmem>>)
      %add3A_1537 = arith.constant 1 : i32
      %add3A_1538 = arith.addi %mul3A_692, %add3A_1537 : i32
      %jit3A_1539 = arith.constant 100 : i32
      %div3A_1540 = arith.divsi %mul3A_2, %jit3A_1539 : i32
      %sign3A_1541 = arith.constant 0 : i32
      %sign3A_1542 = arith.cmpi sgt, %mul3A_2, %sign3A_1541 : i32
      %sign3A_1543 = arith.extui %sign3A_1542 : i1 to i32
      %sign3A_1544 = arith.constant 0 : i32
      %sign3A_1545 = arith.cmpi slt, %mul3A_2, %sign3A_1544 : i32
      %sign3A_1546 = arith.extui %sign3A_1545 : i1 to i32
      %sign3A_1547 = arith.subi %sign3A_1543, %sign3A_1546 : i32
      %sign3A_1548 = arith.constant 0 : i32
      %sign3A_1549 = arith.cmpi sgt, %jit3A_1539, %sign3A_1548 : i32
      %sign3A_1550 = arith.extui %sign3A_1549 : i1 to i32
      %sign3A_1551 = arith.constant 0 : i32
      %sign3A_1552 = arith.cmpi slt, %jit3A_1539, %sign3A_1551 : i32
      %sign3A_1553 = arith.extui %sign3A_1552 : i1 to i32
      %sign3A_1554 = arith.subi %sign3A_1550, %sign3A_1553 : i32
      %ne3A_1555 = arith.cmpi ne, %sign3A_1547, %sign3A_1554 : i32
      %rem3A_1556 = arith.remsi %mul3A_2, %jit3A_1539 : i32
      %ne3A_1557 = arith.constant 0 : i32
      %ne3A_1558 = arith.cmpi ne, %rem3A_1556, %ne3A_1557 : i32
      %and3A_1559 = arith.andi %ne3A_1555, %ne3A_1558 : i1
      %sub3A_1560 = arith.constant 1 : i32
      %sub3A_1561 = arith.subi %div3A_1540, %sub3A_1560 : i32
      %select_n3A_1562 = arith.select %and3A_1559, %sub3A_1561, %div3A_1540 : i32
      %mul3A_1563 = arith.constant 4 : i32
      %mul3A_1564 = arith.muli %add3A_1538, %mul3A_1563 : i32
      %add3A_1565 = arith.addi %select_n3A_1562, %mul3A_1564 : i32
      %add3A_1566 = arith.constant 0 : i32
      %add3A_1567 = arith.addi %add3A_1565, %add3A_1566 : i32
      %dma_start3A_1568 = arith.constant 0 : i32
      %dma_start3A_1569 = arith.constant 0 : i32
      %dma_start3A_1570 = tpu.memref_slice %arg10[%dma_start3A_1568, %dma_start3A_1569] : memref<400x128xf32, #tpu.memory_space<vmem>> -> memref<100x128xf32, #tpu.memory_space<vmem>>
      %dma_start3A_1571 = arith.constant 0 : i32
      %dma_start3A_1572 = arith.constant 0 : i32
      %dma_start3A_1573 = tpu.memref_slice %arg4[%add3A_1567, %dma_start3A_1571, %dma_start3A_1572] : memref<4096x100x128xf32, #tpu.memory_space<hbm>> -> memref<1x100x128xf32, #tpu.memory_space<hbm>>
      %dma_start3A_1574 = tpu.memref_squeeze %dma_start3A_1573 : memref<1x100x128xf32, #tpu.memory_space<hbm>> -> memref<100x128xf32, #tpu.memory_space<hbm>>
      %dma_start3A_1575 = arith.constant 0 : i32
      %dma_start3A_1576 = arith.constant 0 : i32
      %dma_start3A_1577 = tpu.memref_slice %arg4[%add3A_1567, %dma_start3A_1575, %dma_start3A_1576] : memref<4096x100x128xf32, #tpu.memory_space<hbm>> -> memref<1x100x128xf32, #tpu.memory_space<hbm>>
      %dma_start3A_1578 = tpu.memref_squeeze %dma_start3A_1577 : memref<1x100x128xf32, #tpu.memory_space<hbm>> -> memref<100x128xf32, #tpu.memory_space<hbm>>
      %dma_start3A_1579 = arith.constant 0 : i32
      %dma_start3A_1580 = arith.constant 0 : i32
      %dma_start3A_1581 = tpu.memref_slice %arg10[%dma_start3A_1579, %dma_start3A_1580] : memref<400x128xf32, #tpu.memory_space<vmem>> -> memref<100x128xf32, #tpu.memory_space<vmem>>
      tpu.enqueue_dma source(%dma_start3A_1581 : memref<100x128xf32, #tpu.memory_space<vmem>>) target(%dma_start3A_1578 : memref<100x128xf32, #tpu.memory_space<hbm>>) target_semaphore(%arg14 : memref<!tpu.dma_semaphore, #tpu.memory_space<semaphore_mem>>)
      %add3A_1582 = arith.constant 1 : i32
      %add3A_1583 = arith.addi %add3A_1565, %add3A_1582 : i32
      %dma_start3A_1584 = arith.constant 100 : i32
      %dma_start3A_1585 = arith.constant 0 : i32
      %dma_start3A_1586 = tpu.memref_slice %arg10[%dma_start3A_1584, %dma_start3A_1585] : memref<400x128xf32, #tpu.memory_space<vmem>> -> memref<100x128xf32, #tpu.memory_space<vmem>>
      %dma_start3A_1587 = arith.constant 0 : i32
      %dma_start3A_1588 = arith.constant 0 : i32
      %dma_start3A_1589 = tpu.memref_slice %arg4[%add3A_1583, %dma_start3A_1587, %dma_start3A_1588] : memref<4096x100x128xf32, #tpu.memory_space<hbm>> -> memref<1x100x128xf32, #tpu.memory_space<hbm>>
      %dma_start3A_1590 = tpu.memref_squeeze %dma_start3A_1589 : memref<1x100x128xf32, #tpu.memory_space<hbm>> -> memref<100x128xf32, #tpu.memory_space<hbm>>
      %dma_start3A_1591 = arith.constant 0 : i32
      %dma_start3A_1592 = arith.constant 0 : i32
      %dma_start3A_1593 = tpu.memref_slice %arg4[%add3A_1583, %dma_start3A_1591, %dma_start3A_1592] : memref<4096x100x128xf32, #tpu.memory_space<hbm>> -> memref<1x100x128xf32, #tpu.memory_space<hbm>>
      %dma_start3A_1594 = tpu.memref_squeeze %dma_start3A_1593 : memref<1x100x128xf32, #tpu.memory_space<hbm>> -> memref<100x128xf32, #tpu.memory_space<hbm>>
      %dma_start3A_1595 = arith.constant 100 : i32
      %dma_start3A_1596 = arith.constant 0 : i32
      %dma_start3A_1597 = tpu.memref_slice %arg10[%dma_start3A_1595, %dma_start3A_1596] : memref<400x128xf32, #tpu.memory_space<vmem>> -> memref<100x128xf32, #tpu.memory_space<vmem>>
      tpu.enqueue_dma source(%dma_start3A_1597 : memref<100x128xf32, #tpu.memory_space<vmem>>) target(%dma_start3A_1594 : memref<100x128xf32, #tpu.memory_space<hbm>>) target_semaphore(%arg14 : memref<!tpu.dma_semaphore, #tpu.memory_space<semaphore_mem>>)
      %add3A_1598 = arith.constant 2 : i32
      %add3A_1599 = arith.addi %add3A_1565, %add3A_1598 : i32
      %dma_start3A_1600 = arith.constant 200 : i32
      %dma_start3A_1601 = arith.constant 0 : i32
      %dma_start3A_1602 = tpu.memref_slice %arg10[%dma_start3A_1600, %dma_start3A_1601] : memref<400x128xf32, #tpu.memory_space<vmem>> -> memref<100x128xf32, #tpu.memory_space<vmem>>
      %dma_start3A_1603 = arith.constant 0 : i32
      %dma_start3A_1604 = arith.constant 0 : i32
      %dma_start3A_1605 = tpu.memref_slice %arg4[%add3A_1599, %dma_start3A_1603, %dma_start3A_1604] : memref<4096x100x128xf32, #tpu.memory_space<hbm>> -> memref<1x100x128xf32, #tpu.memory_space<hbm>>
      %dma_start3A_1606 = tpu.memref_squeeze %dma_start3A_1605 : memref<1x100x128xf32, #tpu.memory_space<hbm>> -> memref<100x128xf32, #tpu.memory_space<hbm>>
      %dma_start3A_1607 = arith.constant 0 : i32
      %dma_start3A_1608 = arith.constant 0 : i32
      %dma_start3A_1609 = tpu.memref_slice %arg4[%add3A_1599, %dma_start3A_1607, %dma_start3A_1608] : memref<4096x100x128xf32, #tpu.memory_space<hbm>> -> memref<1x100x128xf32, #tpu.memory_space<hbm>>
      %dma_start3A_1610 = tpu.memref_squeeze %dma_start3A_1609 : memref<1x100x128xf32, #tpu.memory_space<hbm>> -> memref<100x128xf32, #tpu.memory_space<hbm>>
      %dma_start3A_1611 = arith.constant 200 : i32
      %dma_start3A_1612 = arith.constant 0 : i32
      %dma_start3A_1613 = tpu.memref_slice %arg10[%dma_start3A_1611, %dma_start3A_1612] : memref<400x128xf32, #tpu.memory_space<vmem>> -> memref<100x128xf32, #tpu.memory_space<vmem>>
      tpu.enqueue_dma source(%dma_start3A_1613 : memref<100x128xf32, #tpu.memory_space<vmem>>) target(%dma_start3A_1610 : memref<100x128xf32, #tpu.memory_space<hbm>>) target_semaphore(%arg14 : memref<!tpu.dma_semaphore, #tpu.memory_space<semaphore_mem>>)
      %add3A_1614 = arith.constant 3 : i32
      %add3A_1615 = arith.addi %add3A_1565, %add3A_1614 : i32
      %dma_start3A_1616 = arith.constant 300 : i32
      %dma_start3A_1617 = arith.constant 0 : i32
      %dma_start3A_1618 = tpu.memref_slice %arg10[%dma_start3A_1616, %dma_start3A_1617] : memref<400x128xf32, #tpu.memory_space<vmem>> -> memref<100x128xf32, #tpu.memory_space<vmem>>
      %dma_start3A_1619 = arith.constant 0 : i32
      %dma_start3A_1620 = arith.constant 0 : i32
      %dma_start3A_1621 = tpu.memref_slice %arg4[%add3A_1615, %dma_start3A_1619, %dma_start3A_1620] : memref<4096x100x128xf32, #tpu.memory_space<hbm>> -> memref<1x100x128xf32, #tpu.memory_space<hbm>>
      %dma_start3A_1622 = tpu.memref_squeeze %dma_start3A_1621 : memref<1x100x128xf32, #tpu.memory_space<hbm>> -> memref<100x128xf32, #tpu.memory_space<hbm>>
      %dma_start3A_1623 = arith.constant 0 : i32
      %dma_start3A_1624 = arith.constant 0 : i32
      %dma_start3A_1625 = tpu.memref_slice %arg4[%add3A_1615, %dma_start3A_1623, %dma_start3A_1624] : memref<4096x100x128xf32, #tpu.memory_space<hbm>> -> memref<1x100x128xf32, #tpu.memory_space<hbm>>
      %dma_start3A_1626 = tpu.memref_squeeze %dma_start3A_1625 : memref<1x100x128xf32, #tpu.memory_space<hbm>> -> memref<100x128xf32, #tpu.memory_space<hbm>>
      %dma_start3A_1627 = arith.constant 300 : i32
      %dma_start3A_1628 = arith.constant 0 : i32
      %dma_start3A_1629 = tpu.memref_slice %arg10[%dma_start3A_1627, %dma_start3A_1628] : memref<400x128xf32, #tpu.memory_space<vmem>> -> memref<100x128xf32, #tpu.memory_space<vmem>>
      tpu.enqueue_dma source(%dma_start3A_1629 : memref<100x128xf32, #tpu.memory_space<vmem>>) target(%dma_start3A_1626 : memref<100x128xf32, #tpu.memory_space<hbm>>) target_semaphore(%arg14 : memref<!tpu.dma_semaphore, #tpu.memory_space<semaphore_mem>>)
      %dma_wait3A_1630 = arith.constant 0 : i32
      %dma_wait3A_1631 = arith.constant 0 : i32
      %dma_wait3A_1632 = arith.constant 0 : i32
      %dma_wait3A_1633 = tpu.memref_slice %arg9[%dma_wait3A_1631, %dma_wait3A_1632] : memref<400x128xf32, #tpu.memory_space<vmem>> -> memref<100x128xf32, #tpu.memory_space<vmem>>
      %dma_wait3A_1634 = arith.constant 0 : i32
      %dma_wait3A_1635 = arith.constant 0 : i32
      %dma_wait3A_1636 = tpu.memref_slice %arg4[%dma_wait3A_1630, %dma_wait3A_1634, %dma_wait3A_1635] : memref<4096x100x128xf32, #tpu.memory_space<hbm>> -> memref<1x100x128xf32, #tpu.memory_space<hbm>>
      %dma_wait3A_1637 = tpu.memref_squeeze %dma_wait3A_1636 : memref<1x100x128xf32, #tpu.memory_space<hbm>> -> memref<100x128xf32, #tpu.memory_space<hbm>>
      %dma_wait3A_1638 = arith.constant 0 : i32
      %dma_wait3A_1639 = arith.constant 0 : i32
      %dma_wait3A_1640 = tpu.memref_slice %arg4[%dma_wait3A_1630, %dma_wait3A_1638, %dma_wait3A_1639] : memref<4096x100x128xf32, #tpu.memory_space<hbm>> -> memref<1x100x128xf32, #tpu.memory_space<hbm>>
      %dma_wait3A_1641 = tpu.memref_squeeze %dma_wait3A_1640 : memref<1x100x128xf32, #tpu.memory_space<hbm>> -> memref<100x128xf32, #tpu.memory_space<hbm>>
      %dma_wait3A_1642 = arith.constant 0 : i32
      %dma_wait3A_1643 = arith.constant 0 : i32
      %dma_wait3A_1644 = tpu.memref_slice %arg9[%dma_wait3A_1642, %dma_wait3A_1643] : memref<400x128xf32, #tpu.memory_space<vmem>> -> memref<100x128xf32, #tpu.memory_space<vmem>>
      tpu.wait_dma2 semaphore(%arg13 : memref<!tpu.dma_semaphore, #tpu.memory_space<semaphore_mem>>) src(%dma_wait3A_1644 : memref<100x128xf32, #tpu.memory_space<vmem>>) dst(%dma_wait3A_1641 : memref<100x128xf32, #tpu.memory_space<hbm>>)
      %dma_wait3A_1645 = arith.constant 0 : i32
      %dma_wait3A_1646 = arith.constant 100 : i32
      %dma_wait3A_1647 = arith.constant 0 : i32
      %dma_wait3A_1648 = tpu.memref_slice %arg9[%dma_wait3A_1646, %dma_wait3A_1647] : memref<400x128xf32, #tpu.memory_space<vmem>> -> memref<100x128xf32, #tpu.memory_space<vmem>>
      %dma_wait3A_1649 = arith.constant 0 : i32
      %dma_wait3A_1650 = arith.constant 0 : i32
      %dma_wait3A_1651 = tpu.memref_slice %arg4[%dma_wait3A_1645, %dma_wait3A_1649, %dma_wait3A_1650] : memref<4096x100x128xf32, #tpu.memory_space<hbm>> -> memref<1x100x128xf32, #tpu.memory_space<hbm>>
      %dma_wait3A_1652 = tpu.memref_squeeze %dma_wait3A_1651 : memref<1x100x128xf32, #tpu.memory_space<hbm>> -> memref<100x128xf32, #tpu.memory_space<hbm>>
      %dma_wait3A_1653 = arith.constant 0 : i32
      %dma_wait3A_1654 = arith.constant 0 : i32
      %dma_wait3A_1655 = tpu.memref_slice %arg4[%dma_wait3A_1645, %dma_wait3A_1653, %dma_wait3A_1654] : memref<4096x100x128xf32, #tpu.memory_space<hbm>> -> memref<1x100x128xf32, #tpu.memory_space<hbm>>
      %dma_wait3A_1656 = tpu.memref_squeeze %dma_wait3A_1655 : memref<1x100x128xf32, #tpu.memory_space<hbm>> -> memref<100x128xf32, #tpu.memory_space<hbm>>
      %dma_wait3A_1657 = arith.constant 100 : i32
      %dma_wait3A_1658 = arith.constant 0 : i32
      %dma_wait3A_1659 = tpu.memref_slice %arg9[%dma_wait3A_1657, %dma_wait3A_1658] : memref<400x128xf32, #tpu.memory_space<vmem>> -> memref<100x128xf32, #tpu.memory_space<vmem>>
      tpu.wait_dma2 semaphore(%arg13 : memref<!tpu.dma_semaphore, #tpu.memory_space<semaphore_mem>>) src(%dma_wait3A_1659 : memref<100x128xf32, #tpu.memory_space<vmem>>) dst(%dma_wait3A_1656 : memref<100x128xf32, #tpu.memory_space<hbm>>)
      %dma_wait3A_1660 = arith.constant 0 : i32
      %dma_wait3A_1661 = arith.constant 200 : i32
      %dma_wait3A_1662 = arith.constant 0 : i32
      %dma_wait3A_1663 = tpu.memref_slice %arg9[%dma_wait3A_1661, %dma_wait3A_1662] : memref<400x128xf32, #tpu.memory_space<vmem>> -> memref<100x128xf32, #tpu.memory_space<vmem>>
      %dma_wait3A_1664 = arith.constant 0 : i32
      %dma_wait3A_1665 = arith.constant 0 : i32
      %dma_wait3A_1666 = tpu.memref_slice %arg4[%dma_wait3A_1660, %dma_wait3A_1664, %dma_wait3A_1665] : memref<4096x100x128xf32, #tpu.memory_space<hbm>> -> memref<1x100x128xf32, #tpu.memory_space<hbm>>
      %dma_wait3A_1667 = tpu.memref_squeeze %dma_wait3A_1666 : memref<1x100x128xf32, #tpu.memory_space<hbm>> -> memref<100x128xf32, #tpu.memory_space<hbm>>
      %dma_wait3A_1668 = arith.constant 0 : i32
      %dma_wait3A_1669 = arith.constant 0 : i32
      %dma_wait3A_1670 = tpu.memref_slice %arg4[%dma_wait3A_1660, %dma_wait3A_1668, %dma_wait3A_1669] : memref<4096x100x128xf32, #tpu.memory_space<hbm>> -> memref<1x100x128xf32, #tpu.memory_space<hbm>>
      %dma_wait3A_1671 = tpu.memref_squeeze %dma_wait3A_1670 : memref<1x100x128xf32, #tpu.memory_space<hbm>> -> memref<100x128xf32, #tpu.memory_space<hbm>>
      %dma_wait3A_1672 = arith.constant 200 : i32
      %dma_wait3A_1673 = arith.constant 0 : i32
      %dma_wait3A_1674 = tpu.memref_slice %arg9[%dma_wait3A_1672, %dma_wait3A_1673] : memref<400x128xf32, #tpu.memory_space<vmem>> -> memref<100x128xf32, #tpu.memory_space<vmem>>
      tpu.wait_dma2 semaphore(%arg13 : memref<!tpu.dma_semaphore, #tpu.memory_space<semaphore_mem>>) src(%dma_wait3A_1674 : memref<100x128xf32, #tpu.memory_space<vmem>>) dst(%dma_wait3A_1671 : memref<100x128xf32, #tpu.memory_space<hbm>>)
      %dma_wait3A_1675 = arith.constant 0 : i32
      %dma_wait3A_1676 = arith.constant 300 : i32
      %dma_wait3A_1677 = arith.constant 0 : i32
      %dma_wait3A_1678 = tpu.memref_slice %arg9[%dma_wait3A_1676, %dma_wait3A_1677] : memref<400x128xf32, #tpu.memory_space<vmem>> -> memref<100x128xf32, #tpu.memory_space<vmem>>
      %dma_wait3A_1679 = arith.constant 0 : i32
      %dma_wait3A_1680 = arith.constant 0 : i32
      %dma_wait3A_1681 = tpu.memref_slice %arg4[%dma_wait3A_1675, %dma_wait3A_1679, %dma_wait3A_1680] : memref<4096x100x128xf32, #tpu.memory_space<hbm>> -> memref<1x100x128xf32, #tpu.memory_space<hbm>>
      %dma_wait3A_1682 = tpu.memref_squeeze %dma_wait3A_1681 : memref<1x100x128xf32, #tpu.memory_space<hbm>> -> memref<100x128xf32, #tpu.memory_space<hbm>>
      %dma_wait3A_1683 = arith.constant 0 : i32
      %dma_wait3A_1684 = arith.constant 0 : i32
      %dma_wait3A_1685 = tpu.memref_slice %arg4[%dma_wait3A_1675, %dma_wait3A_1683, %dma_wait3A_1684] : memref<4096x100x128xf32, #tpu.memory_space<hbm>> -> memref<1x100x128xf32, #tpu.memory_space<hbm>>
      %dma_wait3A_1686 = tpu.memref_squeeze %dma_wait3A_1685 : memref<1x100x128xf32, #tpu.memory_space<hbm>> -> memref<100x128xf32, #tpu.memory_space<hbm>>
      %dma_wait3A_1687 = arith.constant 300 : i32
      %dma_wait3A_1688 = arith.constant 0 : i32
      %dma_wait3A_1689 = tpu.memref_slice %arg9[%dma_wait3A_1687, %dma_wait3A_1688] : memref<400x128xf32, #tpu.memory_space<vmem>> -> memref<100x128xf32, #tpu.memory_space<vmem>>
      tpu.wait_dma2 semaphore(%arg13 : memref<!tpu.dma_semaphore, #tpu.memory_space<semaphore_mem>>) src(%dma_wait3A_1689 : memref<100x128xf32, #tpu.memory_space<vmem>>) dst(%dma_wait3A_1686 : memref<100x128xf32, #tpu.memory_space<hbm>>)
      %lt3A_1690 = arith.constant 15 : i32
      %lt3A_1691 = arith.cmpi slt, %scan3A_690, %lt3A_1690 : i32
      %convert_element_type3A_1692 = arith.extui %lt3A_1691 : i1 to i32
      %cond3A_1693 = arith.constant 0 : i32
      %cond3A_1694 = arith.cmpi ne, %convert_element_type3A_1692, %cond3A_1693 : i32
      scf.if %cond3A_1694 {
        %dma_start3A_1695 = arith.constant 0 : i32
        %dma_start3A_1696 = arith.constant 0 : i32
        %dma_start3A_1697 = arith.constant 0 : i32
        %dma_start3A_1698 = tpu.memref_slice %arg9[%dma_start3A_1696, %dma_start3A_1697] : memref<400x128xf32, #tpu.memory_space<vmem>> -> memref<80x128xf32, #tpu.memory_space<vmem>>
        %dma_start3A_1699 = arith.constant 0 : i32
        %dma_start3A_1700 = tpu.memref_slice %arg7[%dma_start3A_1695, %dma_start3A_1699] : memref<5x80xi32, #tpu.memory_space<vmem>> -> memref<1x80xi32, #tpu.memory_space<vmem>>
        %dma_start3A_1701 = tpu.memref_squeeze %dma_start3A_1700 : memref<1x80xi32, #tpu.memory_space<vmem>> -> memref<80xi32, #tpu.memory_space<vmem>>
        %dma_start3A_1702 = arith.constant 0 : i32
        %dma_start3A_1703 = arith.constant 0 : i32
        %dma_start3A_1704 = tpu.memref_slice %arg15[%dma_start3A_1702, %dma_start3A_1703] : memref<1000x128xf32, #tpu.memory_space<vmem_shared>> -> memref<1000x128xf32, #tpu.memory_space<vmem_shared>>
        tpu.enqueue_indirect_dma source(%dma_start3A_1704 : memref<1000x128xf32, #tpu.memory_space<vmem_shared>>) target(%dma_start3A_1698 : memref<80x128xf32, #tpu.memory_space<vmem>>) offsets(%dma_start3A_1701 : memref<80xi32, #tpu.memory_space<vmem>>) semaphore(%arg11 : memref<!tpu.dma_semaphore, #tpu.memory_space<semaphore_mem>>)
        %dma_start3A_1705 = arith.constant 1 : i32
        %dma_start3A_1706 = arith.constant 80 : i32
        %dma_start3A_1707 = arith.constant 0 : i32
        %dma_start3A_1708 = tpu.memref_slice %arg9[%dma_start3A_1706, %dma_start3A_1707] : memref<400x128xf32, #tpu.memory_space<vmem>> -> memref<80x128xf32, #tpu.memory_space<vmem>>
        %dma_start3A_1709 = arith.constant 0 : i32
        %dma_start3A_1710 = tpu.memref_slice %arg7[%dma_start3A_1705, %dma_start3A_1709] : memref<5x80xi32, #tpu.memory_space<vmem>> -> memref<1x80xi32, #tpu.memory_space<vmem>>
        %dma_start3A_1711 = tpu.memref_squeeze %dma_start3A_1710 : memref<1x80xi32, #tpu.memory_space<vmem>> -> memref<80xi32, #tpu.memory_space<vmem>>
        %dma_start3A_1712 = arith.constant 0 : i32
        %dma_start3A_1713 = arith.constant 0 : i32
        %dma_start3A_1714 = tpu.memref_slice %arg15[%dma_start3A_1712, %dma_start3A_1713] : memref<1000x128xf32, #tpu.memory_space<vmem_shared>> -> memref<1000x128xf32, #tpu.memory_space<vmem_shared>>
        tpu.enqueue_indirect_dma source(%dma_start3A_1714 : memref<1000x128xf32, #tpu.memory_space<vmem_shared>>) target(%dma_start3A_1708 : memref<80x128xf32, #tpu.memory_space<vmem>>) offsets(%dma_start3A_1711 : memref<80xi32, #tpu.memory_space<vmem>>) semaphore(%arg11 : memref<!tpu.dma_semaphore, #tpu.memory_space<semaphore_mem>>)
        %dma_start3A_1715 = arith.constant 2 : i32
        %dma_start3A_1716 = arith.constant 160 : i32
        %dma_start3A_1717 = arith.constant 0 : i32
        %dma_start3A_1718 = tpu.memref_slice %arg9[%dma_start3A_1716, %dma_start3A_1717] : memref<400x128xf32, #tpu.memory_space<vmem>> -> memref<80x128xf32, #tpu.memory_space<vmem>>
        %dma_start3A_1719 = arith.constant 0 : i32
        %dma_start3A_1720 = tpu.memref_slice %arg7[%dma_start3A_1715, %dma_start3A_1719] : memref<5x80xi32, #tpu.memory_space<vmem>> -> memref<1x80xi32, #tpu.memory_space<vmem>>
        %dma_start3A_1721 = tpu.memref_squeeze %dma_start3A_1720 : memref<1x80xi32, #tpu.memory_space<vmem>> -> memref<80xi32, #tpu.memory_space<vmem>>
        %dma_start3A_1722 = arith.constant 0 : i32
        %dma_start3A_1723 = arith.constant 0 : i32
        %dma_start3A_1724 = tpu.memref_slice %arg15[%dma_start3A_1722, %dma_start3A_1723] : memref<1000x128xf32, #tpu.memory_space<vmem_shared>> -> memref<1000x128xf32, #tpu.memory_space<vmem_shared>>
        tpu.enqueue_indirect_dma source(%dma_start3A_1724 : memref<1000x128xf32, #tpu.memory_space<vmem_shared>>) target(%dma_start3A_1718 : memref<80x128xf32, #tpu.memory_space<vmem>>) offsets(%dma_start3A_1721 : memref<80xi32, #tpu.memory_space<vmem>>) semaphore(%arg11 : memref<!tpu.dma_semaphore, #tpu.memory_space<semaphore_mem>>)
        %dma_start3A_1725 = arith.constant 3 : i32
        %dma_start3A_1726 = arith.constant 240 : i32
        %dma_start3A_1727 = arith.constant 0 : i32
        %dma_start3A_1728 = tpu.memref_slice %arg9[%dma_start3A_1726, %dma_start3A_1727] : memref<400x128xf32, #tpu.memory_space<vmem>> -> memref<80x128xf32, #tpu.memory_space<vmem>>
        %dma_start3A_1729 = arith.constant 0 : i32
        %dma_start3A_1730 = tpu.memref_slice %arg7[%dma_start3A_1725, %dma_start3A_1729] : memref<5x80xi32, #tpu.memory_space<vmem>> -> memref<1x80xi32, #tpu.memory_space<vmem>>
        %dma_start3A_1731 = tpu.memref_squeeze %dma_start3A_1730 : memref<1x80xi32, #tpu.memory_space<vmem>> -> memref<80xi32, #tpu.memory_space<vmem>>
        %dma_start3A_1732 = arith.constant 0 : i32
        %dma_start3A_1733 = arith.constant 0 : i32
        %dma_start3A_1734 = tpu.memref_slice %arg15[%dma_start3A_1732, %dma_start3A_1733] : memref<1000x128xf32, #tpu.memory_space<vmem_shared>> -> memref<1000x128xf32, #tpu.memory_space<vmem_shared>>
        tpu.enqueue_indirect_dma source(%dma_start3A_1734 : memref<1000x128xf32, #tpu.memory_space<vmem_shared>>) target(%dma_start3A_1728 : memref<80x128xf32, #tpu.memory_space<vmem>>) offsets(%dma_start3A_1731 : memref<80xi32, #tpu.memory_space<vmem>>) semaphore(%arg11 : memref<!tpu.dma_semaphore, #tpu.memory_space<semaphore_mem>>)
        %dma_start3A_1735 = arith.constant 4 : i32
        %dma_start3A_1736 = arith.constant 320 : i32
        %dma_start3A_1737 = arith.constant 0 : i32
        %dma_start3A_1738 = tpu.memref_slice %arg9[%dma_start3A_1736, %dma_start3A_1737] : memref<400x128xf32, #tpu.memory_space<vmem>> -> memref<80x128xf32, #tpu.memory_space<vmem>>
        %dma_start3A_1739 = arith.constant 0 : i32
        %dma_start3A_1740 = tpu.memref_slice %arg7[%dma_start3A_1735, %dma_start3A_1739] : memref<5x80xi32, #tpu.memory_space<vmem>> -> memref<1x80xi32, #tpu.memory_space<vmem>>
        %dma_start3A_1741 = tpu.memref_squeeze %dma_start3A_1740 : memref<1x80xi32, #tpu.memory_space<vmem>> -> memref<80xi32, #tpu.memory_space<vmem>>
        %dma_start3A_1742 = arith.constant 0 : i32
        %dma_start3A_1743 = arith.constant 0 : i32
        %dma_start3A_1744 = tpu.memref_slice %arg15[%dma_start3A_1742, %dma_start3A_1743] : memref<1000x128xf32, #tpu.memory_space<vmem_shared>> -> memref<1000x128xf32, #tpu.memory_space<vmem_shared>>
        tpu.enqueue_indirect_dma source(%dma_start3A_1744 : memref<1000x128xf32, #tpu.memory_space<vmem_shared>>) target(%dma_start3A_1738 : memref<80x128xf32, #tpu.memory_space<vmem>>) offsets(%dma_start3A_1741 : memref<80xi32, #tpu.memory_space<vmem>>) semaphore(%arg11 : memref<!tpu.dma_semaphore, #tpu.memory_space<semaphore_mem>>)
      } else {
      }
    }
    %scan3A_630 = arith.constant 16 : i32
    %dma_wait3A = arith.constant 0 : i32
    %dma_wait3A_631 = arith.constant 0 : i32
    %dma_wait3A_632 = arith.constant 0 : i32
    %dma_wait3A_633 = tpu.memref_slice %arg10[%dma_wait3A_631, %dma_wait3A_632] : memref<400x128xf32, #tpu.memory_space<vmem>> -> memref<100x128xf32, #tpu.memory_space<vmem>>
    %dma_wait3A_634 = arith.constant 0 : i32
    %dma_wait3A_635 = arith.constant 0 : i32
    %dma_wait3A_636 = tpu.memref_slice %arg4[%dma_wait3A, %dma_wait3A_634, %dma_wait3A_635] : memref<4096x100x128xf32, #tpu.memory_space<hbm>> -> memref<1x100x128xf32, #tpu.memory_space<hbm>>
    %dma_wait3A_637 = tpu.memref_squeeze %dma_wait3A_636 : memref<1x100x128xf32, #tpu.memory_space<hbm>> -> memref<100x128xf32, #tpu.memory_space<hbm>>
    %dma_wait3A_638 = arith.constant 0 : i32
    %dma_wait3A_639 = arith.constant 0 : i32
    %dma_wait3A_640 = tpu.memref_slice %arg4[%dma_wait3A, %dma_wait3A_638, %dma_wait3A_639] : memref<4096x100x128xf32, #tpu.memory_space<hbm>> -> memref<1x100x128xf32, #tpu.memory_space<hbm>>
    %dma_wait3A_641 = tpu.memref_squeeze %dma_wait3A_640 : memref<1x100x128xf32, #tpu.memory_space<hbm>> -> memref<100x128xf32, #tpu.memory_space<hbm>>
    %dma_wait3A_642 = arith.constant 0 : i32
    %dma_wait3A_643 = arith.constant 0 : i32
    %dma_wait3A_644 = tpu.memref_slice %arg10[%dma_wait3A_642, %dma_wait3A_643] : memref<400x128xf32, #tpu.memory_space<vmem>> -> memref<100x128xf32, #tpu.memory_space<vmem>>
    tpu.wait_dma2 semaphore(%arg14 : memref<!tpu.dma_semaphore, #tpu.memory_space<semaphore_mem>>) src(%dma_wait3A_644 : memref<100x128xf32, #tpu.memory_space<vmem>>) dst(%dma_wait3A_641 : memref<100x128xf32, #tpu.memory_space<hbm>>)
    %dma_wait3A_645 = arith.constant 0 : i32
    %dma_wait3A_646 = arith.constant 100 : i32
    %dma_wait3A_647 = arith.constant 0 : i32
    %dma_wait3A_648 = tpu.memref_slice %arg10[%dma_wait3A_646, %dma_wait3A_647] : memref<400x128xf32, #tpu.memory_space<vmem>> -> memref<100x128xf32, #tpu.memory_space<vmem>>
    %dma_wait3A_649 = arith.constant 0 : i32
    %dma_wait3A_650 = arith.constant 0 : i32
    %dma_wait3A_651 = tpu.memref_slice %arg4[%dma_wait3A_645, %dma_wait3A_649, %dma_wait3A_650] : memref<4096x100x128xf32, #tpu.memory_space<hbm>> -> memref<1x100x128xf32, #tpu.memory_space<hbm>>
    %dma_wait3A_652 = tpu.memref_squeeze %dma_wait3A_651 : memref<1x100x128xf32, #tpu.memory_space<hbm>> -> memref<100x128xf32, #tpu.memory_space<hbm>>
    %dma_wait3A_653 = arith.constant 0 : i32
    %dma_wait3A_654 = arith.constant 0 : i32
    %dma_wait3A_655 = tpu.memref_slice %arg4[%dma_wait3A_645, %dma_wait3A_653, %dma_wait3A_654] : memref<4096x100x128xf32, #tpu.memory_space<hbm>> -> memref<1x100x128xf32, #tpu.memory_space<hbm>>
    %dma_wait3A_656 = tpu.memref_squeeze %dma_wait3A_655 : memref<1x100x128xf32, #tpu.memory_space<hbm>> -> memref<100x128xf32, #tpu.memory_space<hbm>>
    %dma_wait3A_657 = arith.constant 100 : i32
    %dma_wait3A_658 = arith.constant 0 : i32
    %dma_wait3A_659 = tpu.memref_slice %arg10[%dma_wait3A_657, %dma_wait3A_658] : memref<400x128xf32, #tpu.memory_space<vmem>> -> memref<100x128xf32, #tpu.memory_space<vmem>>
    tpu.wait_dma2 semaphore(%arg14 : memref<!tpu.dma_semaphore, #tpu.memory_space<semaphore_mem>>) src(%dma_wait3A_659 : memref<100x128xf32, #tpu.memory_space<vmem>>) dst(%dma_wait3A_656 : memref<100x128xf32, #tpu.memory_space<hbm>>)
    %dma_wait3A_660 = arith.constant 0 : i32
    %dma_wait3A_661 = arith.constant 200 : i32
    %dma_wait3A_662 = arith.constant 0 : i32
    %dma_wait3A_663 = tpu.memref_slice %arg10[%dma_wait3A_661, %dma_wait3A_662] : memref<400x128xf32, #tpu.memory_space<vmem>> -> memref<100x128xf32, #tpu.memory_space<vmem>>
    %dma_wait3A_664 = arith.constant 0 : i32
    %dma_wait3A_665 = arith.constant 0 : i32
    %dma_wait3A_666 = tpu.memref_slice %arg4[%dma_wait3A_660, %dma_wait3A_664, %dma_wait3A_665] : memref<4096x100x128xf32, #tpu.memory_space<hbm>> -> memref<1x100x128xf32, #tpu.memory_space<hbm>>
    %dma_wait3A_667 = tpu.memref_squeeze %dma_wait3A_666 : memref<1x100x128xf32, #tpu.memory_space<hbm>> -> memref<100x128xf32, #tpu.memory_space<hbm>>
    %dma_wait3A_668 = arith.constant 0 : i32
    %dma_wait3A_669 = arith.constant 0 : i32
    %dma_wait3A_670 = tpu.memref_slice %arg4[%dma_wait3A_660, %dma_wait3A_668, %dma_wait3A_669] : memref<4096x100x128xf32, #tpu.memory_space<hbm>> -> memref<1x100x128xf32, #tpu.memory_space<hbm>>
    %dma_wait3A_671 = tpu.memref_squeeze %dma_wait3A_670 : memref<1x100x128xf32, #tpu.memory_space<hbm>> -> memref<100x128xf32, #tpu.memory_space<hbm>>
    %dma_wait3A_672 = arith.constant 200 : i32
    %dma_wait3A_673 = arith.constant 0 : i32
    %dma_wait3A_674 = tpu.memref_slice %arg10[%dma_wait3A_672, %dma_wait3A_673] : memref<400x128xf32, #tpu.memory_space<vmem>> -> memref<100x128xf32, #tpu.memory_space<vmem>>
    tpu.wait_dma2 semaphore(%arg14 : memref<!tpu.dma_semaphore, #tpu.memory_space<semaphore_mem>>) src(%dma_wait3A_674 : memref<100x128xf32, #tpu.memory_space<vmem>>) dst(%dma_wait3A_671 : memref<100x128xf32, #tpu.memory_space<hbm>>)
    %dma_wait3A_675 = arith.constant 0 : i32
    %dma_wait3A_676 = arith.constant 300 : i32
    %dma_wait3A_677 = arith.constant 0 : i32
    %dma_wait3A_678 = tpu.memref_slice %arg10[%dma_wait3A_676, %dma_wait3A_677] : memref<400x128xf32, #tpu.memory_space<vmem>> -> memref<100x128xf32, #tpu.memory_space<vmem>>
    %dma_wait3A_679 = arith.constant 0 : i32
    %dma_wait3A_680 = arith.constant 0 : i32
    %dma_wait3A_681 = tpu.memref_slice %arg4[%dma_wait3A_675, %dma_wait3A_679, %dma_wait3A_680] : memref<4096x100x128xf32, #tpu.memory_space<hbm>> -> memref<1x100x128xf32, #tpu.memory_space<hbm>>
    %dma_wait3A_682 = tpu.memref_squeeze %dma_wait3A_681 : memref<1x100x128xf32, #tpu.memory_space<hbm>> -> memref<100x128xf32, #tpu.memory_space<hbm>>
    %dma_wait3A_683 = arith.constant 0 : i32
    %dma_wait3A_684 = arith.constant 0 : i32
    %dma_wait3A_685 = tpu.memref_slice %arg4[%dma_wait3A_675, %dma_wait3A_683, %dma_wait3A_684] : memref<4096x100x128xf32, #tpu.memory_space<hbm>> -> memref<1x100x128xf32, #tpu.memory_space<hbm>>
    %dma_wait3A_686 = tpu.memref_squeeze %dma_wait3A_685 : memref<1x100x128xf32, #tpu.memory_space<hbm>> -> memref<100x128xf32, #tpu.memory_space<hbm>>
    %dma_wait3A_687 = arith.constant 300 : i32
    %dma_wait3A_688 = arith.constant 0 : i32
    %dma_wait3A_689 = tpu.memref_slice %arg10[%dma_wait3A_687, %dma_wait3A_688] : memref<400x128xf32, #tpu.memory_space<vmem>> -> memref<100x128xf32, #tpu.memory_space<vmem>>
    tpu.wait_dma2 semaphore(%arg14 : memref<!tpu.dma_semaphore, #tpu.memory_space<semaphore_mem>>) src(%dma_wait3A_689 : memref<100x128xf32, #tpu.memory_space<vmem>>) dst(%dma_wait3A_686 : memref<100x128xf32, #tpu.memory_space<hbm>>)
    return
  }
}

module attributes {stable_mosaic.version = 14 : i64} {
  func.func @_fused_body(%arg0: memref<10x32xf32, #tpu.memory_space<vmem>>, %arg1: memref<100x32xf32, #tpu.memory_space<vmem>>, %arg2: memref<128x32xf32, #tpu.memory_space<vmem>>, %arg3: memref<128x32xf32, #tpu.memory_space<vmem>>, %arg4: memref<1x128xf32, #tpu.memory_space<vmem>>, %arg5: memref<1000x128xf32, #tpu.memory_space<vmem>>) attributes {dimension_semantics = [], scalar_prefetch = 0 : i64, scratch_operands = 0 : i64, tpu.core_type = #tpu.core_type<tc>} {
    %get3A = arith.constant 0 : index
    %get3A_0 = arith.constant 0 : index
    %get3A_1 = vector.load %arg0[%get3A, %get3A_0] : memref<10x32xf32, #tpu.memory_space<vmem>>, vector<10x32xf32>
    %get3A_2 = arith.constant 0 : index
    %get3A_3 = arith.constant 0 : index
    %get3A_4 = vector.load %arg2[%get3A_2, %get3A_3] : memref<128x32xf32, #tpu.memory_space<vmem>>, vector<128x32xf32>
    %dot_general3A = arith.constant dense<0.000000e+00> : vector<10x128xf32>
    %dot_general3A_5 = tpu.matmul %get3A_1, %get3A_4, %dot_general3A {dimension_numbers = #tpu.dot_dimension_numbers<[1], [1], [0], [0], [0, 0, 1, 0], [], []>, transpose_lhs_hint = false} : vector<10x32xf32>, vector<128x32xf32>, vector<10x128xf32> -> vector<10x128xf32>
    %get3A_6 = arith.constant 0 : index
    %get3A_7 = arith.constant 0 : index
    %get3A_8 = vector.load %arg1[%get3A_6, %get3A_7] : memref<100x32xf32, #tpu.memory_space<vmem>>, vector<100x32xf32>
    %get3A_9 = arith.constant 0 : index
    %get3A_10 = arith.constant 0 : index
    %get3A_11 = vector.load %arg3[%get3A_9, %get3A_10] : memref<128x32xf32, #tpu.memory_space<vmem>>, vector<128x32xf32>
    %dot_general3A_12 = arith.constant dense<0.000000e+00> : vector<100x128xf32>
    %dot_general3A_13 = tpu.matmul %get3A_8, %get3A_11, %dot_general3A_12 {dimension_numbers = #tpu.dot_dimension_numbers<[1], [1], [0], [0], [0, 0, 1, 0], [], []>, transpose_lhs_hint = false} : vector<100x32xf32>, vector<128x32xf32>, vector<100x128xf32> -> vector<100x128xf32>
    %get3A_14 = arith.constant 0 : index
    %get3A_15 = arith.constant 0 : index
    %get3A_16 = vector.load %arg4[%get3A_14, %get3A_15] : memref<1x128xf32, #tpu.memory_space<vmem>>, vector<1x128xf32>
    %add3A = vector.broadcast %get3A_16 : vector<1x128xf32> to vector<100x128xf32>
    %add3A_17 = arith.addf %dot_general3A_13, %add3A : vector<100x128xf32>
    %broadcast_in_dim3A = vector.shape_cast %dot_general3A_5 : vector<10x128xf32> to vector<10x1x128xf32>
    %broadcast_in_dim3A_18 = vector.shape_cast %add3A_17 : vector<100x128xf32> to vector<1x100x128xf32>
    %add3A_19 = vector.broadcast %broadcast_in_dim3A : vector<10x1x128xf32> to vector<10x100x128xf32>
    %add3A_20 = vector.broadcast %broadcast_in_dim3A_18 : vector<1x100x128xf32> to vector<10x100x128xf32>
    %add3A_21 = arith.addf %add3A_19, %add3A_20 : vector<10x100x128xf32>
    %reshape3A = vector.shape_cast %add3A_21 : vector<10x100x128xf32> to vector<1000x128xf32>
    %swap3A = arith.constant 0 : index
    %swap3A_22 = arith.constant 0 : index
    %swap3A_23 = vector.load %arg5[%swap3A, %swap3A_22] : memref<1000x128xf32, #tpu.memory_space<vmem>>, vector<1000x128xf32>
    tpu.vector_store %arg5[%swap3A, %swap3A_22], %reshape3A {strides = array<i32>} : memref<1000x128xf32, #tpu.memory_space<vmem>>, vector<1000x128xf32>,
    return
  }
}

</mosaic_0001>

<sc_bundles>
// kernel: kernel.4.cloned.1.call-start
scs
__scs_entry_jumppad:
0x0: {  	(pc) =	sbr.rel $0x88, $3  }
0x1: {  	(tag) =	ssettag $0x0;
	lr =	simm.s32 $0x1  }
0x2: {  	[smem:$0x3F9C] =	sst lr;
	_ =	strace $0xD0000000  }
0x3: {  	_ = 	snop  }
0x4: {  	_ = 	snop  }
0x5: {  	_ = 	snop  }
0x6: {  	_ = 	snop  }
0x7: {  	_ = 	snop  }
__scs_overlays_trampoline_lowered:
0x8: {  	[smem:$0x3FAB] =	sst s0  }
0x9: {  	[smem:$0x3FAC] =	sst s1  }
0xa: {  	[smem:$0x3FAD] =	sst s2  }
0xb: {  	[smem:$0x3FAE] =	sst s3  }
0xc: {  	[smem:$0x3FAF] =	sst s4  }
0xd: {  	[smem:$0x3FB0] =	sst s5  }
0xe: {  	[smem:$0x3FB1] =	sst s6  }
0xf: {  	[smem:$0x3FB2] =	sst s7  }
0x10: {  	[smem:$0x3FB3] =	sst s8  }
0x11: {  	[smem:$0x3FB4] =	sst s9;
	s0 =	simm.s32 @!p0 $0x0  }
0x12: {  	s1 =	sld [smem:$0x3F9A];
	s0 =	simm.s32 @p0 $0x1  }
0x13: {  	[smem:$0x3FB5] =	sst s0;
	s0 =	simm.s32 @!p1 $0x0  }
0x14: {  	s2 =	sld [smem:$0x3F99];
	s0 =	simm.s32 @p1 $0x1  }
0x15: {  	[smem:$0x3FB6] =	sst s0;
	s0 =	simm.s32 @!p2 $0x0  }
0x16: {  	s3 =	sld [smem:$0x3FDB];
	s0 =	simm.s32 @p2 $0x1  }
0x17: {  	s4 =	simm.s32 $0x1BF5;
	[smem:$0x3FB8] =	sst s0  }
0x18: {  	s0 =	sld [smem:$0x3F9B];
	_ =	swait.ge [sflag:s4], $0x0  }
0x19: {  	s7 =	sld [smem:$0x3F9C]  }
0x1a: {  	s8 =	sadd.s32 $0xFFFFE003, lr  }
0x1b: {  	s9 =	sadd.s32 $0xFFFFFEF7, lr;
	s5 =	simm.s32 $0xFFFFFFFF;
	p2 =	slt.u32 s8, $0xFFFFF086  }
0x1c: {  	p1 =	slt.u32 s9, $0xF7A;
	s5 =	simm.s32 @!p2 $0x0  }
0x1d: {  	s5 =	simm.s32 @p1 $0x1;
	p0 =	seq.s32 s7, s2  }
0x1e: {  	s7 =	smul.u32 @!p0 $0xF7A, s2;
	p2 =	seq.s32 @!p0 s5, $0x0  }
0x1f: {  	s9 =	smul.u32 $0xF7A, s1;
	s8 =	simm.s32 @!p0 $0x1BF5;
	p2 =	por !p2, p0  }
0x20: {  	[sflag:s8] =	ssyncset.s32 @!p0 $0xFFFFF086;
	s6 =	sadd.s32 @!p0 s3, s7;
	s7 =	simm.s32 @!p0 $0x108  }
0x21: {  	s3 =	sadd.s32 s3, s9;
	s6 =	sadd.s32 @!p0 $0x88, s6;
	s7 =	simm.s32 @p2 $0x1082  }
0x22: {  	[simem:s7], [sflag:s8] =	dma.local @!p0 [hbm:s6], $0xF7A  }
0x23: {  	s9 =	sor.u32 $0xD0000000, s2;
	s6 =	simm.s32 $0x108;
	_ =	swait.ge @!p0 [sflag:s8], $0x0  }
0x24: {  	s3 =	sadd.s32 $0x88, s3;
	s6 =	simm.s32 @!p1 $0x1082;
	[sflag:s4] =	ssyncset.s32 $0xFFFFF086  }
0x25: {  	[simem:s6], [sflag:s4] =	dma.local [hbm:s3], $0xF7A  }
0x26: {  	[smem:$0x3F9C] =	sst s1;
	(tag) =	ssettag s2;
	_ =	strace s9  }
0x27: {  	s1 =	sld [smem:$0x3FAC]  }
0x28: {  	s2 =	sld [smem:$0x3FAD]  }
0x29: {  	s4 =	sld [smem:$0x3FAF]  }
0x2a: {  	p0 =	seq.s32 s5, $0x0;
	s5 =	sld [smem:$0x3FB0]  }
0x2b: {  	s6 =	sld [smem:$0x3FB1]  }
0x2c: {  	s7 =	sld [smem:$0x3FB2]  }
0x2d: {  	s3 =	simm.s32 $0x108;
	s8 =	sld [smem:$0x3FB3]  }
0x2e: {  	s3 =	simm.s32 @!p0 $0x1082;
	s9 =	sld [smem:$0x3FB4]  }
0x2f: {  	lr =	sadd.s32 s0, s3;
	s0 =	sld [smem:$0x3FAB]  }
0x30: {  	s3 =	sld [smem:$0x3FAE]  }
0x31: {  	[smem:$0x3FB7] =	sst s10  }
0x32: {  	s10 =	sld [smem:$0x3FB5];
	_ =	sdelay $0x3  }
0x33: {  	p0 =	seq.s32 s10, $0x1;
	s10 =	sld [smem:$0x3FB7];
	_ =	sdelay $0x3  }
0x34: {  	[smem:$0x3FB7] =	sst s10  }
0x35: {  	s10 =	sld [smem:$0x3FB6];
	_ =	sdelay $0x3  }
0x36: {  	p1 =	seq.s32 s10, $0x1;
	s10 =	sld [smem:$0x3FB7];
	_ =	sdelay $0x3  }
0x37: {  	[smem:$0x3FB7] =	sst s10  }
0x38: {  	s10 =	sld [smem:$0x3FB8]  }
0x39: {  	_ = 	snop;
	(pc) =	sbr.ind lr, $3  }
0x3a: {  	_ = 	snop  }
0x3b: {  	_ = 	snop  }
0x3c: {  	p2 =	seq.s32 s10, $0x1;
	s10 =	sld [smem:$0x3FB7]  }
0x3d: {  	_ =	shalt  }
0x3e: {  	_ =	shalt  }
0x3f: {  	_ =	shalt  }
0x40: {  	_ =	shalt  }
0x41: {  	_ =	shalt  }
0x42: {  	_ =	shalt  }
0x43: {  	_ =	shalt  }
0x44: {  	_ =	shalt  }
0x45: {  	_ =	shalt  }
0x46: {  	_ =	shalt  }
0x47: {  	_ =	shalt  }
0x48: {  	_ =	shalt  }
0x49: {  	_ =	shalt  }
0x4a: {  	_ =	shalt  }
0x4b: {  	_ =	shalt  }
0x4c: {  	_ =	shalt  }
0x4d: {  	_ =	shalt  }
0x4e: {  	_ =	shalt  }
0x4f: {  	_ =	shalt  }
0x50: {  	_ =	shalt  }
0x51: {  	_ =	shalt  }
0x52: {  	_ =	shalt  }
0x53: {  	_ =	shalt  }
0x54: {  	_ =	shalt  }
0x55: {  	_ =	shalt  }
0x56: {  	_ =	shalt  }
0x57: {  	_ =	shalt  }
0x58: {  	_ =	shalt  }
0x59: {  	_ =	shalt  }
0x5a: {  	_ =	shalt  }
0x5b: {  	_ =	shalt  }
0x5c: {  	_ =	shalt  }
0x5d: {  	_ =	shalt  }
0x5e: {  	_ =	shalt  }
0x5f: {  	_ =	shalt  }
0x60: {  	_ =	shalt  }
0x61: {  	_ =	shalt  }
0x62: {  	_ =	shalt  }
0x63: {  	_ =	shalt  }
0x64: {  	_ =	shalt  }
0x65: {  	_ =	shalt  }
0x66: {  	_ =	shalt  }
0x67: {  	_ =	shalt  }
0x68: {  	_ =	shalt  }
0x69: {  	_ =	shalt  }
0x6a: {  	_ =	shalt  }
0x6b: {  	_ =	shalt  }
0x6c: {  	_ =	shalt  }
0x6d: {  	_ =	shalt  }
0x6e: {  	_ =	shalt  }
0x6f: {  	_ =	shalt  }
0x70: {  	_ =	shalt  }
0x71: {  	_ =	shalt  }
0x72: {  	_ =	shalt  }
0x73: {  	_ =	shalt  }
0x74: {  	_ =	shalt  }
0x75: {  	_ =	shalt  }
0x76: {  	_ =	shalt  }
0x77: {  	_ =	shalt  }
0x78: {  	_ =	shalt  }
0x79: {  	_ =	shalt  }
0x7a: {  	_ =	shalt  }
0x7b: {  	_ =	shalt  }
0x7c: {  	_ =	shalt  }
0x7d: {  	_ =	shalt  }
0x7e: {  	_ =	shalt  }
0x7f: {  	_ =	shalt  }
0x80: {  	_ =	shalt  }
0x81: {  	_ =	shalt  }
0x82: {  	_ =	shalt  }
0x83: {  	_ =	shalt  }
0x84: {  	_ =	shalt  }
0x85: {  	_ =	shalt  }
0x86: {  	_ =	shalt  }
0x87: {  	_ =	shalt  }
.Lfunc_end0:
.L_simem_size_0:
called_computation_lowered:
.L_overlay_start_0:
0x88: {  	s2 =	sld [smem:$0x3FD9]  }
0x89: {  	s3 =	sld [smem:$0x3FFE];
	_ =	sdelay $0x1  }
0x8a: {  	s1 =	srdreg.scid  }
0x8b: {  	s0 =	sand.u32 $0x1, s1  }
0x8c: {  	s17 =	sshll.u32 s0, $0xA;
	s2 =	sadd.s32 s3, s2  }
0x8d: {  	s2 =	sadd.s32 s2, s17  }
0x8e: {  	[smem:$0x3FC3] =	sst s2  }
0x8f: {  	_ = 	snop  }
0x90: {  	s2 =	sld [smem:$0x3FD0];
	(tm) =	ssettm $0x1  }
0x91: {  	s18 =	sld [smem:$0x3FFB];
	_ =	sdelay $0x3  }
0x92: {  	_ =	strace s18  }
0x93: {  	s3 =	sld [smem:$0x3FFC];
	_ =	sdelay $0x3  }
0x94: {  	_ =	strace s3  }
0x95: {  	s3 =	sld [smem:$0x3FFD];
	_ =	sdelay $0x3  }
0x96: {  	_ =	strace s3  }
0x97: {  	_ =	strace $0x8FFFFFFF  }
0x98: {  	s19 =	sld [smem:$0x3FDB];
	_ =	sdelay $0x1  }
0x99: {  	s4 =	simm.s32 $_scs_section_size  }
0x9a: {  	s5 =	simm.s32 $_size__tile_overlayer_lowered;
	s6 =	simm.s32 $_tile_overlayer_lowered  }
0x9b: {  	s22 =	simm.s32 $0x1BFF;
	s21 =	sshll.u32 s6, $0x1;
	s3 =	sadd.s32 s4, s19  }
0x9c: {  	s7 =	simm.s32 $0x0;
	s20 =	sshll.u32 s5, $0x1;
	s5 =	sadd.s32 s21, s3  }
0x9d: {  	[timem:s7], [sflag:s22] =	dma.local [hbm:s5], s20  }
0x9e: {  	_ =	swait.ge [sflag:s22], s20  }
0x9f: {  	s4 =	ssub.s32 $0x0, s20;
	[sflag:s22] =	ssyncset.done $0x0  }
0xa0: {  	[sflag:s22] =	ssyncadd.s32 s4;
	_ =	sdelay $0x1  }
0xa1: {  	s23 =	simm.s32 $0x1B8B  }
0xa2: {  	_ =	swait.ge [sflag:s23], $0x1  }
0xa3: {  	[sflag:s23] =	ssyncset.done $0x0  }
0xa4: {  	s25 =	simm.s32 $0x1B8E;
	s24 =	sld [smem:$0x3FFE];
	[sflag:s23] =	ssyncadd.s32 $0xFFFFFFFF  }
0xa5: {  	s26 =	simm.s32 $execute0_lowered;
	[smem:$0x3FD2] =	sst s25  }
0xa6: {  	s5 =	sshll.u32 s26, $0x1;
	_ =	strace $0x80000046;
	[dreg:$0x1] =	wrdreg $0xFFFFFFFF  }
0xa7: {  	s28 =	simm.s32 $_size_execute0_lowered;
	s3 =	sadd.s32 s3, s5;
	[dreg:$0x0] =	wrdreg $0x0  }
0xa8: {  	s5 =	sshll.u32 s28, $0x1;
	[dreg:$0x2] =	wrdreg s3  }
0xa9: {  	[dreg:$0x3] =	wrdreg s5  }
0xaa: {  	[dreg:$0x4] =	wrdreg $0xC0  }
0xab: {  	_ =	task [dreg:s7], $0x5FFFF  }
0xac: {  	[dreg:$0x1] =	wrdreg $0xFFFFFFFF  }
0xad: {  	[dreg:$0x0] =	wrdreg $0x60  }
0xae: {  	[dreg:$0x2] =	wrdreg s2  }
0xaf: {  	[dreg:$0x3] =	wrdreg s24  }
0xb0: {  	[dreg:$0x4] =	wrdreg $0x19C000  }
0xb1: {  	[dreg:$0x5] =	wrdreg $0x9  }
0xb2: {  	_ =	task.clear_ibuf [dreg:s7], $0x6FFFF;
	_ =	strace $0x90000046  }
0xb3: {  	s29 =	simm.s32 $0x9;
	_ =	strace $0x80000048  }
0xb4: {  	_ =	swait.ge [sflag:s29], $0x1  }
0xb5: {  	[sflag:s29] =	ssyncadd.s32 $0xFFFFFFFF  }
0xb6: {  	_ =	strace $0x90000048  }
0xb7: {  	_ =	sfence  }
0xb8: {  	s30 =	sld [smem:$0x0];
	_ =	sdelay $0x2  }
0xb9: {  	s31 =	sshll.u32 s1, $0xD;
	s1 =	sshrl.u32 s1, $0x2  }
0xba: {  	s3 =	sand.u32 $0x4000, s31;
	s1 =	sadd.s32 s1, s30  }
0xbb: {  	s0 =	sor.u32 s3, s0;
	s1 =	sshll.u32 s1, $0x11  }
0xbc: {  	s0 =	sor.u32 s1, s0  }
0xbd: {  	s0 =	sadd.s32 $0x8F2B, s0  }
0xbe: {  	[sflag:s0] =	ssyncadd.remote.s32 $0x1  }
0xbf: {  	_ =	sfence.sel $0xFFFF  }
0xc0: {  	[dreg:$0x0] =	wrdreg $0xFFFFFFFF;
	(pc) =	sbr.abs _section_cstart, $3  }
0xc1: {  	[dreg:$0x1] =	wrdreg $0xFFFFFFFF  }
0xc2: {  	_ =	task.clear_ibuf [dreg:s7], $0x2FFFF;
	_ =	strace $0x9FFFFFFF  }
0xc3: {  	(tm) =	ssettm $0x7FFFFFFF  }
tec
execute0_lowered:
.L_overlay_start_1:
0x0: {  	(tag) =	ssettag $0x1  }
0x1: {  	s0 =	srdreg.scid;
	s1 =	rddreg [dreg:$0x1]  }
0x2: {  	s2 =	rddreg [dreg:$0x2];
	s4 =	stileid.u32;
	s3 =	simm.s32 $0x0  }
0x3: {  	s31 =	simm.s32 $0x1;
	s28 =	simm.s32 $0x13800;
	s8 =	smul.u32 $0x1A0000, s4  }
0x4: {  	s29 =	simm.s32 $0x16A00;
	s30 =	simm.s32 $0x3;
	s11 =	smul.u32 $0x3200, s4  }
0x5: {  	s0 =	sand.u32 $0x1, s0;
	[smem:$0x7FF] =	sst s3;
	s18 =	smul.u32 $0x34000, s4  }
0x6: {  	s15 =	sadd.s32 $0xC00, s1;
	s1 =	sadd.s32 $0xD400, s1;
	s6 =	smul.u32 $0x1A00000, s0  }
0x7: {  	p0 =	sne.s32 s4, $0x0;
	s5 =	sshll.u32 s0, $0x4;
	s10 =	smul.u32 $0x32000, s0  }
0x8: {  	_ =	strace $0x80000047;
	s7 =	ssub.s32 $0x2, s0;
	s0 =	smul.u32 $0x340000, s0  }
0x9: {  	[dreg:$0x4] =	wrdreg s15;
	s5 =	sor.u32 s4, s5;
	s9 =	sshrl.u32 s7, $0x1  }
0xa: {  	v1 =	vimm.s32 $0x32107654;
	v6 =	vimm.s32 $0x63626160;
	s4 =	simm.s32 $0x0;
	s5 =	smul.u32 $0x3200, s5;
	s6 =	sadd.s32 s8, s6  }
0xb: {  	vm0 =	vcmask $0x2F10;
	v7 =	vimm.s32 $0xB0A0908;
	vm14 =	vcmask $0x3F30;
	s7 =	ssub.s32 s7, s9;
	s26 =	sadd.s32 s11, s10;
	s0 =	sadd.s32 s0, s1  }
0xc: {  	v11 =	vimm.s32 $0x76543210;
	v12 =	vimm.s32 $0x5F5E5D5C;
	s25 =	sor.u32 $0x9C00, s6;
	s7 =	smax.u32 s7, $0x1;
	s13 =	sadd.s32 $0x320, s26  }
0xd: {  	v0 =	vlaneseq.u32;
	vm15 =	vcmask $0x1F10;
	v14 =	vimm.s32 $0x5B5A5958;
	s14 =	sor.u32 $0x6800, s6;
	s16 =	sor.u32 $0x3400, s6;
	s19 =	sor.u32 $0x16C00, s6  }
0xe: {  	v3 =	vunpack.c.l.s4.s8 v1;
	v1 =	vor.u32 $0x10, v0;
	v2 =	vor.u32 $0x20, v0;
	s11 =	sadd.s32 s18, s0;
	s21 =	sor.u32 $0x13800, s6;
	s23 =	sor.u32 $0x10400, s6  }
0xf: {  	v4 =	vor.u32 $0x40, v0;
	v16 =	vunpack.c.0.s8.s32 v6;
	v9 =	vunpack.c.0.s8.s32 v7;
	s18 =	simm.s32 $0x50;
	s5 =	sshrl.u32 s5, $0x3;
	[dreg:$0x6] =	wrdreg s7  }
0x10: {  	v7 =	vadd.s32 $0x1C, v0;
	v10 =	vadd.s32 $0x3C, v0;
	v13 =	vunpack.c.l.s4.s8 v11;
	[dreg:$0x7] =	wrdreg s13;
	s17 =	sshrl.u32 s16, $0x3;
	s20 =	sshrl.u32 s19, $0x3  }
0x11: {  	v11 =	vadd.s32 $0x4C, v0;
	v17 =	vunpack.c.0.s8.s32 v12;
	v19 =	vunpack.c.0.s8.s32 v14;
	s22 =	sshrl.u32 s21, $0x3;
	s24 =	sshrl.u32 s23, $0x3;
	s7 =	simm.s32 $0xD400  }
0x12: {  	v14 =	vadd.s32 $0x18, v0;
	v20 =	vadd.s32 $0x14, v0;
	v21 =	vadd.s32 $0x24, v0;
	s19 =	simm.s32 $0x12400;
	s21 =	simm.s32 $0x980;
	s23 =	simm.s32 $0xA00  }
0x13: {  	v22 =	vadd.s32 $0x34, v0;
	v23 =	vadd.s32 $0x44, v0;
	v24 =	vadd.s32 $0x54, v0;
	s5 =	sadd.s32 s15, s5;
	s10 =	sadd.s32 s17, s1;
	s12 =	sadd.s32 s20, s1  }
0x14: {  	v5 =	vunpack.c.0.s8.s32 v3;
	v3 =	vor.u32 $0x30, v0;
	v12 =	vunpack.c.0.s8.s32 v13;
	s13 =	sadd.s32 s22, s1;
	s17 =	simm.s32 $0x5;
	s20 =	simm.s32 $0xC00  }
0x15: {  	v13 =	vimm.s32 $0x3020100;
	v15 =	vsel vm15, v16, v17;
	v19 =	vsel vm15, v17, v19;
	s22 =	simm.s32 $0x14C00;
	[dreg:$0x5] =	wrdreg s5;
	s5 =	sshrl.u32 s25, $0x3  }
.Ltmp0:
0x16: {  	v17 =	vadd.s32 $0x48, v0;
	v18 =	vunpack.c.0.s8.s32 v13;
	v13 =	vadd.s32 $0x8, v0;
	s25 =	sor.u32 $0x190, s26;
	s8 =	sadd.s32 s5, s1;
	(pc) =	sbr.rel .LBB2_1-.Ltmp0, $4  }
0x17: {  	v6 =	vand.u32 $0xF, v5;
	v5 =	vor.u32 $0x50, v0;
	v12 =	vcombine.low v15, v12;
	s5 =	sshrl.u32 s14, $0x3;
	s14 =	sadd.s32 s24, s1;
	s26 =	sshrl.u32 s25, $0x3  }
0x18: {  	v15 =	vadd.s32 $0x28, v0;
	v8 =	vsel vm0, v6, v16;
	v6 =	vadd.s32 $0xC, v0;
	s24 =	simm.s32 $0x17400;
	s25 =	simm.s32 $0x2;
	s0 =	sadd.s32 s26, s15  }
0x19: {  	v18 =	vsel vm15, v18, v16;
	v16 =	vadd.s32 $0x38, v0;
	v8 =	vsel vm14, v9, v8;
	s9 =	sadd.s32 s5, s1;
	[dreg:$0x8] =	wrdreg s0;
	s0 =	sshrl.u32 @!p0 s2, $0x3  }
0x1a: {  	v9 =	vadd.s32 $0x2C, v0;
	v18 =	vcombine.low v19, v18;
	v19 =	vadd.s32 $0x4, v0;
	s15 =	simm.s32 $0x400;
	s26 =	simm.s32 $0x10600;
	[dreg:$0x9] =	wrdreg s0  }
.LBB2_6:
0x1b: {  	s1 =	simm.s32 $0x4  }
0x1c: {  	_ =	swait.ge [sflag:s1], $0x3200  }
0x1d: {  	[sflag:s1] =	ssyncset.done $0x0  }
0x1e: {  	[sflag:s1] =	ssyncadd.s32 $0xFFFFCE00  }
0x1f: {  	_ =	swait.ge [sflag:s1], $0x3200  }
0x20: {  	[sflag:s1] =	ssyncset.done $0x0  }
0x21: {  	[sflag:s1] =	ssyncadd.s32 $0xFFFFCE00  }
0x22: {  	_ =	swait.ge [sflag:s1], $0x3200  }
0x23: {  	[sflag:s1] =	ssyncset.done $0x0  }
0x24: {  	[sflag:s1] =	ssyncadd.s32 $0xFFFFCE00  }
0x25: {  	_ =	swait.ge [sflag:s1], $0x3200  }
0x26: {  	s4 =	rddreg [dreg:$0xa]  }
0x27: {  	s0 =	rddreg [dreg:$0x6];
	s4 =	sadd.s32 $0x1, s4  }
0x28: {  	p1 =	sne.s32 s4, s0  }
.Ltmp1:
0x29: {  	_ = 	snop;
	(pc) =	sbr.rel @!p1 .LBB2_7-.Ltmp1, $3  }
0x2a: {  	_ =	sdelay $0x1  }
0x2b: {  	[sflag:s1] =	ssyncset.done $0x0  }
0x2c: {  	[sflag:s1] =	ssyncadd.s32 $0xFFFFCE00  }
.LBB2_1:
0x2d: {  	[dreg:$0xa] =	wrdreg s4  }
0x2e: {  	s1 =	rddreg [dreg:$0x0]  }
0x2f: {  	s0 =	simm.s32 @!p0 $0x1C05;
	s5 =	rddreg [dreg:$0x9]  }
0x30: {  	[spmem:s5], [sflag:s0] =	dma.local @!p0 [hbm:s1], $0x3E80  }
0x31: {  	s0 =	simm.s32 @!p0 $0x5  }
0x32: {  	_ =	swait.ge @!p0 [sflag:s0], $0x3E80  }
0x33: {  	[sflag:s0] =	ssyncset.done @!p0 $0x0  }
0x34: {  	[sflag:s0] =	ssyncadd.s32 @!p0 $0xFFFFC180  }
0x35: {  	[bflag:$0x0] =	sbarrier.arrive $0xFFFF  }
0x36: {  	s1 =	rddreg [dreg:$0x5]  }
0x37: {  	[tilespmem:s3], [sflag:$0x5] =	stream.linear.gather [hbm4b:s1+s3], $0x190, $0x38;
	[tilespmem:$0x1BB40] =	vst v63  }
0x38: {  	_ =	swait.ge [sflag:s17], $0x190  }
0x39: {  	[sflag:s17] =	ssyncset.done $0x0  }
0x3a: {  	[sflag:s17] =	ssyncadd.s32 $0xFFFFFE70  }
0x3b: {  	v25 =	vld [tilespmem:$0x0]  }
0x3c: {  	v26 =	vld [tilespmem:$0x10]  }
0x3d: {  	v27 =	vld [tilespmem:$0x20]  }
0x3e: {  	v28 =	vld [tilespmem:$0x30]  }
0x3f: {  	v29 =	vld [tilespmem:$0x40]  }
0x40: {  	v30 =	vld [tilespmem:$0x50];
	v25 =	vmul.u32 $0x64, v25  }
0x41: {  	v31 =	vld [tilespmem:$0x60];
	v26 =	vmul.u32 $0x64, v26  }
0x42: {  	v32 =	vld [tilespmem:$0x70];
	v27 =	vmul.u32 $0x64, v27;
	v25 =	vadd.s32 v0, v25  }
0x43: {  	v47 =	vld [tilespmem:$0x80];
	[tilespmem:$0x400] =	vst v25;
	v25 =	vadd.s32 v1, v26;
	v26 =	vmul.u32 $0x64, v28  }
0x44: {  	v48 =	vld [tilespmem:$0x90];
	[tilespmem:$0x410] =	vst v25;
	v25 =	vadd.s32 v2, v27;
	v27 =	vmul.u32 $0x64, v29  }
0x45: {  	v49 =	vld [tilespmem:$0xA0];
	[tilespmem:$0x420] =	vst v25;
	v25 =	vadd.s32 v3, v26;
	v26 =	vmul.u32 $0x64, v30  }
0x46: {  	v50 =	vld [tilespmem:$0xB0];
	[tilespmem:$0x430] =	vst v25;
	v25 =	vadd.s32 v4, v27;
	v27 =	vmul.u32 $0x64, v31  }
0x47: {  	v51 =	vld [tilespmem:$0xC0];
	[tilespmem:$0x440] =	vst v25;
	v25 =	vadd.s32 v5, v26;
	v26 =	vmul.u32 $0x64, v32  }
0x48: {  	v52 =	vld [tilespmem:$0xD0];
	[tilespmem:$0x480] =	vst v25;
	v25 =	vadd.s32 v8, v27;
	v27 =	vmul.u32 $0x64, v47  }
0x49: {  	v53 =	vld [tilespmem:$0xE0];
	[tilespmem:$0x490] =	vst v25;
	v25 =	vadd.s32 v6, v26;
	v26 =	vmul.u32 $0x64, v48  }
0x4a: {  	v54 =	vld [tilespmem:$0xF0];
	[tilespmem:$0x4A0] =	vst v25;
	v25 =	vadd.s32 v7, v27;
	v27 =	vmul.u32 $0x64, v49  }
0x4b: {  	v55 =	vld [tilespmem:$0x100];
	[tilespmem:$0x4B0] =	vst v25;
	v25 =	vadd.s32 v9, v26;
	v26 =	vmul.u32 $0x64, v50  }
0x4c: {  	v56 =	vld [tilespmem:$0x110];
	[tilespmem:$0x4C0] =	vst v25;
	v25 =	vadd.s32 v10, v27;
	v27 =	vmul.u32 $0x64, v51  }
0x4d: {  	v57 =	vld [tilespmem:$0x120];
	[tilespmem:$0x500] =	vst v25;
	v25 =	vadd.s32 v11, v26;
	v26 =	vmul.u32 $0x64, v52  }
0x4e: {  	v58 =	vld [tilespmem:$0x130];
	[tilespmem:$0x510] =	vst v25;
	v25 =	vadd.s32 v12, v27;
	v27 =	vmul.u32 $0x64, v53  }
0x4f: {  	v59 =	vld [tilespmem:$0x140];
	[tilespmem:$0x520] =	vst v25;
	v25 =	vadd.s32 v13, v26;
	v26 =	vmul.u32 $0x64, v54  }
0x50: {  	v60 =	vld [tilespmem:$0x150];
	[tilespmem:$0x530] =	vst v25;
	v25 =	vadd.s32 v14, v27;
	v27 =	vmul.u32 $0x64, v55  }
0x51: {  	v61 =	vld [tilespmem:$0x160];
	[tilespmem:$0x540] =	vst v25;
	v25 =	vadd.s32 v15, v26;
	v26 =	vmul.u32 $0x64, v56  }
0x52: {  	v62 =	vld [tilespmem:$0x170];
	[tilespmem:$0x580] =	vst v25;
	v25 =	vadd.s32 v16, v27;
	v27 =	vmul.u32 $0x64, v57  }
0x53: {  	v63 =	vld [tilespmem:$0x180];
	[tilespmem:$0x590] =	vst v25;
	v25 =	vadd.s32 v17, v26;
	v26 =	vmul.u32 $0x64, v58  }
0x54: {  	[tilespmem:$0x5A0] =	vst v25;
	v25 =	vadd.s32 v18, v27;
	v27 =	vmul.u32 $0x64, v59  }
0x55: {  	[tilespmem:$0x5B0] =	vst v25;
	v25 =	vadd.s32 v19, v26;
	v26 =	vmul.u32 $0x64, v60  }
0x56: {  	[tilespmem:$0x5C0] =	vst v25;
	v25 =	vadd.s32 v20, v27;
	v27 =	vmul.u32 $0x64, v61  }
0x57: {  	[tilespmem:$0x600] =	vst v25;
	v25 =	vadd.s32 v21, v26;
	v26 =	vmul.u32 $0x64, v62  }
0x58: {  	[tilespmem:$0x610] =	vst v25;
	v25 =	vadd.s32 v22, v27;
	v27 =	vmul.u32 $0x64, v63  }
0x59: {  	[tilespmem:$0x620] =	vst v25;
	v25 =	vadd.s32 v23, v26  }
0x5a: {  	[tilespmem:$0x630] =	vst v25;
	v25 =	vadd.s32 v24, v27  }
0x5b: {  	[tilespmem:$0x640] =	vst v25  }
0x5c: {  	[tilespmem:s20], [sflag:$0x1] =	stream.indirect.gather [spmem:s2], $0x80, s15, s18, $0xb8;
	[tilespmem:$0x1BB40] =	vst v63  }
0x5d: {  	s4 =	simm.s32 $0x480;
	s5 =	simm.s32 $0x3400  }
0x5e: {  	[tilespmem:s5], [sflag:$0x1] =	stream.indirect.gather [spmem:s2], $0x80, s4, s18, $0xb8;
	[tilespmem:$0x1BB40] =	vst v63  }
0x5f: {  	s6 =	simm.s32 $0x500;
	s16 =	simm.s32 $0x5C00;
	s0 =	simm.s32 $0x0  }
0x60: {  	[tilespmem:s16], [sflag:$0x1] =	stream.indirect.gather [spmem:s2], $0x80, s6, s18, $0xb8;
	[tilespmem:$0x1BB40] =	vst v63  }
0x61: {  	s1 =	rddreg [dreg:$0x8];
	s4 =	simm.s32 $0x580;
	s5 =	simm.s32 $0x8400  }
0x62: {  	[tilespmem:s5], [sflag:$0x1] =	stream.indirect.gather [spmem:s2], $0x80, s4, s18, $0xb8;
	[tilespmem:$0x1BB40] =	vst v63  }
0x63: {  	s6 =	simm.s32 $0x600;
	s16 =	simm.s32 $0xAC00;
	s5 =	rddreg [dreg:$0x7]  }
0x64: {  	[tilespmem:s16], [sflag:$0x1] =	stream.indirect.gather [spmem:s2], $0x80, s6, s18, $0xb8;
	[tilespmem:$0x1BB40] =	vst v63  }
.LBB2_2:
0x65: {  	s6 =	simm.s32 $0x200  }
0x66: {  	[tilespmem:s6], [sflag:$0x5] =	stream.linear.gather [hbm4b:s1+s3], $0x190, $0x38;
	[tilespmem:$0x1BB40] =	vst v63  }
0x67: {  	_ =	swait.ge [sflag:s17], $0x190  }
0x68: {  	[sflag:s17] =	ssyncset.done $0x0  }
0x69: {  	[sflag:s17] =	ssyncadd.s32 $0xFFFFFE70  }
0x6a: {  	v25 =	vld [tilespmem:$0x200]  }
0x6b: {  	v26 =	vld [tilespmem:$0x210]  }
0x6c: {  	v27 =	vld [tilespmem:$0x220]  }
0x6d: {  	v28 =	vld [tilespmem:$0x230]  }
0x6e: {  	v29 =	vld [tilespmem:$0x240]  }
0x6f: {  	v30 =	vld [tilespmem:$0x250];
	v25 =	vmul.u32 $0x64, v25  }
0x70: {  	v31 =	vld [tilespmem:$0x260];
	v26 =	vmul.u32 $0x64, v26  }
0x71: {  	v32 =	vld [tilespmem:$0x270];
	v27 =	vmul.u32 $0x64, v27;
	v25 =	vadd.s32 v0, v25  }
0x72: {  	v47 =	vld [tilespmem:$0x280];
	[tilespmem:$0x800] =	vst v25;
	v25 =	vadd.s32 v1, v26;
	v26 =	vmul.u32 $0x64, v28  }
0x73: {  	v48 =	vld [tilespmem:$0x290];
	[tilespmem:$0x810] =	vst v25;
	v25 =	vadd.s32 v2, v27;
	v27 =	vmul.u32 $0x64, v29  }
0x74: {  	v49 =	vld [tilespmem:$0x2A0];
	[tilespmem:$0x820] =	vst v25;
	v25 =	vadd.s32 v3, v26;
	v26 =	vmul.u32 $0x64, v30  }
0x75: {  	v50 =	vld [tilespmem:$0x2B0];
	[tilespmem:$0x830] =	vst v25;
	v25 =	vadd.s32 v4, v27;
	v27 =	vmul.u32 $0x64, v31  }
0x76: {  	v51 =	vld [tilespmem:$0x2C0];
	[tilespmem:$0x840] =	vst v25;
	v25 =	vadd.s32 v5, v26;
	v26 =	vmul.u32 $0x64, v32  }
0x77: {  	v52 =	vld [tilespmem:$0x2D0];
	[tilespmem:$0x880] =	vst v25;
	v25 =	vadd.s32 v8, v27;
	v27 =	vmul.u32 $0x64, v47  }
0x78: {  	v53 =	vld [tilespmem:$0x2E0];
	[tilespmem:$0x890] =	vst v25;
	v25 =	vadd.s32 v6, v26;
	v26 =	vmul.u32 $0x64, v48  }
0x79: {  	v54 =	vld [tilespmem:$0x2F0];
	[tilespmem:$0x8A0] =	vst v25;
	v25 =	vadd.s32 v7, v27;
	v27 =	vmul.u32 $0x64, v49  }
0x7a: {  	v55 =	vld [tilespmem:$0x300];
	[tilespmem:$0x8B0] =	vst v25;
	v25 =	vadd.s32 v9, v26;
	v26 =	vmul.u32 $0x64, v50  }
0x7b: {  	v56 =	vld [tilespmem:$0x310];
	[tilespmem:$0x8C0] =	vst v25;
	v25 =	vadd.s32 v10, v27;
	v27 =	vmul.u32 $0x64, v51  }
0x7c: {  	v57 =	vld [tilespmem:$0x320];
	[tilespmem:$0x900] =	vst v25;
	v25 =	vadd.s32 v11, v26;
	v26 =	vmul.u32 $0x64, v52  }
0x7d: {  	v58 =	vld [tilespmem:$0x330];
	[tilespmem:$0x910] =	vst v25;
	v25 =	vadd.s32 v12, v27;
	v27 =	vmul.u32 $0x64, v53  }
0x7e: {  	v59 =	vld [tilespmem:$0x340];
	[tilespmem:$0x920] =	vst v25;
	v25 =	vadd.s32 v13, v26;
	v26 =	vmul.u32 $0x64, v54  }
0x7f: {  	v60 =	vld [tilespmem:$0x350];
	[tilespmem:$0x930] =	vst v25;
	v25 =	vadd.s32 v14, v27;
	v27 =	vmul.u32 $0x64, v55  }
0x80: {  	v61 =	vld [tilespmem:$0x360];
	[tilespmem:$0x940] =	vst v25;
	v25 =	vadd.s32 v15, v26;
	v26 =	vmul.u32 $0x64, v56  }
0x81: {  	v62 =	vld [tilespmem:$0x370];
	[tilespmem:$0x980] =	vst v25;
	v25 =	vadd.s32 v16, v27;
	v27 =	vmul.u32 $0x64, v57  }
0x82: {  	v63 =	vld [tilespmem:$0x380];
	[tilespmem:$0x990] =	vst v25;
	v25 =	vadd.s32 v17, v26;
	v26 =	vmul.u32 $0x64, v58  }
0x83: {  	[tilespmem:$0x9A0] =	vst v25;
	v25 =	vadd.s32 v18, v27;
	v27 =	vmul.u32 $0x64, v59  }
0x84: {  	[tilespmem:$0x9B0] =	vst v25;
	v25 =	vadd.s32 v19, v26;
	v26 =	vmul.u32 $0x64, v60  }
0x85: {  	[tilespmem:$0x9C0] =	vst v25;
	v25 =	vadd.s32 v20, v27;
	v27 =	vmul.u32 $0x64, v61  }
0x86: {  	[tilespmem:$0xA00] =	vst v25;
	v25 =	vadd.s32 v21, v26;
	v26 =	vmul.u32 $0x64, v62  }
0x87: {  	[tilespmem:$0xA10] =	vst v25;
	v25 =	vadd.s32 v22, v27;
	v27 =	vmul.u32 $0x64, v63  }
0x88: {  	[tilespmem:$0xA20] =	vst v25;
	v25 =	vadd.s32 v23, v26  }
0x89: {  	[tilespmem:$0xA30] =	vst v25;
	v25 =	vadd.s32 v24, v27  }
0x8a: {  	[tilespmem:$0xA40] =	vst v25  }
0x8b: {  	_ =	swait.ge [sflag:s31], $0x2800  }
0x8c: {  	[sflag:s31] =	ssyncset.done $0x0  }
0x8d: {  	[sflag:s31] =	ssyncadd.s32 $0xFFFFD800  }
0x8e: {  	_ =	swait.ge [sflag:s31], $0x2800  }
0x8f: {  	[sflag:s31] =	ssyncset.done $0x0  }
0x90: {  	[sflag:s31] =	ssyncadd.s32 $0xFFFFD800  }
0x91: {  	_ =	swait.ge [sflag:s31], $0x2800  }
0x92: {  	[sflag:s31] =	ssyncset.done $0x0  }
0x93: {  	[sflag:s31] =	ssyncadd.s32 $0xFFFFD800  }
0x94: {  	_ =	swait.ge [sflag:s31], $0x2800  }
0x95: {  	[sflag:s31] =	ssyncset.done $0x0  }
0x96: {  	[sflag:s31] =	ssyncadd.s32 $0xFFFFD800  }
0x97: {  	_ =	swait.ge [sflag:s31], $0x2800  }
0x98: {  	[sflag:s31] =	ssyncset.done $0x0  }
0x99: {  	s6 =	sadd.s32 s0, s11;
	[sflag:s31] =	ssyncadd.s32 $0xFFFFD800  }
0x9a: {  	[hbm4b:s6+s3] =	stream.linear.scatter [tilespmem:s20], [sflag:$0x3], $0x3200, $0x38;
	[tilespmem:$0x1BB40] =	vst v63  }
0x9b: {  	s16 =	sadd.s32 s0, s10;
	s4 =	simm.s32 $0x3E00  }
0x9c: {  	[hbm4b:s16+s3] =	stream.linear.scatter [tilespmem:s4], [sflag:$0x3], $0x3200, $0x38;
	[tilespmem:$0x1BB40] =	vst v63  }
0x9d: {  	s16 =	sadd.s32 s0, s9;
	s4 =	simm.s32 $0x7000  }
0x9e: {  	[hbm4b:s16+s3] =	stream.linear.scatter [tilespmem:s4], [sflag:$0x3], $0x3200, $0x38;
	[tilespmem:$0x1BB40] =	vst v63  }
0x9f: {  	p1 =	seq.s32 s0, $0x0;
	s16 =	sadd.s32 s0, s8;
	s4 =	simm.s32 $0xA200  }
0xa0: {  	[hbm4b:s16+s3] =	stream.linear.scatter [tilespmem:s4], [sflag:$0x3], $0x3200, $0x38;
	[tilespmem:$0x1BB40] =	vst v63  }
0xa1: {  	s16 =	simm.s32 @!p1 $0x4  }
0xa2: {  	_ =	swait.ge @!p1 [sflag:s16], $0x3200  }
0xa3: {  	[sflag:s16] =	ssyncset.done @!p1 $0x0  }
0xa4: {  	[sflag:s16] =	ssyncadd.s32 @!p1 $0xFFFFCE00  }
0xa5: {  	_ =	swait.ge @!p1 [sflag:s16], $0x3200  }
0xa6: {  	[sflag:s16] =	ssyncset.done @!p1 $0x0  }
0xa7: {  	[sflag:s16] =	ssyncadd.s32 @!p1 $0xFFFFCE00  }
0xa8: {  	_ =	swait.ge @!p1 [sflag:s16], $0x3200  }
0xa9: {  	[sflag:s16] =	ssyncset.done @!p1 $0x0  }
0xaa: {  	[sflag:s16] =	ssyncadd.s32 @!p1 $0xFFFFCE00  }
0xab: {  	_ =	swait.ge @!p1 [sflag:s16], $0x3200  }
0xac: {  	[sflag:s16] =	ssyncset.done @!p1 $0x0  }
0xad: {  	[sflag:s16] =	ssyncadd.s32 @!p1 $0xFFFFCE00;
	s16 =	simm.s32 $0x800  }
0xae: {  	[tilespmem:s7], [sflag:$0x2] =	stream.indirect.gather [spmem:s2], $0x80, s16, s18, $0xb8;
	[tilespmem:$0x1BB40] =	vst v63  }
0xaf: {  	s4 =	simm.s32 $0x880;
	s16 =	simm.s32 $0xFC00  }
0xb0: {  	[tilespmem:s16], [sflag:$0x2] =	stream.indirect.gather [spmem:s2], $0x80, s4, s18, $0xb8;
	[tilespmem:$0x1BB40] =	vst v63  }
0xb1: {  	p1 =	seq.s32 s0, $0x30C00;
	s16 =	simm.s32 $0x900  }
0xb2: {  	[tilespmem:s19], [sflag:$0x2] =	stream.indirect.gather [spmem:s2], $0x80, s16, s18, $0xb8;
	[tilespmem:$0x1BB40] =	vst v63  }
.Ltmp2:
0xb3: {  	_ = 	snop;
	(pc) =	sbr.rel @p1 .LBB2_4-.Ltmp2, $4  }
0xb4: {  	_ = 	snop  }
0xb5: {  	[tilespmem:s22], [sflag:$0x2] =	stream.indirect.gather [spmem:s2], $0x80, s21, s18, $0xb8;
	[tilespmem:$0x1BB40] =	vst v63  }
0xb6: {  	_ = 	snop  }
0xb7: {  	[tilespmem:s24], [sflag:$0x2] =	stream.indirect.gather [spmem:s2], $0x80, s23, s18, $0xb8;
	[tilespmem:$0x1BB40] =	vst v63  }
0xb8: {  	s16 =	sshrl.u32 s5, $0x3;
	s15 =	rddreg [dreg:$0x4]  }
0xb9: {  	s16 =	sadd.s32 s15, s16  }
0xba: {  	[tilespmem:s3], [sflag:$0x5] =	stream.linear.gather [hbm4b:s16+s3], $0x190, $0x38;
	[tilespmem:$0x1BB40] =	vst v63  }
0xbb: {  	_ =	swait.ge [sflag:s17], $0x190  }
0xbc: {  	[sflag:s17] =	ssyncset.done $0x0  }
0xbd: {  	[sflag:s17] =	ssyncadd.s32 $0xFFFFFE70  }
0xbe: {  	v25 =	vld [tilespmem:$0x0]  }
0xbf: {  	v26 =	vld [tilespmem:$0x10]  }
0xc0: {  	v27 =	vld [tilespmem:$0x20]  }
0xc1: {  	v28 =	vld [tilespmem:$0x30]  }
0xc2: {  	v29 =	vld [tilespmem:$0x40]  }
0xc3: {  	v30 =	vld [tilespmem:$0x50];
	v25 =	vmul.u32 $0x64, v25  }
0xc4: {  	v31 =	vld [tilespmem:$0x60];
	v26 =	vmul.u32 $0x64, v26  }
0xc5: {  	v32 =	vld [tilespmem:$0x70];
	v27 =	vmul.u32 $0x64, v27;
	v25 =	vadd.s32 v0, v25  }
0xc6: {  	v47 =	vld [tilespmem:$0x80];
	[tilespmem:$0x400] =	vst v25;
	v25 =	vadd.s32 v1, v26;
	v26 =	vmul.u32 $0x64, v28  }
0xc7: {  	v48 =	vld [tilespmem:$0x90];
	[tilespmem:$0x410] =	vst v25;
	v25 =	vadd.s32 v2, v27;
	v27 =	vmul.u32 $0x64, v29  }
0xc8: {  	v49 =	vld [tilespmem:$0xA0];
	[tilespmem:$0x420] =	vst v25;
	v25 =	vadd.s32 v3, v26;
	v26 =	vmul.u32 $0x64, v30  }
0xc9: {  	v50 =	vld [tilespmem:$0xB0];
	[tilespmem:$0x430] =	vst v25;
	v25 =	vadd.s32 v4, v27;
	v27 =	vmul.u32 $0x64, v31  }
0xca: {  	v51 =	vld [tilespmem:$0xC0];
	[tilespmem:$0x440] =	vst v25;
	v25 =	vadd.s32 v5, v26;
	v26 =	vmul.u32 $0x64, v32  }
0xcb: {  	v52 =	vld [tilespmem:$0xD0];
	[tilespmem:$0x480] =	vst v25;
	v25 =	vadd.s32 v8, v27;
	v27 =	vmul.u32 $0x64, v47  }
0xcc: {  	v53 =	vld [tilespmem:$0xE0];
	[tilespmem:$0x490] =	vst v25;
	v25 =	vadd.s32 v6, v26;
	v26 =	vmul.u32 $0x64, v48  }
0xcd: {  	v54 =	vld [tilespmem:$0xF0];
	[tilespmem:$0x4A0] =	vst v25;
	v25 =	vadd.s32 v7, v27;
	v27 =	vmul.u32 $0x64, v49  }
0xce: {  	v55 =	vld [tilespmem:$0x100];
	[tilespmem:$0x4B0] =	vst v25;
	v25 =	vadd.s32 v9, v26;
	v26 =	vmul.u32 $0x64, v50  }
0xcf: {  	v56 =	vld [tilespmem:$0x110];
	[tilespmem:$0x4C0] =	vst v25;
	v25 =	vadd.s32 v10, v27;
	v27 =	vmul.u32 $0x64, v51  }
0xd0: {  	v57 =	vld [tilespmem:$0x120];
	[tilespmem:$0x500] =	vst v25;
	v25 =	vadd.s32 v11, v26;
	v26 =	vmul.u32 $0x64, v52  }
0xd1: {  	v58 =	vld [tilespmem:$0x130];
	[tilespmem:$0x510] =	vst v25;
	v25 =	vadd.s32 v12, v27;
	v27 =	vmul.u32 $0x64, v53  }
0xd2: {  	v59 =	vld [tilespmem:$0x140];
	[tilespmem:$0x520] =	vst v25;
	v25 =	vadd.s32 v13, v26;
	v26 =	vmul.u32 $0x64, v54  }
0xd3: {  	v60 =	vld [tilespmem:$0x150];
	[tilespmem:$0x530] =	vst v25;
	v25 =	vadd.s32 v14, v27;
	v27 =	vmul.u32 $0x64, v55  }
0xd4: {  	v61 =	vld [tilespmem:$0x160];
	[tilespmem:$0x540] =	vst v25;
	v25 =	vadd.s32 v15, v26;
	v26 =	vmul.u32 $0x64, v56  }
0xd5: {  	v62 =	vld [tilespmem:$0x170];
	[tilespmem:$0x580] =	vst v25;
	v25 =	vadd.s32 v16, v27;
	v27 =	vmul.u32 $0x64, v57  }
0xd6: {  	v63 =	vld [tilespmem:$0x180];
	[tilespmem:$0x590] =	vst v25;
	v25 =	vadd.s32 v17, v26;
	v26 =	vmul.u32 $0x64, v58  }
0xd7: {  	[tilespmem:$0x5A0] =	vst v25;
	v25 =	vadd.s32 v18, v27;
	v27 =	vmul.u32 $0x64, v59  }
0xd8: {  	[tilespmem:$0x5B0] =	vst v25;
	v25 =	vadd.s32 v19, v26;
	v26 =	vmul.u32 $0x64, v60  }
0xd9: {  	[tilespmem:$0x5C0] =	vst v25;
	v25 =	vadd.s32 v20, v27;
	v27 =	vmul.u32 $0x64, v61  }
0xda: {  	[tilespmem:$0x600] =	vst v25;
	v25 =	vadd.s32 v21, v26;
	v26 =	vmul.u32 $0x64, v62  }
0xdb: {  	[tilespmem:$0x610] =	vst v25;
	v25 =	vadd.s32 v22, v27;
	v27 =	vmul.u32 $0x64, v63  }
0xdc: {  	[tilespmem:$0x620] =	vst v25;
	v25 =	vadd.s32 v23, v26  }
0xdd: {  	[tilespmem:$0x630] =	vst v25;
	v25 =	vadd.s32 v24, v27  }
0xde: {  	s15 =	simm.s32 $0x400;
	[tilespmem:$0x640] =	vst v25  }
.LBB2_4:
0xdf: {  	_ =	swait.ge [sflag:s25], $0x2800  }
0xe0: {  	[sflag:s25] =	ssyncset.done $0x0  }
0xe1: {  	[sflag:s25] =	ssyncadd.s32 $0xFFFFD800  }
0xe2: {  	_ =	swait.ge [sflag:s25], $0x2800  }
0xe3: {  	[sflag:s25] =	ssyncset.done $0x0  }
0xe4: {  	[sflag:s25] =	ssyncadd.s32 $0xFFFFD800  }
0xe5: {  	_ =	swait.ge [sflag:s25], $0x2800  }
0xe6: {  	[sflag:s25] =	ssyncset.done $0x0  }
0xe7: {  	[sflag:s25] =	ssyncadd.s32 $0xFFFFD800  }
0xe8: {  	_ =	swait.ge [sflag:s25], $0x2800  }
0xe9: {  	[sflag:s25] =	ssyncset.done $0x0  }
0xea: {  	[sflag:s25] =	ssyncadd.s32 $0xFFFFD800  }
0xeb: {  	_ =	swait.ge [sflag:s25], $0x2800  }
0xec: {  	[sflag:s25] =	ssyncset.done $0x0  }
0xed: {  	s6 =	sadd.s32 $0x1A00, s6;
	[sflag:s25] =	ssyncadd.s32 $0xFFFFD800  }
0xee: {  	[hbm4b:s6+s3] =	stream.linear.scatter [tilespmem:s7], [sflag:$0x4], $0x3200, $0x38;
	[tilespmem:$0x1BB40] =	vst v63  }
0xef: {  	s16 =	sadd.s32 s0, s14  }
0xf0: {  	[hbm4b:s16+s3] =	stream.linear.scatter [tilespmem:s26], [sflag:$0x4], $0x3200, $0x38;
	[tilespmem:$0x1BB40] =	vst v63  }
0xf1: {  	s4 =	sadd.s32 s0, s13  }
0xf2: {  	[hbm4b:s4+s3] =	stream.linear.scatter [tilespmem:s28], [sflag:$0x4], $0x3200, $0x38;
	[tilespmem:$0x1BB40] =	vst v63  }
0xf3: {  	s16 =	sadd.s32 s0, s12  }
0xf4: {  	[hbm4b:s16+s3] =	stream.linear.scatter [tilespmem:s29], [sflag:$0x4], $0x3200, $0x38;
	[tilespmem:$0x1BB40] =	vst v63  }
0xf5: {  	_ =	swait.ge [sflag:s30], $0x3200  }
0xf6: {  	[sflag:s30] =	ssyncset.done $0x0  }
0xf7: {  	[sflag:s30] =	ssyncadd.s32 $0xFFFFCE00  }
0xf8: {  	_ =	swait.ge [sflag:s30], $0x3200  }
0xf9: {  	[sflag:s30] =	ssyncset.done $0x0  }
0xfa: {  	[sflag:s30] =	ssyncadd.s32 $0xFFFFCE00  }
0xfb: {  	_ =	swait.ge [sflag:s30], $0x3200  }
.Ltmp3:
0xfc: {  	[sflag:s30] =	ssyncset.done $0x0;
	(pc) =	sbr.rel @p1 .LBB2_6-.Ltmp3, $4  }
0xfd: {  	[sflag:s30] =	ssyncadd.s32 $0xFFFFCE00  }
0xfe: {  	_ =	swait.ge [sflag:s30], $0x3200  }
0xff: {  	[sflag:s30] =	ssyncset.done $0x0  }
0x100: {  	[sflag:s30] =	ssyncadd.s32 $0xFFFFCE00  }
0x101: {  	[tilespmem:s20], [sflag:$0x1] =	stream.indirect.gather [spmem:s2], $0x80, s15, s18, $0xb8;
	[tilespmem:$0x1BB40] =	vst v63  }
0x102: {  	s6 =	simm.s32 $0x480;
	s16 =	simm.s32 $0x3400  }
0x103: {  	[tilespmem:s16], [sflag:$0x1] =	stream.indirect.gather [spmem:s2], $0x80, s6, s18, $0xb8;
	[tilespmem:$0x1BB40] =	vst v63  }
0x104: {  	s4 =	simm.s32 $0x5C00;
	s16 =	simm.s32 $0x500  }
0x105: {  	[tilespmem:s4], [sflag:$0x1] =	stream.indirect.gather [spmem:s2], $0x80, s16, s18, $0xb8;
	[tilespmem:$0x1BB40] =	vst v63  }
.Ltmp4:
0x106: {  	s5 =	sadd.s32 $0x320, s5;
	(pc) =	sbr.rel .LBB2_2-.Ltmp4, $4  }
0x107: {  	s0 =	sadd.s32 $0x3400, s0;
	s16 =	simm.s32 $0x580;
	s4 =	simm.s32 $0x8400  }
0x108: {  	[tilespmem:s4], [sflag:$0x1] =	stream.indirect.gather [spmem:s2], $0x80, s16, s18, $0xb8;
	[tilespmem:$0x1BB40] =	vst v63  }
0x109: {  	s1 =	sadd.s32 $0x64, s1;
	s16 =	simm.s32 $0x600;
	s4 =	simm.s32 $0xAC00  }
0x10a: {  	[tilespmem:s4], [sflag:$0x1] =	stream.indirect.gather [spmem:s2], $0x80, s16, s18, $0xb8;
	[tilespmem:$0x1BB40] =	vst v63  }
.LBB2_7:
0x10b: {  	_ =	sfence.sel $0x180000  }
0x10c: {  	[bflag:$0x0] =	sbarrier.arrive $0xFFFF  }
0x10d: {  	_ =	strace $0x90000047  }
0x10e: {  	[bflag:$0x2] =	sbarrier.arrive $0xFFFF  }
0x10f: {  	s0 =	rddreg [dreg:$0x3]  }
0x110: {  	s0 =	sadd.s32 @!p0 $0x100000, s0  }
0x111: {  	[sflag:s0] =	ssyncadd.tile.s32 @!p0 $0x1;
	_ =	shalt  }
.Lfunc_end2:
_tile_overlayer_lowered:
.L_overlay_start_2:
0x112: {  	(tag) =	ssettag $0x2  }
0x113: {  	s0 =	rddreg [dreg:$0x0];
	s2 =	stileid.u32  }
0x114: {  	s1 =	rddreg [dreg:$0x1];
	p0 =	sne.s32 s2, $0x0  }
0x115: {  	s3 =	rddreg [dreg:$0x2];
	[bflag:$0x3] =	sbarrier.arrive $0xFFFF;
	s2 =	simm.s32 @!p0 $0x1C05  }
0x116: {  	[timem:s3], [sflag:s2] =	dma.local @!p0 [hbm:s0], s1  }
0x117: {  	s0 =	simm.s32 @!p0 $0x5  }
0x118: {  	_ =	swait.ge @!p0 [sflag:s0], s1  }
0x119: {  	s1 =	ssub.s32 @!p0 $0x0, s1;
	[sflag:s0] =	ssyncset.done @!p0 $0x0  }
0x11a: {  	[sflag:s0] =	ssyncadd.s32 @!p0 s1  }
0x11b: {  	[bflag:$0x3] =	sbarrier.arrive $0xFFFF  }
0x11c: {  	_ =	shalt  }

</sc_bundles>
